<compile_context>
chip_gen: v7x
topology: tpu7x:2x2x1
jax: 0.10.2.dev20260603
libtpu: 0.0.44.dev20260713+nightly
codegen_flags: <defaults>
</compile_context>

<pallas_src>
import functools

import jax
import jax.numpy as jnp
from jax import lax
from jax.experimental import pallas as pl
from jax.experimental.pallas import tpu as pltpu
from jax.experimental.pallas import tpu_sc as plsc

_N = 10000
_E = 320000
_R = 7
_RN = _R * _N
_TBL = 2 * _RN

_NS = 16
_CH = 125
_NCHUNK = (_E // _NS) // _CH
_IOT = 10
_ROWS_PT = _N // _IOT
_ZR = 40
_GC = 16
_NG = _NCHUNK // _GC

_XB = 2000
_NB = _N // _XB

_EB = 512
_NEB = _E // _EB


_IEC = _E // 32
_ICH = 400
_INC = _IEC // _ICH


def _idx_body(kind_hbm, src_hbm, out_hbm, kindc, srcc, out0, out1):
  c = lax.axis_index("c")
  s = lax.axis_index("s")
  w = s * 2 + c
  lane = lax.iota(jnp.int32, 16)

  def _chunk(ch, carry):
    base = w * _IEC + ch * _ICH
    pltpu.sync_copy(kind_hbm.at[pl.ds(base, _ICH), :], kindc)
    pltpu.sync_copy(src_hbm.at[pl.ds(base, _ICH)], srcc)

    def _vec(i, carry2):
      rows = lane + i * 16
      vs = [plsc.load_gather(kindc, [rows, jnp.full((16,), j, jnp.int32)])
            for j in range(_R)]
      m = vs[0]
      for j in range(1, _R):
        m = jnp.maximum(m, vs[j])
      t = jnp.full((16,), float(_R), jnp.float32)
      for j in range(_R):
        key = jnp.minimum((m - vs[j]) * 1e9, float(_R)) + float(j)
        t = jnp.minimum(t, key)
      g = t.astype(jnp.int32) * _N + srcc[pl.ds(i * 16, 16)]
      out0[pl.ds(i * 16, 16)] = g
      out1[pl.ds(i * 16, 16)] = g + _RN
      return carry2
    lax.fori_loop(0, _ICH // 16, _vec, 0)

    pltpu.sync_copy(out0, out_hbm.at[pl.ds(base, _ICH)])
    pltpu.sync_copy(out1, out_hbm.at[pl.ds(_E + base, _ICH)])
    return carry
  lax.fori_loop(0, _INC, _chunk, 0)


def _edge_idx(kind2d, src):
  mesh = plsc.VectorSubcoreMesh(core_axis_name="c", subcore_axis_name="s")
  k = functools.partial(
      pl.kernel,
      out_type=jax.ShapeDtypeStruct((2 * _E,), jnp.int32),
      mesh=mesh,
      scratch_types=[
          pltpu.VMEM((_ICH, _R), jnp.float32),
          pltpu.VMEM((_ICH,), jnp.int32),
          pltpu.VMEM((_ICH,), jnp.int32),
          pltpu.VMEM((_ICH,), jnp.int32),
      ],
      compiler_params=pltpu.CompilerParams(needs_layout_passes=False),
  )(_idx_body)
  return k(kind2d, src).reshape(2, _E)


def _proj_body(x_ref, w_ref, y_ref):
  h = pl.program_id(1)
  r = pl.program_id(2)
  w = w_ref[h, r]
  xb = x_ref[...].astype(jnp.bfloat16)
  y_ref[...] = jnp.dot(xb, w, preferred_element_type=jnp.float32)


def _proj(x, w2):
  din = x.shape[1]
  nhalf = _RN // _XB
  return pl.pallas_call(
      _proj_body,
      grid=(_NB, 2, _R),
      in_specs=[
          pl.BlockSpec((_XB, din), lambda i, h, r: (i, 0)),
          pl.BlockSpec((2, _R, din, 128), lambda i, h, r: (0, 0, 0, 0)),
      ],
      out_specs=pl.BlockSpec(
          (_XB, 128), lambda i, h, r: (h * nhalf + r * (_N // _XB) + i, 0)),
      out_shape=jax.ShapeDtypeStruct((_TBL, 128), jnp.float32),
  )(x, w2)


def _self_skip_body(x_ref, ws_ref, b_ref, wk_ref, sp_ref, sk_ref):
  xb = x_ref[...]
  sp_ref[...] = jnp.dot(xb, ws_ref[...], preferred_element_type=jnp.float32) + b_ref[...]
  sk_ref[...] = jnp.dot(xb, wk_ref[...], preferred_element_type=jnp.float32)


def _self_skip(x, wself, b, wskip):
  din = x.shape[1]
  return pl.pallas_call(
      _self_skip_body,
      grid=(_NB,),
      in_specs=[
          pl.BlockSpec((_XB, din), lambda i: (i, 0)),
          pl.BlockSpec((din, 256), lambda i: (0, 0)),
          pl.BlockSpec((1, 256), lambda i: (0, 0)),
          pl.BlockSpec((din, 256), lambda i: (0, 0)),
      ],
      out_specs=[
          pl.BlockSpec((_XB, 256), lambda i: (i, 0)),
          pl.BlockSpec((_XB, 256), lambda i: (i, 0)),
      ],
      out_shape=[
          jax.ShapeDtypeStruct((_N, 256), jnp.float32),
          jax.ShapeDtypeStruct((_N, 256), jnp.float32),
      ],
  )(x, wself, b.reshape(1, 256), wskip)


def _self_body(x_ref, ws_ref, b_ref, sp_ref):
  sp_ref[...] = (jnp.dot(x_ref[...], ws_ref[...],
                         preferred_element_type=jnp.float32) + b_ref[...])


def _self_only(x, wself, b):
  din = x.shape[1]
  return pl.pallas_call(
      _self_body,
      grid=(_NB,),
      in_specs=[
          pl.BlockSpec((_XB, din), lambda i: (i, 0)),
          pl.BlockSpec((din, 256), lambda i: (0, 0)),
          pl.BlockSpec((1, 256), lambda i: (0, 0)),
      ],
      out_specs=pl.BlockSpec((_XB, 256), lambda i: (i, 0)),
      out_shape=jax.ShapeDtypeStruct((_N, 256), jnp.float32),
  )(x, wself, b.reshape(1, 256))


def _sc_body(y2_hbm, gidx_hbm, dst_hbm, out_hbm,
             idx2d, dst2d, rows0, rows1, zbuf, acc, sem0, sem1, ssem0, ssem1):
  c = lax.axis_index("c")
  s = lax.axis_index("s")

  @pl.when(s < _IOT)
  def _():
    def _zrow(i, carry):
      for j in range(8):
        zbuf[i, pl.ds(j * 16, 16)] = jnp.zeros((16,), jnp.float32)
      return carry
    lax.fori_loop(0, _ZR, _zrow, 0)
    def _zcopy(k, carry):
      pltpu.sync_copy(zbuf, acc.at[pl.ds(s * _ROWS_PT + k * _ZR, _ZR), :])
      return carry
    lax.fori_loop(0, _ROWS_PT // _ZR, _zcopy, 0)
  plsc.subcore_barrier()

  def _group(g, carry):
    base = s * _NCHUNK + g * _GC
    pltpu.sync_copy(gidx_hbm.at[c, pl.ds(base, _GC), :], idx2d)
    pltpu.sync_copy(dst_hbm.at[pl.ds(base, _GC), :], dst2d)

    def _pipe(t, carry2):
      j0 = t * 2
      j1 = j0 + 1
      d0 = pltpu.async_copy(y2_hbm.at[idx2d.at[j0]], rows0, sem0)
      d1 = pltpu.async_copy(y2_hbm.at[idx2d.at[j1]], rows1, sem1)
      d0.wait()
      s0 = pltpu.async_copy(rows0, acc.at[dst2d.at[j0]], ssem0, add=True)
      d1.wait()
      s1 = pltpu.async_copy(rows1, acc.at[dst2d.at[j1]], ssem1, add=True)
      s0.wait()
      s1.wait()
      return carry2
    lax.fori_loop(0, _GC // 2, _pipe, 0)
    return carry
  lax.fori_loop(0, _NG, _group, 0)
  plsc.subcore_barrier()

  @pl.when(s < _IOT)
  def _():
    pltpu.sync_copy(acc.at[pl.ds(s * _ROWS_PT, _ROWS_PT), :],
                    out_hbm.at[c, pl.ds(s * _ROWS_PT, _ROWS_PT), :])


def _sc_msg(y2, gidx3, dst2):
  mesh = plsc.VectorSubcoreMesh(core_axis_name="c", subcore_axis_name="s")
  k = functools.partial(
      pl.kernel,
      out_type=jax.ShapeDtypeStruct((2, _N, 128), jnp.float32),
      mesh=mesh,
      scratch_types=[
          pltpu.VMEM((_GC, _CH), jnp.int32),
          pltpu.VMEM((_GC, _CH), jnp.int32),
          pltpu.VMEM((_CH, 128), jnp.float32),
          pltpu.VMEM((_CH, 128), jnp.float32),
          pltpu.VMEM((_ZR, 128), jnp.float32),
          pltpu.VMEM_SHARED((_N, 128), jnp.float32),
          pltpu.SemaphoreType.DMA,
          pltpu.SemaphoreType.DMA,
          pltpu.SemaphoreType.DMA,
          pltpu.SemaphoreType.DMA,
      ],
  )(_sc_body)
  return k(y2, gidx3, dst2)


def _stats_body(msg_ref, sp_ref, out_ref, s1, s2):
  i = pl.program_id(0)

  @pl.when(i == 0)
  def _():
    s1[...] = jnp.zeros_like(s1)
    s2[...] = jnp.zeros_like(s2)

  z = msg_ref[...] + sp_ref[...]
  s1[0:1, :] += jnp.sum(z, axis=0, keepdims=True)
  s2[0:1, :] += jnp.sum(z * z, axis=0, keepdims=True)

  @pl.when(i == _NB - 1)
  def _():
    mean = s1[0:1, :] * (1.0 / _N)
    var = s2[0:1, :] * (1.0 / _N) - mean * mean
    out_ref[0:1, :] = mean
    out_ref[1:2, :] = var


def _stats(msg, sp):
  return pl.pallas_call(
      _stats_body,
      grid=(_NB,),
      in_specs=[
          pl.BlockSpec((_XB, 256), lambda i: (i, 0)),
          pl.BlockSpec((_XB, 256), lambda i: (i, 0)),
      ],
      out_specs=pl.BlockSpec((2, 256), lambda i: (0, 0)),
      out_shape=jax.ShapeDtypeStruct((2, 256), jnp.float32),
      scratch_shapes=[
          pltpu.VMEM((8, 256), jnp.float32),
          pltpu.VMEM((8, 256), jnp.float32),
      ],
  )(msg, sp)


def _norm_body(msg_ref, sp_ref, sk_ref, st_ref, g_ref, bt_ref, out_ref):
  z = msg_ref[...] + sp_ref[...]
  mean = st_ref[0:1, :]
  var = st_ref[1:2, :]
  inv = lax.rsqrt(var + 1e-5) * g_ref[...]
  out_ref[...] = jnp.maximum((z - mean) * inv + bt_ref[...], 0.0) + sk_ref[...]


def _norm(msg, sp, sk, st, gamma, beta):
  return pl.pallas_call(
      _norm_body,
      grid=(_NB,),
      in_specs=[
          pl.BlockSpec((_XB, 256), lambda i: (i, 0)),
          pl.BlockSpec((_XB, 256), lambda i: (i, 0)),
          pl.BlockSpec((_XB, 256), lambda i: (i, 0)),
          pl.BlockSpec((2, 256), lambda i: (0, 0)),
          pl.BlockSpec((1, 256), lambda i: (0, 0)),
          pl.BlockSpec((1, 256), lambda i: (0, 0)),
      ],
      out_specs=pl.BlockSpec((_XB, 256), lambda i: (i, 0)),
      out_shape=jax.ShapeDtypeStruct((_N, 256), jnp.float32),
  )(msg, sp, sk, st, gamma.reshape(1, 256), beta.reshape(1, 256))


def _layer(x, w2, wself, b, gamma, beta, wskip, gidx3, dst2):
  y2 = _proj(x, w2)
  if wskip is None:
    sp = _self_only(x, wself, b)
    sk = x
  else:
    sp, sk = _self_skip(x, wself, b, wskip)
  msg2 = _sc_msg(y2, gidx3, dst2)
  msg = msg2.transpose(1, 0, 2).reshape(_N, 256)
  st = _stats(msg, sp)
  return _norm(msg, sp, sk, st, gamma, beta)


def kernel(node_feat, edge_index, kind, W0, Wself0, b0, gamma0, beta0, Wskip0,
           W1, Wself1, b1, gamma1, beta1):
  src = edge_index[0]
  dst = edge_index[1]
  gidx2 = _edge_idx(kind, src)
  gidx3 = gidx2.reshape(2, _E // _CH, _CH)
  dst2 = dst.reshape(_E // _CH, _CH)

  w2_0 = W0.reshape(_R, 128, 2, 128).transpose(2, 0, 1, 3).astype(jnp.bfloat16)
  w2_1 = W1.reshape(_R, 256, 2, 128).transpose(2, 0, 1, 3).astype(jnp.bfloat16)

  x1 = _layer(node_feat, w2_0, Wself0, b0, gamma0, beta0, Wskip0, gidx3, dst2)
  out = _layer(x1, w2_1, Wself1, b1, gamma1, beta1, None, gidx3, dst2)
  return out

# --- scband reference (transcript-rebuilt; emitter-appended) ---
"""Pipeline reference for scband-gear-net-38311108280748 (READ-ONLY COPY).

The authoritative reference and input builder live on the scoring server;
editing this copy changes nothing except your own understanding.
"""

import jax, jax.numpy as jnp
import numpy as np

N = 10000
E = 320000
R = 7
DIN = 128
H0 = 256
H1 = 256


def setup_inputs(seed: int = 0) -> dict:
    key = jax.random.key(seed)
    ks = jax.random.split(key, 16)
    node_feat = jax.random.normal(ks[0], (N, DIN), dtype=jnp.float32)
    edge_index = jax.random.randint(ks[1], (2, E), 0, N, dtype=jnp.int32)
    kind = jax.random.uniform(ks[2], (E, R), dtype=jnp.float32)
    # layer 0 params (in=128 -> out=256), relational weights per edge type
    W0 = jax.random.normal(ks[3], (R, DIN, H0), dtype=jnp.float32) * 0.05
    Wself0 = jax.random.normal(ks[4], (DIN, H0), dtype=jnp.float32) * 0.05
    b0 = jnp.zeros((H0,), dtype=jnp.float32)
    gamma0 = jnp.ones((H0,), dtype=jnp.float32)
    beta0 = jnp.zeros((H0,), dtype=jnp.float32)
    Wskip0 = jax.random.normal(ks[5], (DIN, H0), dtype=jnp.float32) * 0.05
    # layer 1 params (in=256 -> out=256), identity skip
    W1 = jax.random.normal(ks[6], (R, H0, H1), dtype=jnp.float32) * 0.05
    Wself1 = jax.random.normal(ks[7], (H0, H1), dtype=jnp.float32) * 0.05
    b1 = jnp.zeros((H1,), dtype=jnp.float32)
    gamma1 = jnp.ones((H1,), dtype=jnp.float32)
    beta1 = jnp.zeros((H1,), dtype=jnp.float32)
    return {
        'node_feat': node_feat, 'edge_index': edge_index, 'kind': kind,
        'W0': W0, 'Wself0': Wself0, 'b0': b0, 'gamma0': gamma0, 'beta0': beta0, 'Wskip0': Wskip0,
        'W1': W1, 'Wself1': Wself1, 'b1': b1, 'gamma1': gamma1, 'beta1': beta1,
    }


def _gearnet_layer(x, edge_index, edge_type, W, Wself, b, gamma, beta, Wskip):
    # relational graph conv (GearNet style): per-edge-type aggregation + per-type linear
    src = edge_index[0]
    dst = edge_index[1]
    n = x.shape[0]
    r = W.shape[0]
    msg = x[src]                                  # gather [E, d]
    idx = dst * r + edge_type                     # combined (node, relation) segment id
    agg = jax.ops.segment_sum(msg, idx, num_segments=n * r)
    agg = agg.reshape(n, r, -1)                   # [N, R, d]
    out = jnp.einsum('nrd,rdo->no', agg, W) + x @ Wself + b
    # batch norm over nodes (batch statistics, as in training-mode BN)
    mean = jnp.mean(out, axis=0)
    var = jnp.var(out, axis=0)
    out = (out - mean) / jnp.sqrt(var + 1e-5) * gamma + beta
    out = jax.nn.relu(out)
    # skip connection (projected when dims differ); dropout inactive (eval)
    skip = x if Wskip is None else x @ Wskip
    return out + skip


def reference(node_feat, edge_index, kind, W0, Wself0, b0, gamma0, beta0, Wskip0,
              W1, Wself1, b1, gamma1, beta1):
    edge_type = jnp.argmax(kind, axis=1)
    x = _gearnet_layer(node_feat, edge_index, edge_type, W0, Wself0, b0, gamma0, beta0, Wskip0)
    x = _gearnet_layer(x, edge_index, edge_type, W1, Wself1, b1, gamma1, beta1, None)
    return x

if __name__ == "__main__":
    import jax
    _d = setup_inputs()
    print(jax.jit(kernel)(*tuple(_d.values())))

</pallas_src>

<mosaic_0001>
#map = affine_map<(d0, d1) -> (0, 0)>
#map1 = affine_map<(d0, d1) -> (0)>
module attributes {stable_mosaic.version = 14 : i64} {
  func.func @_idx_body(%arg0: i32, %arg1: i32, %arg2: memref<320000x7xf32, #tpu.memory_space<hbm>>, %arg3: memref<320000xi32, #tpu.memory_space<hbm>>, %arg4: memref<640000xi32, #tpu.memory_space<hbm>>, %arg5: memref<400x7xf32, #tpu.memory_space<vmem>>, %arg6: memref<400xi32, #tpu.memory_space<vmem>>, %arg7: memref<400xi32, #tpu.memory_space<vmem>>, %arg8: memref<400xi32, #tpu.memory_space<vmem>>) attributes {dimension_semantics = [#tpu.dimension_semantics<core_parallel>, #tpu.dimension_semantics<subcore_parallel>], iteration_bounds = array<i64: 2, 16>, scalar_prefetch = 0 : i64, scratch_operands = 4 : i64, tpu.core_type = #tpu.core_type<sc_vector_subcore>, window_params = [{transform_indices = #map}, {transform_indices = #map1}, {transform_indices = #map1}]} {
    %mul3A = arith.constant 2 : i32
    %mul3A_0 = arith.muli %arg1, %mul3A : i32
    %add3A = arith.addi %mul3A_0, %arg0 : i32
    %iota3A = tpu.iota {dimensions = array<i32: 0>} : vector<16xi32>
    %scan3A = arith.constant 0 : i32
    %scan3A_1 = arith.constant 0 : i32
    %scan3A_2 = arith.constant 25 : i32
    %scan3A_3 = arith.addi %scan3A_1, %scan3A_2 : i32
    %scan3A_4 = arith.constant 1 : i32
    scf.for %scan3A_6 = %scan3A_1 to %scan3A_3 step %scan3A_4  : i32 {
      %mul3A_7 = arith.constant 10000 : i32
      %mul3A_8 = arith.muli %add3A, %mul3A_7 : i32
      %mul3A_9 = arith.constant 400 : i32
      %mul3A_10 = arith.muli %scan3A_6, %mul3A_9 : i32
      %add3A_11 = arith.addi %mul3A_8, %mul3A_10 : i32
      "tpu.region"() ({
        %run_scoped3A = tpu.sem_alloc : memref<!tpu.dma_semaphore, #tpu.memory_space<semaphore_mem>>
        %dma_start3A = arith.constant 0 : i32
        %dma_start3A_20 = tpu.memref_slice %arg2[%add3A_11, %dma_start3A] : memref<320000x7xf32, #tpu.memory_space<hbm>> -> memref<400x7xf32, #tpu.memory_space<hbm>>
        %dma_start3A_21 = arith.constant 0 : i32
        %dma_start3A_22 = tpu.memref_slice %arg2[%add3A_11, %dma_start3A_21] : memref<320000x7xf32, #tpu.memory_space<hbm>> -> memref<400x7xf32, #tpu.memory_space<hbm>>
        tpu.enqueue_dma source(%dma_start3A_22 : memref<400x7xf32, #tpu.memory_space<hbm>>) target(%arg5 : memref<400x7xf32, #tpu.memory_space<vmem>>) target_semaphore(%run_scoped3A : memref<!tpu.dma_semaphore, #tpu.memory_space<semaphore_mem>>)
        %dma_wait3A = arith.constant 0 : i32
        %dma_wait3A_23 = tpu.memref_slice %arg2[%add3A_11, %dma_wait3A] : memref<320000x7xf32, #tpu.memory_space<hbm>> -> memref<400x7xf32, #tpu.memory_space<hbm>>
        %dma_wait3A_24 = arith.constant 0 : i32
        %dma_wait3A_25 = tpu.memref_slice %arg2[%add3A_11, %dma_wait3A_24] : memref<320000x7xf32, #tpu.memory_space<hbm>> -> memref<400x7xf32, #tpu.memory_space<hbm>>
        tpu.wait_dma2 semaphore(%run_scoped3A : memref<!tpu.dma_semaphore, #tpu.memory_space<semaphore_mem>>) src(%dma_wait3A_25 : memref<400x7xf32, #tpu.memory_space<hbm>>) dst(%arg5 : memref<400x7xf32, #tpu.memory_space<vmem>>)
        tpu.yield
      }) : () -> ()
      "tpu.region"() ({
        %run_scoped3A = tpu.sem_alloc : memref<!tpu.dma_semaphore, #tpu.memory_space<semaphore_mem>>
        %dma_start3A = tpu.memref_slice %arg3[%add3A_11] : memref<320000xi32, #tpu.memory_space<hbm>> -> memref<400xi32, #tpu.memory_space<hbm>>
        %dma_start3A_20 = tpu.memref_slice %arg3[%add3A_11] : memref<320000xi32, #tpu.memory_space<hbm>> -> memref<400xi32, #tpu.memory_space<hbm>>
        tpu.enqueue_dma source(%dma_start3A_20 : memref<400xi32, #tpu.memory_space<hbm>>) target(%arg6 : memref<400xi32, #tpu.memory_space<vmem>>) target_semaphore(%run_scoped3A : memref<!tpu.dma_semaphore, #tpu.memory_space<semaphore_mem>>)
        %dma_wait3A = tpu.memref_slice %arg3[%add3A_11] : memref<320000xi32, #tpu.memory_space<hbm>> -> memref<400xi32, #tpu.memory_space<hbm>>
        %dma_wait3A_21 = tpu.memref_slice %arg3[%add3A_11] : memref<320000xi32, #tpu.memory_space<hbm>> -> memref<400xi32, #tpu.memory_space<hbm>>
        tpu.wait_dma2 semaphore(%run_scoped3A : memref<!tpu.dma_semaphore, #tpu.memory_space<semaphore_mem>>) src(%dma_wait3A_21 : memref<400xi32, #tpu.memory_space<hbm>>) dst(%arg6 : memref<400xi32, #tpu.memory_space<vmem>>)
        tpu.yield
      }) : () -> ()
      %scan3A_12 = arith.constant 0 : i32
      %scan3A_13 = arith.constant 0 : i32
      %scan3A_14 = arith.constant 25 : i32
      %scan3A_15 = arith.addi %scan3A_13, %scan3A_14 : i32
      %scan3A_16 = arith.constant 1 : i32
      scf.for %scan3A_20 = %scan3A_13 to %scan3A_15 step %scan3A_16  : i32 {
        %mul3A_21 = arith.constant 16 : i32
        %mul3A_22 = arith.muli %scan3A_20, %mul3A_21 : i32
        %add3A_23 = vector.broadcast %mul3A_22 : i32 to vector<16xi32>
        %add3A_24 = arith.addi %iota3A, %add3A_23 : vector<16xi32>
        %broadcast_in_dim3A = arith.constant 0 : i32
        %broadcast_in_dim3A_25 = vector.broadcast %broadcast_in_dim3A : i32 to vector<16xi32>
        %gather3A = tpu.vector_load_idx %arg5[%add3A_24, %broadcast_in_dim3A_25] : memref<400x7xf32, #tpu.memory_space<vmem>>[vector<16xi32>, vector<16xi32>], vector<16xf32>,
        %broadcast_in_dim3A_26 = arith.constant 1 : i32
        %broadcast_in_dim3A_27 = vector.broadcast %broadcast_in_dim3A_26 : i32 to vector<16xi32>
        %gather3A_28 = tpu.vector_load_idx %arg5[%add3A_24, %broadcast_in_dim3A_27] : memref<400x7xf32, #tpu.memory_space<vmem>>[vector<16xi32>, vector<16xi32>], vector<16xf32>,
        %broadcast_in_dim3A_29 = arith.constant 2 : i32
        %broadcast_in_dim3A_30 = vector.broadcast %broadcast_in_dim3A_29 : i32 to vector<16xi32>
        %gather3A_31 = tpu.vector_load_idx %arg5[%add3A_24, %broadcast_in_dim3A_30] : memref<400x7xf32, #tpu.memory_space<vmem>>[vector<16xi32>, vector<16xi32>], vector<16xf32>,
        %broadcast_in_dim3A_32 = arith.constant 3 : i32
        %broadcast_in_dim3A_33 = vector.broadcast %broadcast_in_dim3A_32 : i32 to vector<16xi32>
        %gather3A_34 = tpu.vector_load_idx %arg5[%add3A_24, %broadcast_in_dim3A_33] : memref<400x7xf32, #tpu.memory_space<vmem>>[vector<16xi32>, vector<16xi32>], vector<16xf32>,
        %broadcast_in_dim3A_35 = arith.constant 4 : i32
        %broadcast_in_dim3A_36 = vector.broadcast %broadcast_in_dim3A_35 : i32 to vector<16xi32>
        %gather3A_37 = tpu.vector_load_idx %arg5[%add3A_24, %broadcast_in_dim3A_36] : memref<400x7xf32, #tpu.memory_space<vmem>>[vector<16xi32>, vector<16xi32>], vector<16xf32>,
        %broadcast_in_dim3A_38 = arith.constant 5 : i32
        %broadcast_in_dim3A_39 = vector.broadcast %broadcast_in_dim3A_38 : i32 to vector<16xi32>
        %gather3A_40 = tpu.vector_load_idx %arg5[%add3A_24, %broadcast_in_dim3A_39] : memref<400x7xf32, #tpu.memory_space<vmem>>[vector<16xi32>, vector<16xi32>], vector<16xf32>,
        %broadcast_in_dim3A_41 = arith.constant 6 : i32
        %broadcast_in_dim3A_42 = vector.broadcast %broadcast_in_dim3A_41 : i32 to vector<16xi32>
        %gather3A_43 = tpu.vector_load_idx %arg5[%add3A_24, %broadcast_in_dim3A_42] : memref<400x7xf32, #tpu.memory_space<vmem>>[vector<16xi32>, vector<16xi32>], vector<16xf32>,
        %max3A = arith.maximumf %gather3A, %gather3A_28 : vector<16xf32>
        %max3A_44 = arith.maximumf %max3A, %gather3A_31 : vector<16xf32>
        %max3A_45 = arith.maximumf %max3A_44, %gather3A_34 : vector<16xf32>
        %max3A_46 = arith.maximumf %max3A_45, %gather3A_37 : vector<16xf32>
        %max3A_47 = arith.maximumf %max3A_46, %gather3A_40 : vector<16xf32>
        %max3A_48 = arith.maximumf %max3A_47, %gather3A_43 : vector<16xf32>
        %broadcast_in_dim3A_49 = arith.constant 7.000000e+00 : f32
        %broadcast_in_dim3A_50 = vector.broadcast %broadcast_in_dim3A_49 : f32 to vector<16xf32>
        %sub3A = arith.subf %max3A_48, %gather3A : vector<16xf32>
        %mul3A_51 = arith.constant 1.000000e+09 : f32
        %mul3A_52 = vector.broadcast %mul3A_51 : f32 to vector<16xf32>
        %mul3A_53 = arith.mulf %sub3A, %mul3A_52 : vector<16xf32>
        %min3A = arith.constant 7.000000e+00 : f32
        %min3A_54 = vector.broadcast %min3A : f32 to vector<16xf32>
        %min3A_55 = arith.minimumf %mul3A_53, %min3A_54 : vector<16xf32>
        %add3A_56 = arith.constant 0.000000e+00 : f32
        %add3A_57 = vector.broadcast %add3A_56 : f32 to vector<16xf32>
        %add3A_58 = arith.addf %min3A_55, %add3A_57 : vector<16xf32>
        %min3A_59 = arith.minimumf %broadcast_in_dim3A_50, %add3A_58 : vector<16xf32>
        %sub3A_60 = arith.subf %max3A_48, %gather3A_28 : vector<16xf32>
        %mul3A_61 = arith.constant 1.000000e+09 : f32
        %mul3A_62 = vector.broadcast %mul3A_61 : f32 to vector<16xf32>
        %mul3A_63 = arith.mulf %sub3A_60, %mul3A_62 : vector<16xf32>
        %min3A_64 = arith.constant 7.000000e+00 : f32
        %min3A_65 = vector.broadcast %min3A_64 : f32 to vector<16xf32>
        %min3A_66 = arith.minimumf %mul3A_63, %min3A_65 : vector<16xf32>
        %add3A_67 = arith.constant 1.000000e+00 : f32
        %add3A_68 = vector.broadcast %add3A_67 : f32 to vector<16xf32>
        %add3A_69 = arith.addf %min3A_66, %add3A_68 : vector<16xf32>
        %min3A_70 = arith.minimumf %min3A_59, %add3A_69 : vector<16xf32>
        %sub3A_71 = arith.subf %max3A_48, %gather3A_31 : vector<16xf32>
        %mul3A_72 = arith.constant 1.000000e+09 : f32
        %mul3A_73 = vector.broadcast %mul3A_72 : f32 to vector<16xf32>
        %mul3A_74 = arith.mulf %sub3A_71, %mul3A_73 : vector<16xf32>
        %min3A_75 = arith.constant 7.000000e+00 : f32
        %min3A_76 = vector.broadcast %min3A_75 : f32 to vector<16xf32>
        %min3A_77 = arith.minimumf %mul3A_74, %min3A_76 : vector<16xf32>
        %add3A_78 = arith.constant 2.000000e+00 : f32
        %add3A_79 = vector.broadcast %add3A_78 : f32 to vector<16xf32>
        %add3A_80 = arith.addf %min3A_77, %add3A_79 : vector<16xf32>
        %min3A_81 = arith.minimumf %min3A_70, %add3A_80 : vector<16xf32>
        %sub3A_82 = arith.subf %max3A_48, %gather3A_34 : vector<16xf32>
        %mul3A_83 = arith.constant 1.000000e+09 : f32
        %mul3A_84 = vector.broadcast %mul3A_83 : f32 to vector<16xf32>
        %mul3A_85 = arith.mulf %sub3A_82, %mul3A_84 : vector<16xf32>
        %min3A_86 = arith.constant 7.000000e+00 : f32
        %min3A_87 = vector.broadcast %min3A_86 : f32 to vector<16xf32>
        %min3A_88 = arith.minimumf %mul3A_85, %min3A_87 : vector<16xf32>
        %add3A_89 = arith.constant 3.000000e+00 : f32
        %add3A_90 = vector.broadcast %add3A_89 : f32 to vector<16xf32>
        %add3A_91 = arith.addf %min3A_88, %add3A_90 : vector<16xf32>
        %min3A_92 = arith.minimumf %min3A_81, %add3A_91 : vector<16xf32>
        %sub3A_93 = arith.subf %max3A_48, %gather3A_37 : vector<16xf32>
        %mul3A_94 = arith.constant 1.000000e+09 : f32
        %mul3A_95 = vector.broadcast %mul3A_94 : f32 to vector<16xf32>
        %mul3A_96 = arith.mulf %sub3A_93, %mul3A_95 : vector<16xf32>
        %min3A_97 = arith.constant 7.000000e+00 : f32
        %min3A_98 = vector.broadcast %min3A_97 : f32 to vector<16xf32>
        %min3A_99 = arith.minimumf %mul3A_96, %min3A_98 : vector<16xf32>
        %add3A_100 = arith.constant 4.000000e+00 : f32
        %add3A_101 = vector.broadcast %add3A_100 : f32 to vector<16xf32>
        %add3A_102 = arith.addf %min3A_99, %add3A_101 : vector<16xf32>
        %min3A_103 = arith.minimumf %min3A_92, %add3A_102 : vector<16xf32>
        %sub3A_104 = arith.subf %max3A_48, %gather3A_40 : vector<16xf32>
        %mul3A_105 = arith.constant 1.000000e+09 : f32
        %mul3A_106 = vector.broadcast %mul3A_105 : f32 to vector<16xf32>
        %mul3A_107 = arith.mulf %sub3A_104, %mul3A_106 : vector<16xf32>
        %min3A_108 = arith.constant 7.000000e+00 : f32
        %min3A_109 = vector.broadcast %min3A_108 : f32 to vector<16xf32>
        %min3A_110 = arith.minimumf %mul3A_107, %min3A_109 : vector<16xf32>
        %add3A_111 = arith.constant 5.000000e+00 : f32
        %add3A_112 = vector.broadcast %add3A_111 : f32 to vector<16xf32>
        %add3A_113 = arith.addf %min3A_110, %add3A_112 : vector<16xf32>
        %min3A_114 = arith.minimumf %min3A_103, %add3A_113 : vector<16xf32>
        %sub3A_115 = arith.subf %max3A_48, %gather3A_43 : vector<16xf32>
        %mul3A_116 = arith.constant 1.000000e+09 : f32
        %mul3A_117 = vector.broadcast %mul3A_116 : f32 to vector<16xf32>
        %mul3A_118 = arith.mulf %sub3A_115, %mul3A_117 : vector<16xf32>
        %min3A_119 = arith.constant 7.000000e+00 : f32
        %min3A_120 = vector.broadcast %min3A_119 : f32 to vector<16xf32>
        %min3A_121 = arith.minimumf %mul3A_118, %min3A_120 : vector<16xf32>
        %add3A_122 = arith.constant 6.000000e+00 : f32
        %add3A_123 = vector.broadcast %add3A_122 : f32 to vector<16xf32>
        %add3A_124 = arith.addf %min3A_121, %add3A_123 : vector<16xf32>
        %min3A_125 = arith.minimumf %min3A_114, %add3A_124 : vector<16xf32>
        %convert_element_type3A = arith.fptosi %min3A_125 : vector<16xf32> to vector<16xi32>
        %mul3A_126 = arith.constant 10000 : i32
        %mul3A_127 = vector.broadcast %mul3A_126 : i32 to vector<16xi32>
        %mul3A_128 = arith.muli %convert_element_type3A, %mul3A_127 : vector<16xi32>
        %mul3A_129 = arith.constant 16 : i32
        %mul3A_130 = arith.muli %scan3A_20, %mul3A_129 : i32
        %get3A = arith.index_cast %mul3A_130 : i32 to index
        %get3A_131 = tpu.vector_load %arg6[%get3A] {strides = array<i32>} : memref<400xi32, #tpu.memory_space<vmem>>, vector<16xi32>,
        %add3A_132 = arith.addi %mul3A_128, %get3A_131 : vector<16xi32>
        %mul3A_133 = arith.constant 16 : i32
        %mul3A_134 = arith.muli %scan3A_20, %mul3A_133 : i32
        %swap3A = arith.index_cast %mul3A_134 : i32 to index
        %swap3A_135 = tpu.vector_load %arg7[%swap3A] {strides = array<i32>} : memref<400xi32, #tpu.memory_space<vmem>>, vector<16xi32>,
        tpu.vector_store %arg7[%swap3A], %add3A_132 {strides = array<i32>} : memref<400xi32, #tpu.memory_space<vmem>>, vector<16xi32>,
        %add3A_136 = arith.constant 70000 : i32
        %add3A_137 = vector.broadcast %add3A_136 : i32 to vector<16xi32>
        %add3A_138 = arith.addi %add3A_132, %add3A_137 : vector<16xi32>
        %mul3A_139 = arith.constant 16 : i32
        %mul3A_140 = arith.muli %scan3A_20, %mul3A_139 : i32
        %swap3A_141 = arith.index_cast %mul3A_140 : i32 to index
        %swap3A_142 = tpu.vector_load %arg8[%swap3A_141] {strides = array<i32>} : memref<400xi32, #tpu.memory_space<vmem>>, vector<16xi32>,
        tpu.vector_store %arg8[%swap3A_141], %add3A_138 {strides = array<i32>} : memref<400xi32, #tpu.memory_space<vmem>>, vector<16xi32>,
      }
      %scan3A_17 = arith.constant 25 : i32
      "tpu.region"() ({
        %run_scoped3A = tpu.sem_alloc : memref<!tpu.dma_semaphore, #tpu.memory_space<semaphore_mem>>
        %dma_start3A = tpu.memref_slice %arg4[%add3A_11] : memref<640000xi32, #tpu.memory_space<hbm>> -> memref<400xi32, #tpu.memory_space<hbm>>
        %dma_start3A_20 = tpu.memref_slice %arg4[%add3A_11] : memref<640000xi32, #tpu.memory_space<hbm>> -> memref<400xi32, #tpu.memory_space<hbm>>
        tpu.enqueue_dma source(%arg7 : memref<400xi32, #tpu.memory_space<vmem>>) target(%dma_start3A_20 : memref<400xi32, #tpu.memory_space<hbm>>) target_semaphore(%run_scoped3A : memref<!tpu.dma_semaphore, #tpu.memory_space<semaphore_mem>>)
        %dma_wait3A = tpu.memref_slice %arg4[%add3A_11] : memref<640000xi32, #tpu.memory_space<hbm>> -> memref<400xi32, #tpu.memory_space<hbm>>
        %dma_wait3A_21 = tpu.memref_slice %arg4[%add3A_11] : memref<640000xi32, #tpu.memory_space<hbm>> -> memref<400xi32, #tpu.memory_space<hbm>>
        tpu.wait_dma2 semaphore(%run_scoped3A : memref<!tpu.dma_semaphore, #tpu.memory_space<semaphore_mem>>) src(%arg7 : memref<400xi32, #tpu.memory_space<vmem>>) dst(%dma_wait3A_21 : memref<400xi32, #tpu.memory_space<hbm>>)
        tpu.yield
      }) : () -> ()
      %add3A_18 = arith.constant 320000 : i32
      %add3A_19 = arith.addi %add3A_18, %add3A_11 : i32
      "tpu.region"() ({
        %run_scoped3A = tpu.sem_alloc : memref<!tpu.dma_semaphore, #tpu.memory_space<semaphore_mem>>
        %dma_start3A = tpu.memref_slice %arg4[%add3A_19] : memref<640000xi32, #tpu.memory_space<hbm>> -> memref<400xi32, #tpu.memory_space<hbm>>
        %dma_start3A_20 = tpu.memref_slice %arg4[%add3A_19] : memref<640000xi32, #tpu.memory_space<hbm>> -> memref<400xi32, #tpu.memory_space<hbm>>
        tpu.enqueue_dma source(%arg8 : memref<400xi32, #tpu.memory_space<vmem>>) target(%dma_start3A_20 : memref<400xi32, #tpu.memory_space<hbm>>) target_semaphore(%run_scoped3A : memref<!tpu.dma_semaphore, #tpu.memory_space<semaphore_mem>>)
        %dma_wait3A = tpu.memref_slice %arg4[%add3A_19] : memref<640000xi32, #tpu.memory_space<hbm>> -> memref<400xi32, #tpu.memory_space<hbm>>
        %dma_wait3A_21 = tpu.memref_slice %arg4[%add3A_19] : memref<640000xi32, #tpu.memory_space<hbm>> -> memref<400xi32, #tpu.memory_space<hbm>>
        tpu.wait_dma2 semaphore(%run_scoped3A : memref<!tpu.dma_semaphore, #tpu.memory_space<semaphore_mem>>) src(%arg8 : memref<400xi32, #tpu.memory_space<vmem>>) dst(%dma_wait3A_21 : memref<400xi32, #tpu.memory_space<hbm>>)
        tpu.yield
      }) : () -> ()
    }
    %scan3A_5 = arith.constant 25 : i32
    return
  }
}

#map = affine_map<(d0, d1) -> (0, 0)>
#map1 = affine_map<(d0, d1) -> (0, 0, 0)>
module attributes {stable_mosaic.version = 14 : i64} {
  func.func @_sc_body(%arg0: i32, %arg1: i32, %arg2: memref<140000x128xf32, #tpu.memory_space<hbm>>, %arg3: memref<2x2560x125xi32, #tpu.memory_space<hbm>>, %arg4: memref<2560x125xi32, #tpu.memory_space<hbm>>, %arg5: memref<2x10000x128xf32, #tpu.memory_space<hbm>>, %arg6: memref<16x125xi32, #tpu.memory_space<vmem>>, %arg7: memref<16x125xi32, #tpu.memory_space<vmem>>, %arg8: memref<125x128xf32, #tpu.memory_space<vmem>>, %arg9: memref<125x128xf32, #tpu.memory_space<vmem>>, %arg10: memref<40x128xf32, #tpu.memory_space<vmem>>, %arg11: memref<10000x128xf32, #tpu.memory_space<vmem_shared>>, %arg12: memref<!tpu.dma_semaphore, #tpu.memory_space<semaphore_mem>>, %arg13: memref<!tpu.dma_semaphore, #tpu.memory_space<semaphore_mem>>, %arg14: memref<!tpu.dma_semaphore, #tpu.memory_space<semaphore_mem>>, %arg15: memref<!tpu.dma_semaphore, #tpu.memory_space<semaphore_mem>>) attributes {dimension_semantics = [#tpu.dimension_semantics<core_parallel>, #tpu.dimension_semantics<subcore_parallel>], iteration_bounds = array<i64: 2, 16>, scalar_prefetch = 0 : i64, scratch_operands = 10 : i64, tpu.core_type = #tpu.core_type<sc_vector_subcore>, window_params = [{transform_indices = #map}, {transform_indices = #map1}, {transform_indices = #map}, {transform_indices = #map1}]} {
    %lt3A = arith.constant 10 : i32
    %lt3A_0 = arith.cmpi slt, %arg1, %lt3A : i32
    %convert_element_type3A = arith.extui %lt3A_0 : i1 to i32
    %cond3A = arith.constant 0 : i32
    %cond3A_1 = arith.cmpi ne, %convert_element_type3A, %cond3A : i32
    scf.if %cond3A_1 {
      %scan3A_13 = arith.constant 0 : i32
      %scan3A_14 = arith.constant 0 : i32
      %scan3A_15 = arith.constant 40 : i32
      %scan3A_16 = arith.addi %scan3A_14, %scan3A_15 : i32
      %scan3A_17 = arith.constant 1 : i32
      scf.for %scan3A_25 = %scan3A_14 to %scan3A_16 step %scan3A_17  : i32 {
        %broadcast_in_dim3A = arith.constant 0.000000e+00 : f32
        %broadcast_in_dim3A_26 = vector.broadcast %broadcast_in_dim3A : f32 to vector<16xf32>
        %swap3A = arith.index_cast %scan3A_25 : i32 to index
        %swap3A_27 = arith.constant 0 : index
        %swap3A_28 = tpu.vector_load %arg10[%swap3A, %swap3A_27] {strides = array<i32>} : memref<40x128xf32, #tpu.memory_space<vmem>>, vector<1x16xf32>,
        %swap3A_29 = vector.shape_cast %swap3A_28 : vector<1x16xf32> to vector<16xf32>
        %swap3A_30 = vector.shape_cast %broadcast_in_dim3A_26 : vector<16xf32> to vector<1x16xf32>
        tpu.vector_store %arg10[%swap3A, %swap3A_27], %swap3A_30 {strides = array<i32>} : memref<40x128xf32, #tpu.memory_space<vmem>>, vector<1x16xf32>,
        %broadcast_in_dim3A_31 = arith.constant 0.000000e+00 : f32
        %broadcast_in_dim3A_32 = vector.broadcast %broadcast_in_dim3A_31 : f32 to vector<16xf32>
        %swap3A_33 = arith.index_cast %scan3A_25 : i32 to index
        %swap3A_34 = arith.constant 16 : index
        %swap3A_35 = tpu.vector_load %arg10[%swap3A_33, %swap3A_34] {strides = array<i32>} : memref<40x128xf32, #tpu.memory_space<vmem>>, vector<1x16xf32>,
        %swap3A_36 = vector.shape_cast %swap3A_35 : vector<1x16xf32> to vector<16xf32>
        %swap3A_37 = vector.shape_cast %broadcast_in_dim3A_32 : vector<16xf32> to vector<1x16xf32>
        tpu.vector_store %arg10[%swap3A_33, %swap3A_34], %swap3A_37 {strides = array<i32>} : memref<40x128xf32, #tpu.memory_space<vmem>>, vector<1x16xf32>,
        %broadcast_in_dim3A_38 = arith.constant 0.000000e+00 : f32
        %broadcast_in_dim3A_39 = vector.broadcast %broadcast_in_dim3A_38 : f32 to vector<16xf32>
        %swap3A_40 = arith.index_cast %scan3A_25 : i32 to index
        %swap3A_41 = arith.constant 32 : index
        %swap3A_42 = tpu.vector_load %arg10[%swap3A_40, %swap3A_41] {strides = array<i32>} : memref<40x128xf32, #tpu.memory_space<vmem>>, vector<1x16xf32>,
        %swap3A_43 = vector.shape_cast %swap3A_42 : vector<1x16xf32> to vector<16xf32>
        %swap3A_44 = vector.shape_cast %broadcast_in_dim3A_39 : vector<16xf32> to vector<1x16xf32>
        tpu.vector_store %arg10[%swap3A_40, %swap3A_41], %swap3A_44 {strides = array<i32>} : memref<40x128xf32, #tpu.memory_space<vmem>>, vector<1x16xf32>,
        %broadcast_in_dim3A_45 = arith.constant 0.000000e+00 : f32
        %broadcast_in_dim3A_46 = vector.broadcast %broadcast_in_dim3A_45 : f32 to vector<16xf32>
        %swap3A_47 = arith.index_cast %scan3A_25 : i32 to index
        %swap3A_48 = arith.constant 48 : index
        %swap3A_49 = tpu.vector_load %arg10[%swap3A_47, %swap3A_48] {strides = array<i32>} : memref<40x128xf32, #tpu.memory_space<vmem>>, vector<1x16xf32>,
        %swap3A_50 = vector.shape_cast %swap3A_49 : vector<1x16xf32> to vector<16xf32>
        %swap3A_51 = vector.shape_cast %broadcast_in_dim3A_46 : vector<16xf32> to vector<1x16xf32>
        tpu.vector_store %arg10[%swap3A_47, %swap3A_48], %swap3A_51 {strides = array<i32>} : memref<40x128xf32, #tpu.memory_space<vmem>>, vector<1x16xf32>,
        %broadcast_in_dim3A_52 = arith.constant 0.000000e+00 : f32
        %broadcast_in_dim3A_53 = vector.broadcast %broadcast_in_dim3A_52 : f32 to vector<16xf32>
        %swap3A_54 = arith.index_cast %scan3A_25 : i32 to index
        %swap3A_55 = arith.constant 64 : index
        %swap3A_56 = tpu.vector_load %arg10[%swap3A_54, %swap3A_55] {strides = array<i32>} : memref<40x128xf32, #tpu.memory_space<vmem>>, vector<1x16xf32>,
        %swap3A_57 = vector.shape_cast %swap3A_56 : vector<1x16xf32> to vector<16xf32>
        %swap3A_58 = vector.shape_cast %broadcast_in_dim3A_53 : vector<16xf32> to vector<1x16xf32>
        tpu.vector_store %arg10[%swap3A_54, %swap3A_55], %swap3A_58 {strides = array<i32>} : memref<40x128xf32, #tpu.memory_space<vmem>>, vector<1x16xf32>,
        %broadcast_in_dim3A_59 = arith.constant 0.000000e+00 : f32
        %broadcast_in_dim3A_60 = vector.broadcast %broadcast_in_dim3A_59 : f32 to vector<16xf32>
        %swap3A_61 = arith.index_cast %scan3A_25 : i32 to index
        %swap3A_62 = arith.constant 80 : index
        %swap3A_63 = tpu.vector_load %arg10[%swap3A_61, %swap3A_62] {strides = array<i32>} : memref<40x128xf32, #tpu.memory_space<vmem>>, vector<1x16xf32>,
        %swap3A_64 = vector.shape_cast %swap3A_63 : vector<1x16xf32> to vector<16xf32>
        %swap3A_65 = vector.shape_cast %broadcast_in_dim3A_60 : vector<16xf32> to vector<1x16xf32>
        tpu.vector_store %arg10[%swap3A_61, %swap3A_62], %swap3A_65 {strides = array<i32>} : memref<40x128xf32, #tpu.memory_space<vmem>>, vector<1x16xf32>,
        %broadcast_in_dim3A_66 = arith.constant 0.000000e+00 : f32
        %broadcast_in_dim3A_67 = vector.broadcast %broadcast_in_dim3A_66 : f32 to vector<16xf32>
        %swap3A_68 = arith.index_cast %scan3A_25 : i32 to index
        %swap3A_69 = arith.constant 96 : index
        %swap3A_70 = tpu.vector_load %arg10[%swap3A_68, %swap3A_69] {strides = array<i32>} : memref<40x128xf32, #tpu.memory_space<vmem>>, vector<1x16xf32>,
        %swap3A_71 = vector.shape_cast %swap3A_70 : vector<1x16xf32> to vector<16xf32>
        %swap3A_72 = vector.shape_cast %broadcast_in_dim3A_67 : vector<16xf32> to vector<1x16xf32>
        tpu.vector_store %arg10[%swap3A_68, %swap3A_69], %swap3A_72 {strides = array<i32>} : memref<40x128xf32, #tpu.memory_space<vmem>>, vector<1x16xf32>,
        %broadcast_in_dim3A_73 = arith.constant 0.000000e+00 : f32
        %broadcast_in_dim3A_74 = vector.broadcast %broadcast_in_dim3A_73 : f32 to vector<16xf32>
        %swap3A_75 = arith.index_cast %scan3A_25 : i32 to index
        %swap3A_76 = arith.constant 112 : index
        %swap3A_77 = tpu.vector_load %arg10[%swap3A_75, %swap3A_76] {strides = array<i32>} : memref<40x128xf32, #tpu.memory_space<vmem>>, vector<1x16xf32>,
        %swap3A_78 = vector.shape_cast %swap3A_77 : vector<1x16xf32> to vector<16xf32>
        %swap3A_79 = vector.shape_cast %broadcast_in_dim3A_74 : vector<16xf32> to vector<1x16xf32>
        tpu.vector_store %arg10[%swap3A_75, %swap3A_76], %swap3A_79 {strides = array<i32>} : memref<40x128xf32, #tpu.memory_space<vmem>>, vector<1x16xf32>,
      }
      %scan3A_18 = arith.constant 40 : i32
      %scan3A_19 = arith.constant 0 : i32
      %scan3A_20 = arith.constant 0 : i32
      %scan3A_21 = arith.constant 25 : i32
      %scan3A_22 = arith.addi %scan3A_20, %scan3A_21 : i32
      %scan3A_23 = arith.constant 1 : i32
      scf.for %scan3A_25 = %scan3A_20 to %scan3A_22 step %scan3A_23  : i32 {
        %mul3A = arith.constant 1000 : i32
        %mul3A_26 = arith.muli %arg1, %mul3A : i32
        %mul3A_27 = arith.constant 40 : i32
        %mul3A_28 = arith.muli %scan3A_25, %mul3A_27 : i32
        %add3A = arith.addi %mul3A_26, %mul3A_28 : i32
        "tpu.region"() ({
          %run_scoped3A = tpu.sem_alloc : memref<!tpu.dma_semaphore, #tpu.memory_space<semaphore_mem>>
          %dma_start3A = arith.constant 0 : i32
          %dma_start3A_29 = tpu.memref_slice %arg11[%add3A, %dma_start3A] : memref<10000x128xf32, #tpu.memory_space<vmem_shared>> -> memref<40x128xf32, #tpu.memory_space<vmem_shared>>
          %dma_start3A_30 = arith.constant 0 : i32
          %dma_start3A_31 = tpu.memref_slice %arg11[%add3A, %dma_start3A_30] : memref<10000x128xf32, #tpu.memory_space<vmem_shared>> -> memref<40x128xf32, #tpu.memory_space<vmem_shared>>
          tpu.enqueue_dma source(%arg10 : memref<40x128xf32, #tpu.memory_space<vmem>>) target(%dma_start3A_31 : memref<40x128xf32, #tpu.memory_space<vmem_shared>>) target_semaphore(%run_scoped3A : memref<!tpu.dma_semaphore, #tpu.memory_space<semaphore_mem>>)
          %dma_wait3A = arith.constant 0 : i32
          %dma_wait3A_32 = tpu.memref_slice %arg11[%add3A, %dma_wait3A] : memref<10000x128xf32, #tpu.memory_space<vmem_shared>> -> memref<40x128xf32, #tpu.memory_space<vmem_shared>>
          %dma_wait3A_33 = arith.constant 0 : i32
          %dma_wait3A_34 = tpu.memref_slice %arg11[%add3A, %dma_wait3A_33] : memref<10000x128xf32, #tpu.memory_space<vmem_shared>> -> memref<40x128xf32, #tpu.memory_space<vmem_shared>>
          tpu.wait_dma2 semaphore(%run_scoped3A : memref<!tpu.dma_semaphore, #tpu.memory_space<semaphore_mem>>) src(%arg10 : memref<40x128xf32, #tpu.memory_space<vmem>>) dst(%dma_wait3A_34 : memref<40x128xf32, #tpu.memory_space<vmem_shared>>)
          tpu.yield
        }) : () -> ()
      }
      %scan3A_24 = arith.constant 25 : i32
    } else {
    }
    %barrier3A = arith.constant 0 : index
    tpu.barrier barrier_id(%barrier3A)
    %scan3A = arith.constant 0 : i32
    %scan3A_2 = arith.constant 0 : i32
    %scan3A_3 = arith.constant 10 : i32
    %scan3A_4 = arith.addi %scan3A_2, %scan3A_3 : i32
    %scan3A_5 = arith.constant 1 : i32
    scf.for %scan3A_13 = %scan3A_2 to %scan3A_4 step %scan3A_5  : i32 {
      %mul3A = arith.constant 160 : i32
      %mul3A_14 = arith.muli %arg1, %mul3A : i32
      %mul3A_15 = arith.constant 16 : i32
      %mul3A_16 = arith.muli %scan3A_13, %mul3A_15 : i32
      %add3A = arith.addi %mul3A_14, %mul3A_16 : i32
      "tpu.region"() ({
        %run_scoped3A = tpu.sem_alloc : memref<!tpu.dma_semaphore, #tpu.memory_space<semaphore_mem>>
        %dma_start3A = arith.constant 0 : i32
        %dma_start3A_23 = tpu.memref_slice %arg3[%arg0, %add3A, %dma_start3A] : memref<2x2560x125xi32, #tpu.memory_space<hbm>> -> memref<1x16x125xi32, #tpu.memory_space<hbm>>
        %dma_start3A_24 = tpu.memref_squeeze %dma_start3A_23 : memref<1x16x125xi32, #tpu.memory_space<hbm>> -> memref<16x125xi32, #tpu.memory_space<hbm>>
        %dma_start3A_25 = arith.constant 0 : i32
        %dma_start3A_26 = tpu.memref_slice %arg3[%arg0, %add3A, %dma_start3A_25] : memref<2x2560x125xi32, #tpu.memory_space<hbm>> -> memref<1x16x125xi32, #tpu.memory_space<hbm>>
        %dma_start3A_27 = tpu.memref_squeeze %dma_start3A_26 : memref<1x16x125xi32, #tpu.memory_space<hbm>> -> memref<16x125xi32, #tpu.memory_space<hbm>>
        tpu.enqueue_dma source(%dma_start3A_27 : memref<16x125xi32, #tpu.memory_space<hbm>>) target(%arg6 : memref<16x125xi32, #tpu.memory_space<vmem>>) target_semaphore(%run_scoped3A : memref<!tpu.dma_semaphore, #tpu.memory_space<semaphore_mem>>)
        %dma_wait3A = arith.constant 0 : i32
        %dma_wait3A_28 = tpu.memref_slice %arg3[%arg0, %add3A, %dma_wait3A] : memref<2x2560x125xi32, #tpu.memory_space<hbm>> -> memref<1x16x125xi32, #tpu.memory_space<hbm>>
        %dma_wait3A_29 = tpu.memref_squeeze %dma_wait3A_28 : memref<1x16x125xi32, #tpu.memory_space<hbm>> -> memref<16x125xi32, #tpu.memory_space<hbm>>
        %dma_wait3A_30 = arith.constant 0 : i32
        %dma_wait3A_31 = tpu.memref_slice %arg3[%arg0, %add3A, %dma_wait3A_30] : memref<2x2560x125xi32, #tpu.memory_space<hbm>> -> memref<1x16x125xi32, #tpu.memory_space<hbm>>
        %dma_wait3A_32 = tpu.memref_squeeze %dma_wait3A_31 : memref<1x16x125xi32, #tpu.memory_space<hbm>> -> memref<16x125xi32, #tpu.memory_space<hbm>>
        tpu.wait_dma2 semaphore(%run_scoped3A : memref<!tpu.dma_semaphore, #tpu.memory_space<semaphore_mem>>) src(%dma_wait3A_32 : memref<16x125xi32, #tpu.memory_space<hbm>>) dst(%arg6 : memref<16x125xi32, #tpu.memory_space<vmem>>)
        tpu.yield
      }) : () -> ()
      "tpu.region"() ({
        %run_scoped3A = tpu.sem_alloc : memref<!tpu.dma_semaphore, #tpu.memory_space<semaphore_mem>>
        %dma_start3A = arith.constant 0 : i32
        %dma_start3A_23 = tpu.memref_slice %arg4[%add3A, %dma_start3A] : memref<2560x125xi32, #tpu.memory_space<hbm>> -> memref<16x125xi32, #tpu.memory_space<hbm>>
        %dma_start3A_24 = arith.constant 0 : i32
        %dma_start3A_25 = tpu.memref_slice %arg4[%add3A, %dma_start3A_24] : memref<2560x125xi32, #tpu.memory_space<hbm>> -> memref<16x125xi32, #tpu.memory_space<hbm>>
        tpu.enqueue_dma source(%dma_start3A_25 : memref<16x125xi32, #tpu.memory_space<hbm>>) target(%arg7 : memref<16x125xi32, #tpu.memory_space<vmem>>) target_semaphore(%run_scoped3A : memref<!tpu.dma_semaphore, #tpu.memory_space<semaphore_mem>>)
        %dma_wait3A = arith.constant 0 : i32
        %dma_wait3A_26 = tpu.memref_slice %arg4[%add3A, %dma_wait3A] : memref<2560x125xi32, #tpu.memory_space<hbm>> -> memref<16x125xi32, #tpu.memory_space<hbm>>
        %dma_wait3A_27 = arith.constant 0 : i32
        %dma_wait3A_28 = tpu.memref_slice %arg4[%add3A, %dma_wait3A_27] : memref<2560x125xi32, #tpu.memory_space<hbm>> -> memref<16x125xi32, #tpu.memory_space<hbm>>
        tpu.wait_dma2 semaphore(%run_scoped3A : memref<!tpu.dma_semaphore, #tpu.memory_space<semaphore_mem>>) src(%dma_wait3A_28 : memref<16x125xi32, #tpu.memory_space<hbm>>) dst(%arg7 : memref<16x125xi32, #tpu.memory_space<vmem>>)
        tpu.yield
      }) : () -> ()
      %scan3A_17 = arith.constant 0 : i32
      %scan3A_18 = arith.constant 0 : i32
      %scan3A_19 = arith.constant 8 : i32
      %scan3A_20 = arith.addi %scan3A_18, %scan3A_19 : i32
      %scan3A_21 = arith.constant 1 : i32
      scf.for %scan3A_23 = %scan3A_18 to %scan3A_20 step %scan3A_21  : i32 {
        %mul3A_24 = arith.constant 2 : i32
        %mul3A_25 = arith.muli %scan3A_23, %mul3A_24 : i32
        %add3A_26 = arith.constant 1 : i32
        %add3A_27 = arith.addi %mul3A_25, %add3A_26 : i32
        %dma_start3A = arith.constant 0 : i32
        %dma_start3A_28 = tpu.memref_slice %arg6[%mul3A_25, %dma_start3A] : memref<16x125xi32, #tpu.memory_space<vmem>> -> memref<1x125xi32, #tpu.memory_space<vmem>>
        %dma_start3A_29 = tpu.memref_squeeze %dma_start3A_28 : memref<1x125xi32, #tpu.memory_space<vmem>> -> memref<125xi32, #tpu.memory_space<vmem>>
        %dma_start3A_30 = arith.constant 0 : i32
        %dma_start3A_31 = arith.constant 0 : i32
        %dma_start3A_32 = tpu.memref_slice %arg2[%dma_start3A_30, %dma_start3A_31] : memref<140000x128xf32, #tpu.memory_space<hbm>> -> memref<140000x128xf32, #tpu.memory_space<hbm>>
        tpu.enqueue_indirect_dma source(%dma_start3A_32 : memref<140000x128xf32, #tpu.memory_space<hbm>>) target(%arg8 : memref<125x128xf32, #tpu.memory_space<vmem>>) offsets(%dma_start3A_29 : memref<125xi32, #tpu.memory_space<vmem>>) semaphore(%arg12 : memref<!tpu.dma_semaphore, #tpu.memory_space<semaphore_mem>>)
        %dma_start3A_33 = arith.constant 0 : i32
        %dma_start3A_34 = tpu.memref_slice %arg6[%add3A_27, %dma_start3A_33] : memref<16x125xi32, #tpu.memory_space<vmem>> -> memref<1x125xi32, #tpu.memory_space<vmem>>
        %dma_start3A_35 = tpu.memref_squeeze %dma_start3A_34 : memref<1x125xi32, #tpu.memory_space<vmem>> -> memref<125xi32, #tpu.memory_space<vmem>>
        %dma_start3A_36 = arith.constant 0 : i32
        %dma_start3A_37 = arith.constant 0 : i32
        %dma_start3A_38 = tpu.memref_slice %arg2[%dma_start3A_36, %dma_start3A_37] : memref<140000x128xf32, #tpu.memory_space<hbm>> -> memref<140000x128xf32, #tpu.memory_space<hbm>>
        tpu.enqueue_indirect_dma source(%dma_start3A_38 : memref<140000x128xf32, #tpu.memory_space<hbm>>) target(%arg9 : memref<125x128xf32, #tpu.memory_space<vmem>>) offsets(%dma_start3A_35 : memref<125xi32, #tpu.memory_space<vmem>>) semaphore(%arg13 : memref<!tpu.dma_semaphore, #tpu.memory_space<semaphore_mem>>)
        %dma_wait3A = arith.constant 0 : i32
        %dma_wait3A_39 = tpu.memref_slice %arg6[%mul3A_25, %dma_wait3A] : memref<16x125xi32, #tpu.memory_space<vmem>> -> memref<1x125xi32, #tpu.memory_space<vmem>>
        %dma_wait3A_40 = tpu.memref_squeeze %dma_wait3A_39 : memref<1x125xi32, #tpu.memory_space<vmem>> -> memref<125xi32, #tpu.memory_space<vmem>>
        %dma_wait3A_41 = arith.constant 0 : i32
        %dma_wait3A_42 = arith.constant 0 : i32
        %dma_wait3A_43 = tpu.memref_slice %arg2[%dma_wait3A_41, %dma_wait3A_42] : memref<140000x128xf32, #tpu.memory_space<hbm>> -> memref<140000x128xf32, #tpu.memory_space<hbm>>
        tpu.wait_indirect_dma semaphore(%arg12 : memref<!tpu.dma_semaphore, #tpu.memory_space<semaphore_mem>>) src(%dma_wait3A_43 : memref<140000x128xf32, #tpu.memory_space<hbm>>) dst(%arg8 : memref<125x128xf32, #tpu.memory_space<vmem>>)
        %dma_start3A_44 = arith.constant 0 : i32
        %dma_start3A_45 = tpu.memref_slice %arg7[%mul3A_25, %dma_start3A_44] : memref<16x125xi32, #tpu.memory_space<vmem>> -> memref<1x125xi32, #tpu.memory_space<vmem>>
        %dma_start3A_46 = tpu.memref_squeeze %dma_start3A_45 : memref<1x125xi32, #tpu.memory_space<vmem>> -> memref<125xi32, #tpu.memory_space<vmem>>
        %dma_start3A_47 = arith.constant 0 : i32
        %dma_start3A_48 = arith.constant 0 : i32
        %dma_start3A_49 = tpu.memref_slice %arg11[%dma_start3A_47, %dma_start3A_48] : memref<10000x128xf32, #tpu.memory_space<vmem_shared>> -> memref<10000x128xf32, #tpu.memory_space<vmem_shared>>
        tpu.enqueue_indirect_dma source(%arg8 : memref<125x128xf32, #tpu.memory_space<vmem>>) target(%dma_start3A_49 : memref<10000x128xf32, #tpu.memory_space<vmem_shared>>) offsets(%dma_start3A_46 : memref<125xi32, #tpu.memory_space<vmem>>) semaphore(%arg14 : memref<!tpu.dma_semaphore, #tpu.memory_space<semaphore_mem>>) {add = true}
        %dma_wait3A_50 = arith.constant 0 : i32
        %dma_wait3A_51 = tpu.memref_slice %arg6[%add3A_27, %dma_wait3A_50] : memref<16x125xi32, #tpu.memory_space<vmem>> -> memref<1x125xi32, #tpu.memory_space<vmem>>
        %dma_wait3A_52 = tpu.memref_squeeze %dma_wait3A_51 : memref<1x125xi32, #tpu.memory_space<vmem>> -> memref<125xi32, #tpu.memory_space<vmem>>
        %dma_wait3A_53 = arith.constant 0 : i32
        %dma_wait3A_54 = arith.constant 0 : i32
        %dma_wait3A_55 = tpu.memref_slice %arg2[%dma_wait3A_53, %dma_wait3A_54] : memref<140000x128xf32, #tpu.memory_space<hbm>> -> memref<140000x128xf32, #tpu.memory_space<hbm>>
        tpu.wait_indirect_dma semaphore(%arg13 : memref<!tpu.dma_semaphore, #tpu.memory_space<semaphore_mem>>) src(%dma_wait3A_55 : memref<140000x128xf32, #tpu.memory_space<hbm>>) dst(%arg9 : memref<125x128xf32, #tpu.memory_space<vmem>>)
        %dma_start3A_56 = arith.constant 0 : i32
        %dma_start3A_57 = tpu.memref_slice %arg7[%add3A_27, %dma_start3A_56] : memref<16x125xi32, #tpu.memory_space<vmem>> -> memref<1x125xi32, #tpu.memory_space<vmem>>
        %dma_start3A_58 = tpu.memref_squeeze %dma_start3A_57 : memref<1x125xi32, #tpu.memory_space<vmem>> -> memref<125xi32, #tpu.memory_space<vmem>>
        %dma_start3A_59 = arith.constant 0 : i32
        %dma_start3A_60 = arith.constant 0 : i32
        %dma_start3A_61 = tpu.memref_slice %arg11[%dma_start3A_59, %dma_start3A_60] : memref<10000x128xf32, #tpu.memory_space<vmem_shared>> -> memref<10000x128xf32, #tpu.memory_space<vmem_shared>>
        tpu.enqueue_indirect_dma source(%arg9 : memref<125x128xf32, #tpu.memory_space<vmem>>) target(%dma_start3A_61 : memref<10000x128xf32, #tpu.memory_space<vmem_shared>>) offsets(%dma_start3A_58 : memref<125xi32, #tpu.memory_space<vmem>>) semaphore(%arg15 : memref<!tpu.dma_semaphore, #tpu.memory_space<semaphore_mem>>) {add = true}
        %dma_wait3A_62 = arith.constant 0 : i32
        %dma_wait3A_63 = tpu.memref_slice %arg7[%mul3A_25, %dma_wait3A_62] : memref<16x125xi32, #tpu.memory_space<vmem>> -> memref<1x125xi32, #tpu.memory_space<vmem>>
        %dma_wait3A_64 = tpu.memref_squeeze %dma_wait3A_63 : memref<1x125xi32, #tpu.memory_space<vmem>> -> memref<125xi32, #tpu.memory_space<vmem>>
        %dma_wait3A_65 = arith.constant 0 : i32
        %dma_wait3A_66 = arith.constant 0 : i32
        %dma_wait3A_67 = tpu.memref_slice %arg11[%dma_wait3A_65, %dma_wait3A_66] : memref<10000x128xf32, #tpu.memory_space<vmem_shared>> -> memref<10000x128xf32, #tpu.memory_space<vmem_shared>>
        tpu.wait_indirect_dma semaphore(%arg14 : memref<!tpu.dma_semaphore, #tpu.memory_space<semaphore_mem>>) src(%arg8 : memref<125x128xf32, #tpu.memory_space<vmem>>) dst(%dma_wait3A_67 : memref<10000x128xf32, #tpu.memory_space<vmem_shared>>)
        %dma_wait3A_68 = arith.constant 0 : i32
        %dma_wait3A_69 = tpu.memref_slice %arg7[%add3A_27, %dma_wait3A_68] : memref<16x125xi32, #tpu.memory_space<vmem>> -> memref<1x125xi32, #tpu.memory_space<vmem>>
        %dma_wait3A_70 = tpu.memref_squeeze %dma_wait3A_69 : memref<1x125xi32, #tpu.memory_space<vmem>> -> memref<125xi32, #tpu.memory_space<vmem>>
        %dma_wait3A_71 = arith.constant 0 : i32
        %dma_wait3A_72 = arith.constant 0 : i32
        %dma_wait3A_73 = tpu.memref_slice %arg11[%dma_wait3A_71, %dma_wait3A_72] : memref<10000x128xf32, #tpu.memory_space<vmem_shared>> -> memref<10000x128xf32, #tpu.memory_space<vmem_shared>>
        tpu.wait_indirect_dma semaphore(%arg15 : memref<!tpu.dma_semaphore, #tpu.memory_space<semaphore_mem>>) src(%arg9 : memref<125x128xf32, #tpu.memory_space<vmem>>) dst(%dma_wait3A_73 : memref<10000x128xf32, #tpu.memory_space<vmem_shared>>)
      }
      %scan3A_22 = arith.constant 8 : i32
    }
    %scan3A_6 = arith.constant 10 : i32
    %barrier3A_7 = arith.constant 0 : index
    tpu.barrier barrier_id(%barrier3A_7)
    %lt3A_8 = arith.constant 10 : i32
    %lt3A_9 = arith.cmpi slt, %arg1, %lt3A_8 : i32
    %convert_element_type3A_10 = arith.extui %lt3A_9 : i1 to i32
    %cond3A_11 = arith.constant 0 : i32
    %cond3A_12 = arith.cmpi ne, %convert_element_type3A_10, %cond3A_11 : i32
    scf.if %cond3A_12 {
      %mul3A = arith.constant 1000 : i32
      %mul3A_13 = arith.muli %arg1, %mul3A : i32
      %mul3A_14 = arith.constant 1000 : i32
      %mul3A_15 = arith.muli %arg1, %mul3A_14 : i32
      "tpu.region"() ({
        %run_scoped3A = tpu.sem_alloc : memref<!tpu.dma_semaphore, #tpu.memory_space<semaphore_mem>>
        %dma_start3A = arith.constant 0 : i32
        %dma_start3A_16 = tpu.memref_slice %arg5[%arg0, %mul3A_15, %dma_start3A] : memref<2x10000x128xf32, #tpu.memory_space<hbm>> -> memref<1x1000x128xf32, #tpu.memory_space<hbm>>
        %dma_start3A_17 = tpu.memref_squeeze %dma_start3A_16 : memref<1x1000x128xf32, #tpu.memory_space<hbm>> -> memref<1000x128xf32, #tpu.memory_space<hbm>>
        %dma_start3A_18 = arith.constant 0 : i32
        %dma_start3A_19 = tpu.memref_slice %arg11[%mul3A_13, %dma_start3A_18] : memref<10000x128xf32, #tpu.memory_space<vmem_shared>> -> memref<1000x128xf32, #tpu.memory_space<vmem_shared>>
        tpu.enqueue_dma source(%dma_start3A_19 : memref<1000x128xf32, #tpu.memory_space<vmem_shared>>) target(%dma_start3A_17 : memref<1000x128xf32, #tpu.memory_space<hbm>>) target_semaphore(%run_scoped3A : memref<!tpu.dma_semaphore, #tpu.memory_space<semaphore_mem>>)
        %dma_wait3A = arith.constant 0 : i32
        %dma_wait3A_20 = tpu.memref_slice %arg5[%arg0, %mul3A_15, %dma_wait3A] : memref<2x10000x128xf32, #tpu.memory_space<hbm>> -> memref<1x1000x128xf32, #tpu.memory_space<hbm>>
        %dma_wait3A_21 = tpu.memref_squeeze %dma_wait3A_20 : memref<1x1000x128xf32, #tpu.memory_space<hbm>> -> memref<1000x128xf32, #tpu.memory_space<hbm>>
        %dma_wait3A_22 = arith.constant 0 : i32
        %dma_wait3A_23 = tpu.memref_slice %arg11[%mul3A_13, %dma_wait3A_22] : memref<10000x128xf32, #tpu.memory_space<vmem_shared>> -> memref<1000x128xf32, #tpu.memory_space<vmem_shared>>
        tpu.wait_dma2 semaphore(%run_scoped3A : memref<!tpu.dma_semaphore, #tpu.memory_space<semaphore_mem>>) src(%dma_wait3A_23 : memref<1000x128xf32, #tpu.memory_space<vmem_shared>>) dst(%dma_wait3A_21 : memref<1000x128xf32, #tpu.memory_space<hbm>>)
        tpu.yield
      }) : () -> ()
    } else {
    }
    return
  }
}

#map = affine_map<(d0, d1) -> (0, 0)>
#map1 = affine_map<(d0, d1) -> (0, 0, 0)>
module attributes {stable_mosaic.version = 14 : i64} {
  func.func @_sc_body(%arg0: i32, %arg1: i32, %arg2: memref<140000x128xf32, #tpu.memory_space<hbm>>, %arg3: memref<2x2560x125xi32, #tpu.memory_space<hbm>>, %arg4: memref<2560x125xi32, #tpu.memory_space<hbm>>, %arg5: memref<2x10000x128xf32, #tpu.memory_space<hbm>>, %arg6: memref<16x125xi32, #tpu.memory_space<vmem>>, %arg7: memref<16x125xi32, #tpu.memory_space<vmem>>, %arg8: memref<125x128xf32, #tpu.memory_space<vmem>>, %arg9: memref<125x128xf32, #tpu.memory_space<vmem>>, %arg10: memref<40x128xf32, #tpu.memory_space<vmem>>, %arg11: memref<10000x128xf32, #tpu.memory_space<vmem_shared>>, %arg12: memref<!tpu.dma_semaphore, #tpu.memory_space<semaphore_mem>>, %arg13: memref<!tpu.dma_semaphore, #tpu.memory_space<semaphore_mem>>, %arg14: memref<!tpu.dma_semaphore, #tpu.memory_space<semaphore_mem>>, %arg15: memref<!tpu.dma_semaphore, #tpu.memory_space<semaphore_mem>>) attributes {dimension_semantics = [#tpu.dimension_semantics<core_parallel>, #tpu.dimension_semantics<subcore_parallel>], iteration_bounds = array<i64: 2, 16>, scalar_prefetch = 0 : i64, scratch_operands = 10 : i64, tpu.core_type = #tpu.core_type<sc_vector_subcore>, window_params = [{transform_indices = #map}, {transform_indices = #map1}, {transform_indices = #map}, {transform_indices = #map1}]} {
    %lt3A = arith.constant 10 : i32
    %lt3A_0 = arith.cmpi slt, %arg1, %lt3A : i32
    %convert_element_type3A = arith.extui %lt3A_0 : i1 to i32
    %cond3A = arith.constant 0 : i32
    %cond3A_1 = arith.cmpi ne, %convert_element_type3A, %cond3A : i32
    scf.if %cond3A_1 {
      %scan3A_13 = arith.constant 0 : i32
      %scan3A_14 = arith.constant 0 : i32
      %scan3A_15 = arith.constant 40 : i32
      %scan3A_16 = arith.addi %scan3A_14, %scan3A_15 : i32
      %scan3A_17 = arith.constant 1 : i32
      scf.for %scan3A_25 = %scan3A_14 to %scan3A_16 step %scan3A_17  : i32 {
        %broadcast_in_dim3A = arith.constant 0.000000e+00 : f32
        %broadcast_in_dim3A_26 = vector.broadcast %broadcast_in_dim3A : f32 to vector<16xf32>
        %swap3A = arith.index_cast %scan3A_25 : i32 to index
        %swap3A_27 = arith.constant 0 : index
        %swap3A_28 = tpu.vector_load %arg10[%swap3A, %swap3A_27] {strides = array<i32>} : memref<40x128xf32, #tpu.memory_space<vmem>>, vector<1x16xf32>,
        %swap3A_29 = vector.shape_cast %swap3A_28 : vector<1x16xf32> to vector<16xf32>
        %swap3A_30 = vector.shape_cast %broadcast_in_dim3A_26 : vector<16xf32> to vector<1x16xf32>
        tpu.vector_store %arg10[%swap3A, %swap3A_27], %swap3A_30 {strides = array<i32>} : memref<40x128xf32, #tpu.memory_space<vmem>>, vector<1x16xf32>,
        %broadcast_in_dim3A_31 = arith.constant 0.000000e+00 : f32
        %broadcast_in_dim3A_32 = vector.broadcast %broadcast_in_dim3A_31 : f32 to vector<16xf32>
        %swap3A_33 = arith.index_cast %scan3A_25 : i32 to index
        %swap3A_34 = arith.constant 16 : index
        %swap3A_35 = tpu.vector_load %arg10[%swap3A_33, %swap3A_34] {strides = array<i32>} : memref<40x128xf32, #tpu.memory_space<vmem>>, vector<1x16xf32>,
        %swap3A_36 = vector.shape_cast %swap3A_35 : vector<1x16xf32> to vector<16xf32>
        %swap3A_37 = vector.shape_cast %broadcast_in_dim3A_32 : vector<16xf32> to vector<1x16xf32>
        tpu.vector_store %arg10[%swap3A_33, %swap3A_34], %swap3A_37 {strides = array<i32>} : memref<40x128xf32, #tpu.memory_space<vmem>>, vector<1x16xf32>,
        %broadcast_in_dim3A_38 = arith.constant 0.000000e+00 : f32
        %broadcast_in_dim3A_39 = vector.broadcast %broadcast_in_dim3A_38 : f32 to vector<16xf32>
        %swap3A_40 = arith.index_cast %scan3A_25 : i32 to index
        %swap3A_41 = arith.constant 32 : index
        %swap3A_42 = tpu.vector_load %arg10[%swap3A_40, %swap3A_41] {strides = array<i32>} : memref<40x128xf32, #tpu.memory_space<vmem>>, vector<1x16xf32>,
        %swap3A_43 = vector.shape_cast %swap3A_42 : vector<1x16xf32> to vector<16xf32>
        %swap3A_44 = vector.shape_cast %broadcast_in_dim3A_39 : vector<16xf32> to vector<1x16xf32>
        tpu.vector_store %arg10[%swap3A_40, %swap3A_41], %swap3A_44 {strides = array<i32>} : memref<40x128xf32, #tpu.memory_space<vmem>>, vector<1x16xf32>,
        %broadcast_in_dim3A_45 = arith.constant 0.000000e+00 : f32
        %broadcast_in_dim3A_46 = vector.broadcast %broadcast_in_dim3A_45 : f32 to vector<16xf32>
        %swap3A_47 = arith.index_cast %scan3A_25 : i32 to index
        %swap3A_48 = arith.constant 48 : index
        %swap3A_49 = tpu.vector_load %arg10[%swap3A_47, %swap3A_48] {strides = array<i32>} : memref<40x128xf32, #tpu.memory_space<vmem>>, vector<1x16xf32>,
        %swap3A_50 = vector.shape_cast %swap3A_49 : vector<1x16xf32> to vector<16xf32>
        %swap3A_51 = vector.shape_cast %broadcast_in_dim3A_46 : vector<16xf32> to vector<1x16xf32>
        tpu.vector_store %arg10[%swap3A_47, %swap3A_48], %swap3A_51 {strides = array<i32>} : memref<40x128xf32, #tpu.memory_space<vmem>>, vector<1x16xf32>,
        %broadcast_in_dim3A_52 = arith.constant 0.000000e+00 : f32
        %broadcast_in_dim3A_53 = vector.broadcast %broadcast_in_dim3A_52 : f32 to vector<16xf32>
        %swap3A_54 = arith.index_cast %scan3A_25 : i32 to index
        %swap3A_55 = arith.constant 64 : index
        %swap3A_56 = tpu.vector_load %arg10[%swap3A_54, %swap3A_55] {strides = array<i32>} : memref<40x128xf32, #tpu.memory_space<vmem>>, vector<1x16xf32>,
        %swap3A_57 = vector.shape_cast %swap3A_56 : vector<1x16xf32> to vector<16xf32>
        %swap3A_58 = vector.shape_cast %broadcast_in_dim3A_53 : vector<16xf32> to vector<1x16xf32>
        tpu.vector_store %arg10[%swap3A_54, %swap3A_55], %swap3A_58 {strides = array<i32>} : memref<40x128xf32, #tpu.memory_space<vmem>>, vector<1x16xf32>,
        %broadcast_in_dim3A_59 = arith.constant 0.000000e+00 : f32
        %broadcast_in_dim3A_60 = vector.broadcast %broadcast_in_dim3A_59 : f32 to vector<16xf32>
        %swap3A_61 = arith.index_cast %scan3A_25 : i32 to index
        %swap3A_62 = arith.constant 80 : index
        %swap3A_63 = tpu.vector_load %arg10[%swap3A_61, %swap3A_62] {strides = array<i32>} : memref<40x128xf32, #tpu.memory_space<vmem>>, vector<1x16xf32>,
        %swap3A_64 = vector.shape_cast %swap3A_63 : vector<1x16xf32> to vector<16xf32>
        %swap3A_65 = vector.shape_cast %broadcast_in_dim3A_60 : vector<16xf32> to vector<1x16xf32>
        tpu.vector_store %arg10[%swap3A_61, %swap3A_62], %swap3A_65 {strides = array<i32>} : memref<40x128xf32, #tpu.memory_space<vmem>>, vector<1x16xf32>,
        %broadcast_in_dim3A_66 = arith.constant 0.000000e+00 : f32
        %broadcast_in_dim3A_67 = vector.broadcast %broadcast_in_dim3A_66 : f32 to vector<16xf32>
        %swap3A_68 = arith.index_cast %scan3A_25 : i32 to index
        %swap3A_69 = arith.constant 96 : index
        %swap3A_70 = tpu.vector_load %arg10[%swap3A_68, %swap3A_69] {strides = array<i32>} : memref<40x128xf32, #tpu.memory_space<vmem>>, vector<1x16xf32>,
        %swap3A_71 = vector.shape_cast %swap3A_70 : vector<1x16xf32> to vector<16xf32>
        %swap3A_72 = vector.shape_cast %broadcast_in_dim3A_67 : vector<16xf32> to vector<1x16xf32>
        tpu.vector_store %arg10[%swap3A_68, %swap3A_69], %swap3A_72 {strides = array<i32>} : memref<40x128xf32, #tpu.memory_space<vmem>>, vector<1x16xf32>,
        %broadcast_in_dim3A_73 = arith.constant 0.000000e+00 : f32
        %broadcast_in_dim3A_74 = vector.broadcast %broadcast_in_dim3A_73 : f32 to vector<16xf32>
        %swap3A_75 = arith.index_cast %scan3A_25 : i32 to index
        %swap3A_76 = arith.constant 112 : index
        %swap3A_77 = tpu.vector_load %arg10[%swap3A_75, %swap3A_76] {strides = array<i32>} : memref<40x128xf32, #tpu.memory_space<vmem>>, vector<1x16xf32>,
        %swap3A_78 = vector.shape_cast %swap3A_77 : vector<1x16xf32> to vector<16xf32>
        %swap3A_79 = vector.shape_cast %broadcast_in_dim3A_74 : vector<16xf32> to vector<1x16xf32>
        tpu.vector_store %arg10[%swap3A_75, %swap3A_76], %swap3A_79 {strides = array<i32>} : memref<40x128xf32, #tpu.memory_space<vmem>>, vector<1x16xf32>,
      }
      %scan3A_18 = arith.constant 40 : i32
      %scan3A_19 = arith.constant 0 : i32
      %scan3A_20 = arith.constant 0 : i32
      %scan3A_21 = arith.constant 25 : i32
      %scan3A_22 = arith.addi %scan3A_20, %scan3A_21 : i32
      %scan3A_23 = arith.constant 1 : i32
      scf.for %scan3A_25 = %scan3A_20 to %scan3A_22 step %scan3A_23  : i32 {
        %mul3A = arith.constant 1000 : i32
        %mul3A_26 = arith.muli %arg1, %mul3A : i32
        %mul3A_27 = arith.constant 40 : i32
        %mul3A_28 = arith.muli %scan3A_25, %mul3A_27 : i32
        %add3A = arith.addi %mul3A_26, %mul3A_28 : i32
        "tpu.region"() ({
          %run_scoped3A = tpu.sem_alloc : memref<!tpu.dma_semaphore, #tpu.memory_space<semaphore_mem>>
          %dma_start3A = arith.constant 0 : i32
          %dma_start3A_29 = tpu.memref_slice %arg11[%add3A, %dma_start3A] : memref<10000x128xf32, #tpu.memory_space<vmem_shared>> -> memref<40x128xf32, #tpu.memory_space<vmem_shared>>
          %dma_start3A_30 = arith.constant 0 : i32
          %dma_start3A_31 = tpu.memref_slice %arg11[%add3A, %dma_start3A_30] : memref<10000x128xf32, #tpu.memory_space<vmem_shared>> -> memref<40x128xf32, #tpu.memory_space<vmem_shared>>
          tpu.enqueue_dma source(%arg10 : memref<40x128xf32, #tpu.memory_space<vmem>>) target(%dma_start3A_31 : memref<40x128xf32, #tpu.memory_space<vmem_shared>>) target_semaphore(%run_scoped3A : memref<!tpu.dma_semaphore, #tpu.memory_space<semaphore_mem>>)
          %dma_wait3A = arith.constant 0 : i32
          %dma_wait3A_32 = tpu.memref_slice %arg11[%add3A, %dma_wait3A] : memref<10000x128xf32, #tpu.memory_space<vmem_shared>> -> memref<40x128xf32, #tpu.memory_space<vmem_shared>>
          %dma_wait3A_33 = arith.constant 0 : i32
          %dma_wait3A_34 = tpu.memref_slice %arg11[%add3A, %dma_wait3A_33] : memref<10000x128xf32, #tpu.memory_space<vmem_shared>> -> memref<40x128xf32, #tpu.memory_space<vmem_shared>>
          tpu.wait_dma2 semaphore(%run_scoped3A : memref<!tpu.dma_semaphore, #tpu.memory_space<semaphore_mem>>) src(%arg10 : memref<40x128xf32, #tpu.memory_space<vmem>>) dst(%dma_wait3A_34 : memref<40x128xf32, #tpu.memory_space<vmem_shared>>)
          tpu.yield
        }) : () -> ()
      }
      %scan3A_24 = arith.constant 25 : i32
    } else {
    }
    %barrier3A = arith.constant 0 : index
    tpu.barrier barrier_id(%barrier3A)
    %scan3A = arith.constant 0 : i32
    %scan3A_2 = arith.constant 0 : i32
    %scan3A_3 = arith.constant 10 : i32
    %scan3A_4 = arith.addi %scan3A_2, %scan3A_3 : i32
    %scan3A_5 = arith.constant 1 : i32
    scf.for %scan3A_13 = %scan3A_2 to %scan3A_4 step %scan3A_5  : i32 {
      %mul3A = arith.constant 160 : i32
      %mul3A_14 = arith.muli %arg1, %mul3A : i32
      %mul3A_15 = arith.constant 16 : i32
      %mul3A_16 = arith.muli %scan3A_13, %mul3A_15 : i32
      %add3A = arith.addi %mul3A_14, %mul3A_16 : i32
      "tpu.region"() ({
        %run_scoped3A = tpu.sem_alloc : memref<!tpu.dma_semaphore, #tpu.memory_space<semaphore_mem>>
        %dma_start3A = arith.constant 0 : i32
        %dma_start3A_23 = tpu.memref_slice %arg3[%arg0, %add3A, %dma_start3A] : memref<2x2560x125xi32, #tpu.memory_space<hbm>> -> memref<1x16x125xi32, #tpu.memory_space<hbm>>
        %dma_start3A_24 = tpu.memref_squeeze %dma_start3A_23 : memref<1x16x125xi32, #tpu.memory_space<hbm>> -> memref<16x125xi32, #tpu.memory_space<hbm>>
        %dma_start3A_25 = arith.constant 0 : i32
        %dma_start3A_26 = tpu.memref_slice %arg3[%arg0, %add3A, %dma_start3A_25] : memref<2x2560x125xi32, #tpu.memory_space<hbm>> -> memref<1x16x125xi32, #tpu.memory_space<hbm>>
        %dma_start3A_27 = tpu.memref_squeeze %dma_start3A_26 : memref<1x16x125xi32, #tpu.memory_space<hbm>> -> memref<16x125xi32, #tpu.memory_space<hbm>>
        tpu.enqueue_dma source(%dma_start3A_27 : memref<16x125xi32, #tpu.memory_space<hbm>>) target(%arg6 : memref<16x125xi32, #tpu.memory_space<vmem>>) target_semaphore(%run_scoped3A : memref<!tpu.dma_semaphore, #tpu.memory_space<semaphore_mem>>)
        %dma_wait3A = arith.constant 0 : i32
        %dma_wait3A_28 = tpu.memref_slice %arg3[%arg0, %add3A, %dma_wait3A] : memref<2x2560x125xi32, #tpu.memory_space<hbm>> -> memref<1x16x125xi32, #tpu.memory_space<hbm>>
        %dma_wait3A_29 = tpu.memref_squeeze %dma_wait3A_28 : memref<1x16x125xi32, #tpu.memory_space<hbm>> -> memref<16x125xi32, #tpu.memory_space<hbm>>
        %dma_wait3A_30 = arith.constant 0 : i32
        %dma_wait3A_31 = tpu.memref_slice %arg3[%arg0, %add3A, %dma_wait3A_30] : memref<2x2560x125xi32, #tpu.memory_space<hbm>> -> memref<1x16x125xi32, #tpu.memory_space<hbm>>
        %dma_wait3A_32 = tpu.memref_squeeze %dma_wait3A_31 : memref<1x16x125xi32, #tpu.memory_space<hbm>> -> memref<16x125xi32, #tpu.memory_space<hbm>>
        tpu.wait_dma2 semaphore(%run_scoped3A : memref<!tpu.dma_semaphore, #tpu.memory_space<semaphore_mem>>) src(%dma_wait3A_32 : memref<16x125xi32, #tpu.memory_space<hbm>>) dst(%arg6 : memref<16x125xi32, #tpu.memory_space<vmem>>)
        tpu.yield
      }) : () -> ()
      "tpu.region"() ({
        %run_scoped3A = tpu.sem_alloc : memref<!tpu.dma_semaphore, #tpu.memory_space<semaphore_mem>>
        %dma_start3A = arith.constant 0 : i32
        %dma_start3A_23 = tpu.memref_slice %arg4[%add3A, %dma_start3A] : memref<2560x125xi32, #tpu.memory_space<hbm>> -> memref<16x125xi32, #tpu.memory_space<hbm>>
        %dma_start3A_24 = arith.constant 0 : i32
        %dma_start3A_25 = tpu.memref_slice %arg4[%add3A, %dma_start3A_24] : memref<2560x125xi32, #tpu.memory_space<hbm>> -> memref<16x125xi32, #tpu.memory_space<hbm>>
        tpu.enqueue_dma source(%dma_start3A_25 : memref<16x125xi32, #tpu.memory_space<hbm>>) target(%arg7 : memref<16x125xi32, #tpu.memory_space<vmem>>) target_semaphore(%run_scoped3A : memref<!tpu.dma_semaphore, #tpu.memory_space<semaphore_mem>>)
        %dma_wait3A = arith.constant 0 : i32
        %dma_wait3A_26 = tpu.memref_slice %arg4[%add3A, %dma_wait3A] : memref<2560x125xi32, #tpu.memory_space<hbm>> -> memref<16x125xi32, #tpu.memory_space<hbm>>
        %dma_wait3A_27 = arith.constant 0 : i32
        %dma_wait3A_28 = tpu.memref_slice %arg4[%add3A, %dma_wait3A_27] : memref<2560x125xi32, #tpu.memory_space<hbm>> -> memref<16x125xi32, #tpu.memory_space<hbm>>
        tpu.wait_dma2 semaphore(%run_scoped3A : memref<!tpu.dma_semaphore, #tpu.memory_space<semaphore_mem>>) src(%dma_wait3A_28 : memref<16x125xi32, #tpu.memory_space<hbm>>) dst(%arg7 : memref<16x125xi32, #tpu.memory_space<vmem>>)
        tpu.yield
      }) : () -> ()
      %scan3A_17 = arith.constant 0 : i32
      %scan3A_18 = arith.constant 0 : i32
      %scan3A_19 = arith.constant 8 : i32
      %scan3A_20 = arith.addi %scan3A_18, %scan3A_19 : i32
      %scan3A_21 = arith.constant 1 : i32
      scf.for %scan3A_23 = %scan3A_18 to %scan3A_20 step %scan3A_21  : i32 {
        %mul3A_24 = arith.constant 2 : i32
        %mul3A_25 = arith.muli %scan3A_23, %mul3A_24 : i32
        %add3A_26 = arith.constant 1 : i32
        %add3A_27 = arith.addi %mul3A_25, %add3A_26 : i32
        %dma_start3A = arith.constant 0 : i32
        %dma_start3A_28 = tpu.memref_slice %arg6[%mul3A_25, %dma_start3A] : memref<16x125xi32, #tpu.memory_space<vmem>> -> memref<1x125xi32, #tpu.memory_space<vmem>>
        %dma_start3A_29 = tpu.memref_squeeze %dma_start3A_28 : memref<1x125xi32, #tpu.memory_space<vmem>> -> memref<125xi32, #tpu.memory_space<vmem>>
        %dma_start3A_30 = arith.constant 0 : i32
        %dma_start3A_31 = arith.constant 0 : i32
        %dma_start3A_32 = tpu.memref_slice %arg2[%dma_start3A_30, %dma_start3A_31] : memref<140000x128xf32, #tpu.memory_space<hbm>> -> memref<140000x128xf32, #tpu.memory_space<hbm>>
        tpu.enqueue_indirect_dma source(%dma_start3A_32 : memref<140000x128xf32, #tpu.memory_space<hbm>>) target(%arg8 : memref<125x128xf32, #tpu.memory_space<vmem>>) offsets(%dma_start3A_29 : memref<125xi32, #tpu.memory_space<vmem>>) semaphore(%arg12 : memref<!tpu.dma_semaphore, #tpu.memory_space<semaphore_mem>>)
        %dma_start3A_33 = arith.constant 0 : i32
        %dma_start3A_34 = tpu.memref_slice %arg6[%add3A_27, %dma_start3A_33] : memref<16x125xi32, #tpu.memory_space<vmem>> -> memref<1x125xi32, #tpu.memory_space<vmem>>
        %dma_start3A_35 = tpu.memref_squeeze %dma_start3A_34 : memref<1x125xi32, #tpu.memory_space<vmem>> -> memref<125xi32, #tpu.memory_space<vmem>>
        %dma_start3A_36 = arith.constant 0 : i32
        %dma_start3A_37 = arith.constant 0 : i32
        %dma_start3A_38 = tpu.memref_slice %arg2[%dma_start3A_36, %dma_start3A_37] : memref<140000x128xf32, #tpu.memory_space<hbm>> -> memref<140000x128xf32, #tpu.memory_space<hbm>>
        tpu.enqueue_indirect_dma source(%dma_start3A_38 : memref<140000x128xf32, #tpu.memory_space<hbm>>) target(%arg9 : memref<125x128xf32, #tpu.memory_space<vmem>>) offsets(%dma_start3A_35 : memref<125xi32, #tpu.memory_space<vmem>>) semaphore(%arg13 : memref<!tpu.dma_semaphore, #tpu.memory_space<semaphore_mem>>)
        %dma_wait3A = arith.constant 0 : i32
        %dma_wait3A_39 = tpu.memref_slice %arg6[%mul3A_25, %dma_wait3A] : memref<16x125xi32, #tpu.memory_space<vmem>> -> memref<1x125xi32, #tpu.memory_space<vmem>>
        %dma_wait3A_40 = tpu.memref_squeeze %dma_wait3A_39 : memref<1x125xi32, #tpu.memory_space<vmem>> -> memref<125xi32, #tpu.memory_space<vmem>>
        %dma_wait3A_41 = arith.constant 0 : i32
        %dma_wait3A_42 = arith.constant 0 : i32
        %dma_wait3A_43 = tpu.memref_slice %arg2[%dma_wait3A_41, %dma_wait3A_42] : memref<140000x128xf32, #tpu.memory_space<hbm>> -> memref<140000x128xf32, #tpu.memory_space<hbm>>
        tpu.wait_indirect_dma semaphore(%arg12 : memref<!tpu.dma_semaphore, #tpu.memory_space<semaphore_mem>>) src(%dma_wait3A_43 : memref<140000x128xf32, #tpu.memory_space<hbm>>) dst(%arg8 : memref<125x128xf32, #tpu.memory_space<vmem>>)
        %dma_start3A_44 = arith.constant 0 : i32
        %dma_start3A_45 = tpu.memref_slice %arg7[%mul3A_25, %dma_start3A_44] : memref<16x125xi32, #tpu.memory_space<vmem>> -> memref<1x125xi32, #tpu.memory_space<vmem>>
        %dma_start3A_46 = tpu.memref_squeeze %dma_start3A_45 : memref<1x125xi32, #tpu.memory_space<vmem>> -> memref<125xi32, #tpu.memory_space<vmem>>
        %dma_start3A_47 = arith.constant 0 : i32
        %dma_start3A_48 = arith.constant 0 : i32
        %dma_start3A_49 = tpu.memref_slice %arg11[%dma_start3A_47, %dma_start3A_48] : memref<10000x128xf32, #tpu.memory_space<vmem_shared>> -> memref<10000x128xf32, #tpu.memory_space<vmem_shared>>
        tpu.enqueue_indirect_dma source(%arg8 : memref<125x128xf32, #tpu.memory_space<vmem>>) target(%dma_start3A_49 : memref<10000x128xf32, #tpu.memory_space<vmem_shared>>) offsets(%dma_start3A_46 : memref<125xi32, #tpu.memory_space<vmem>>) semaphore(%arg14 : memref<!tpu.dma_semaphore, #tpu.memory_space<semaphore_mem>>) {add = true}
        %dma_wait3A_50 = arith.constant 0 : i32
        %dma_wait3A_51 = tpu.memref_slice %arg6[%add3A_27, %dma_wait3A_50] : memref<16x125xi32, #tpu.memory_space<vmem>> -> memref<1x125xi32, #tpu.memory_space<vmem>>
        %dma_wait3A_52 = tpu.memref_squeeze %dma_wait3A_51 : memref<1x125xi32, #tpu.memory_space<vmem>> -> memref<125xi32, #tpu.memory_space<vmem>>
        %dma_wait3A_53 = arith.constant 0 : i32
        %dma_wait3A_54 = arith.constant 0 : i32
        %dma_wait3A_55 = tpu.memref_slice %arg2[%dma_wait3A_53, %dma_wait3A_54] : memref<140000x128xf32, #tpu.memory_space<hbm>> -> memref<140000x128xf32, #tpu.memory_space<hbm>>
        tpu.wait_indirect_dma semaphore(%arg13 : memref<!tpu.dma_semaphore, #tpu.memory_space<semaphore_mem>>) src(%dma_wait3A_55 : memref<140000x128xf32, #tpu.memory_space<hbm>>) dst(%arg9 : memref<125x128xf32, #tpu.memory_space<vmem>>)
        %dma_start3A_56 = arith.constant 0 : i32
        %dma_start3A_57 = tpu.memref_slice %arg7[%add3A_27, %dma_start3A_56] : memref<16x125xi32, #tpu.memory_space<vmem>> -> memref<1x125xi32, #tpu.memory_space<vmem>>
        %dma_start3A_58 = tpu.memref_squeeze %dma_start3A_57 : memref<1x125xi32, #tpu.memory_space<vmem>> -> memref<125xi32, #tpu.memory_space<vmem>>
        %dma_start3A_59 = arith.constant 0 : i32
        %dma_start3A_60 = arith.constant 0 : i32
        %dma_start3A_61 = tpu.memref_slice %arg11[%dma_start3A_59, %dma_start3A_60] : memref<10000x128xf32, #tpu.memory_space<vmem_shared>> -> memref<10000x128xf32, #tpu.memory_space<vmem_shared>>
        tpu.enqueue_indirect_dma source(%arg9 : memref<125x128xf32, #tpu.memory_space<vmem>>) target(%dma_start3A_61 : memref<10000x128xf32, #tpu.memory_space<vmem_shared>>) offsets(%dma_start3A_58 : memref<125xi32, #tpu.memory_space<vmem>>) semaphore(%arg15 : memref<!tpu.dma_semaphore, #tpu.memory_space<semaphore_mem>>) {add = true}
        %dma_wait3A_62 = arith.constant 0 : i32
        %dma_wait3A_63 = tpu.memref_slice %arg7[%mul3A_25, %dma_wait3A_62] : memref<16x125xi32, #tpu.memory_space<vmem>> -> memref<1x125xi32, #tpu.memory_space<vmem>>
        %dma_wait3A_64 = tpu.memref_squeeze %dma_wait3A_63 : memref<1x125xi32, #tpu.memory_space<vmem>> -> memref<125xi32, #tpu.memory_space<vmem>>
        %dma_wait3A_65 = arith.constant 0 : i32
        %dma_wait3A_66 = arith.constant 0 : i32
        %dma_wait3A_67 = tpu.memref_slice %arg11[%dma_wait3A_65, %dma_wait3A_66] : memref<10000x128xf32, #tpu.memory_space<vmem_shared>> -> memref<10000x128xf32, #tpu.memory_space<vmem_shared>>
        tpu.wait_indirect_dma semaphore(%arg14 : memref<!tpu.dma_semaphore, #tpu.memory_space<semaphore_mem>>) src(%arg8 : memref<125x128xf32, #tpu.memory_space<vmem>>) dst(%dma_wait3A_67 : memref<10000x128xf32, #tpu.memory_space<vmem_shared>>)
        %dma_wait3A_68 = arith.constant 0 : i32
        %dma_wait3A_69 = tpu.memref_slice %arg7[%add3A_27, %dma_wait3A_68] : memref<16x125xi32, #tpu.memory_space<vmem>> -> memref<1x125xi32, #tpu.memory_space<vmem>>
        %dma_wait3A_70 = tpu.memref_squeeze %dma_wait3A_69 : memref<1x125xi32, #tpu.memory_space<vmem>> -> memref<125xi32, #tpu.memory_space<vmem>>
        %dma_wait3A_71 = arith.constant 0 : i32
        %dma_wait3A_72 = arith.constant 0 : i32
        %dma_wait3A_73 = tpu.memref_slice %arg11[%dma_wait3A_71, %dma_wait3A_72] : memref<10000x128xf32, #tpu.memory_space<vmem_shared>> -> memref<10000x128xf32, #tpu.memory_space<vmem_shared>>
        tpu.wait_indirect_dma semaphore(%arg15 : memref<!tpu.dma_semaphore, #tpu.memory_space<semaphore_mem>>) src(%arg9 : memref<125x128xf32, #tpu.memory_space<vmem>>) dst(%dma_wait3A_73 : memref<10000x128xf32, #tpu.memory_space<vmem_shared>>)
      }
      %scan3A_22 = arith.constant 8 : i32
    }
    %scan3A_6 = arith.constant 10 : i32
    %barrier3A_7 = arith.constant 0 : index
    tpu.barrier barrier_id(%barrier3A_7)
    %lt3A_8 = arith.constant 10 : i32
    %lt3A_9 = arith.cmpi slt, %arg1, %lt3A_8 : i32
    %convert_element_type3A_10 = arith.extui %lt3A_9 : i1 to i32
    %cond3A_11 = arith.constant 0 : i32
    %cond3A_12 = arith.cmpi ne, %convert_element_type3A_10, %cond3A_11 : i32
    scf.if %cond3A_12 {
      %mul3A = arith.constant 1000 : i32
      %mul3A_13 = arith.muli %arg1, %mul3A : i32
      %mul3A_14 = arith.constant 1000 : i32
      %mul3A_15 = arith.muli %arg1, %mul3A_14 : i32
      "tpu.region"() ({
        %run_scoped3A = tpu.sem_alloc : memref<!tpu.dma_semaphore, #tpu.memory_space<semaphore_mem>>
        %dma_start3A = arith.constant 0 : i32
        %dma_start3A_16 = tpu.memref_slice %arg5[%arg0, %mul3A_15, %dma_start3A] : memref<2x10000x128xf32, #tpu.memory_space<hbm>> -> memref<1x1000x128xf32, #tpu.memory_space<hbm>>
        %dma_start3A_17 = tpu.memref_squeeze %dma_start3A_16 : memref<1x1000x128xf32, #tpu.memory_space<hbm>> -> memref<1000x128xf32, #tpu.memory_space<hbm>>
        %dma_start3A_18 = arith.constant 0 : i32
        %dma_start3A_19 = tpu.memref_slice %arg11[%mul3A_13, %dma_start3A_18] : memref<10000x128xf32, #tpu.memory_space<vmem_shared>> -> memref<1000x128xf32, #tpu.memory_space<vmem_shared>>
        tpu.enqueue_dma source(%dma_start3A_19 : memref<1000x128xf32, #tpu.memory_space<vmem_shared>>) target(%dma_start3A_17 : memref<1000x128xf32, #tpu.memory_space<hbm>>) target_semaphore(%run_scoped3A : memref<!tpu.dma_semaphore, #tpu.memory_space<semaphore_mem>>)
        %dma_wait3A = arith.constant 0 : i32
        %dma_wait3A_20 = tpu.memref_slice %arg5[%arg0, %mul3A_15, %dma_wait3A] : memref<2x10000x128xf32, #tpu.memory_space<hbm>> -> memref<1x1000x128xf32, #tpu.memory_space<hbm>>
        %dma_wait3A_21 = tpu.memref_squeeze %dma_wait3A_20 : memref<1x1000x128xf32, #tpu.memory_space<hbm>> -> memref<1000x128xf32, #tpu.memory_space<hbm>>
        %dma_wait3A_22 = arith.constant 0 : i32
        %dma_wait3A_23 = tpu.memref_slice %arg11[%mul3A_13, %dma_wait3A_22] : memref<10000x128xf32, #tpu.memory_space<vmem_shared>> -> memref<1000x128xf32, #tpu.memory_space<vmem_shared>>
        tpu.wait_dma2 semaphore(%run_scoped3A : memref<!tpu.dma_semaphore, #tpu.memory_space<semaphore_mem>>) src(%dma_wait3A_23 : memref<1000x128xf32, #tpu.memory_space<vmem_shared>>) dst(%dma_wait3A_21 : memref<1000x128xf32, #tpu.memory_space<hbm>>)
        tpu.yield
      }) : () -> ()
    } else {
    }
    return
  }
}

module attributes {stable_mosaic.version = 14 : i64} {
  func.func @_proj_body(%arg0: i32, %arg1: i32, %arg2: i32, %arg3: memref<2000x128xf32, #tpu.memory_space<vmem>>, %arg4: memref<2x7x128x128xbf16, #tpu.memory_space<vmem>>, %arg5: memref<2000x128xf32, #tpu.memory_space<vmem>>) attributes {dimension_semantics = [#tpu.dimension_semantics<arbitrary>, #tpu.dimension_semantics<arbitrary>, #tpu.dimension_semantics<arbitrary>], iteration_bounds = array<i64: 5, 2, 7>, scalar_prefetch = 0 : i64, scratch_operands = 0 : i64, tpu.core_type = #tpu.core_type<tc>, window_params = [{transform_indices = @transform_0, window_bounds = array<i64: 2000, 128>}, {pipeline_mode = #tpu.pipeline_mode<synchronous>, transform_indices = @transform_1, window_bounds = array<i64: 2, 7, 128, 128>}, {transform_indices = @transform_2, window_bounds = array<i64: 2000, 128>}]} {
    %get3A = arith.index_cast %arg1 : i32 to index
    %get3A_0 = arith.index_cast %arg2 : i32 to index
    %get3A_1 = arith.constant 0 : index
    %get3A_2 = arith.constant 0 : index
    %get3A_3 = vector.load %arg4[%get3A, %get3A_0, %get3A_1, %get3A_2] : memref<2x7x128x128xbf16, #tpu.memory_space<vmem>>, vector<1x1x128x128xbf16>
    %get3A_4 = vector.shape_cast %get3A_3 : vector<1x1x128x128xbf16> to vector<128x128xbf16>
    %get3A_5 = arith.constant 0 : index
    %get3A_6 = arith.constant 0 : index
    %get3A_7 = vector.load %arg3[%get3A_5, %get3A_6] : memref<2000x128xf32, #tpu.memory_space<vmem>>, vector<2000x128xf32>
    %convert_element_type3A = arith.truncf %get3A_7 : vector<2000x128xf32> to vector<2000x128xbf16>
    %dot_general3A = arith.constant dense<0.000000e+00> : vector<2000x128xf32>
    %dot_general3A_8 = tpu.matmul %convert_element_type3A, %get3A_4, %dot_general3A {dimension_numbers = #tpu.dot_dimension_numbers<[1], [0], [0], [1], [0, 0, 1, 1], [], []>, transpose_lhs_hint = false} : vector<2000x128xbf16>, vector<128x128xbf16>, vector<2000x128xf32> -> vector<2000x128xf32>
    %swap3A = arith.constant 0 : index
    %swap3A_9 = arith.constant 0 : index
    %swap3A_10 = vector.load %arg5[%swap3A, %swap3A_9] : memref<2000x128xf32, #tpu.memory_space<vmem>>, vector<2000x128xf32>
    tpu.vector_store %arg5[%swap3A, %swap3A_9], %dot_general3A_8 {strides = array<i32>} : memref<2000x128xf32, #tpu.memory_space<vmem>>, vector<2000x128xf32>,
    return
  }
  func.func @transform_0(%arg0: i32, %arg1: i32, %arg2: i32) -> (i32, i32) {
    %c0_i32 = arith.constant 0 : i32
    %c0_i32_0 = arith.constant 0 : i32
    return %arg0, %c0_i32 : i32, i32
  }
  func.func @transform_1(%arg0: i32, %arg1: i32, %arg2: i32) -> (i32, i32, i32, i32) {
    %c0_i32 = arith.constant 0 : i32
    %c0_i32_0 = arith.constant 0 : i32
    %c0_i32_1 = arith.constant 0 : i32
    %c0_i32_2 = arith.constant 0 : i32
    %c0_i32_3 = arith.constant 0 : i32
    return %c0_i32, %c0_i32_0, %c0_i32_1, %c0_i32_2 : i32, i32, i32, i32
  }
  func.func @transform_2(%arg0: i32, %arg1: i32, %arg2: i32) -> (i32, i32) {
    %mul3A = arith.constant 35 : i32
    %mul3A_0 = arith.muli %arg1, %mul3A : i32
    %mul3A_1 = arith.constant 5 : i32
    %mul3A_2 = arith.muli %arg2, %mul3A_1 : i32
    %add3A = arith.addi %mul3A_0, %mul3A_2 : i32
    %add3A_3 = arith.addi %add3A, %arg0 : i32
    %c0_i32 = arith.constant 0 : i32
    %c0_i32_4 = arith.constant 0 : i32
    return %add3A_3, %c0_i32 : i32, i32
  }
}

module attributes {stable_mosaic.version = 14 : i64} {
  func.func @_self_skip_body(%arg0: i32, %arg1: memref<2000x128xf32, #tpu.memory_space<vmem>>, %arg2: memref<128x256xf32, #tpu.memory_space<vmem>>, %arg3: memref<1x256xf32, #tpu.memory_space<vmem>>, %arg4: memref<128x256xf32, #tpu.memory_space<vmem>>, %arg5: memref<2000x256xf32, #tpu.memory_space<vmem>>, %arg6: memref<2000x256xf32, #tpu.memory_space<vmem>>) attributes {dimension_semantics = [#tpu.dimension_semantics<arbitrary>], iteration_bounds = array<i64: 5>, scalar_prefetch = 0 : i64, scratch_operands = 0 : i64, tpu.core_type = #tpu.core_type<tc>, window_params = [{transform_indices = @transform_0, window_bounds = array<i64: 2000, 128>}, {pipeline_mode = #tpu.pipeline_mode<synchronous>, transform_indices = @transform_1, window_bounds = array<i64: 128, 256>}, {pipeline_mode = #tpu.pipeline_mode<synchronous>, transform_indices = @transform_2, window_bounds = array<i64: 1, 256>}, {pipeline_mode = #tpu.pipeline_mode<synchronous>, transform_indices = @transform_3, window_bounds = array<i64: 128, 256>}, {transform_indices = @transform_4, window_bounds = array<i64: 2000, 256>}, {transform_indices = @transform_5, window_bounds = array<i64: 2000, 256>}]} {
    %get3A = arith.constant 0 : index
    %get3A_0 = arith.constant 0 : index
    %get3A_1 = vector.load %arg1[%get3A, %get3A_0] : memref<2000x128xf32, #tpu.memory_space<vmem>>, vector<2000x128xf32>
    %get3A_2 = arith.constant 0 : index
    %get3A_3 = arith.constant 0 : index
    %get3A_4 = vector.load %arg2[%get3A_2, %get3A_3] : memref<128x256xf32, #tpu.memory_space<vmem>>, vector<128x256xf32>
    %dot_general3A = arith.constant dense<0.000000e+00> : vector<2000x256xf32>
    %dot_general3A_5 = tpu.matmul %get3A_1, %get3A_4, %dot_general3A {dimension_numbers = #tpu.dot_dimension_numbers<[1], [0], [0], [1], [0, 0, 1, 1], [], []>, transpose_lhs_hint = false} : vector<2000x128xf32>, vector<128x256xf32>, vector<2000x256xf32> -> vector<2000x256xf32>
    %get3A_6 = arith.constant 0 : index
    %get3A_7 = arith.constant 0 : index
    %get3A_8 = vector.load %arg3[%get3A_6, %get3A_7] : memref<1x256xf32, #tpu.memory_space<vmem>>, vector<1x256xf32>
    %add3A = vector.broadcast %get3A_8 : vector<1x256xf32> to vector<2000x256xf32>
    %add3A_9 = arith.addf %dot_general3A_5, %add3A : vector<2000x256xf32>
    %swap3A = arith.constant 0 : index
    %swap3A_10 = arith.constant 0 : index
    %swap3A_11 = vector.load %arg5[%swap3A, %swap3A_10] : memref<2000x256xf32, #tpu.memory_space<vmem>>, vector<2000x256xf32>
    tpu.vector_store %arg5[%swap3A, %swap3A_10], %add3A_9 {strides = array<i32>} : memref<2000x256xf32, #tpu.memory_space<vmem>>, vector<2000x256xf32>,
    %get3A_12 = arith.constant 0 : index
    %get3A_13 = arith.constant 0 : index
    %get3A_14 = vector.load %arg4[%get3A_12, %get3A_13] : memref<128x256xf32, #tpu.memory_space<vmem>>, vector<128x256xf32>
    %dot_general3A_15 = arith.constant dense<0.000000e+00> : vector<2000x256xf32>
    %dot_general3A_16 = tpu.matmul %get3A_1, %get3A_14, %dot_general3A_15 {dimension_numbers = #tpu.dot_dimension_numbers<[1], [0], [0], [1], [0, 0, 1, 1], [], []>, transpose_lhs_hint = false} : vector<2000x128xf32>, vector<128x256xf32>, vector<2000x256xf32> -> vector<2000x256xf32>
    %swap3A_17 = arith.constant 0 : index
    %swap3A_18 = arith.constant 0 : index
    %swap3A_19 = vector.load %arg6[%swap3A_17, %swap3A_18] : memref<2000x256xf32, #tpu.memory_space<vmem>>, vector<2000x256xf32>
    tpu.vector_store %arg6[%swap3A_17, %swap3A_18], %dot_general3A_16 {strides = array<i32>} : memref<2000x256xf32, #tpu.memory_space<vmem>>, vector<2000x256xf32>,
    return
  }
  func.func @transform_0(%arg0: i32) -> (i32, i32) {
    %c0_i32 = arith.constant 0 : i32
    %c0_i32_0 = arith.constant 0 : i32
    return %arg0, %c0_i32 : i32, i32
  }
  func.func @transform_1(%arg0: i32) -> (i32, i32) {
    %c0_i32 = arith.constant 0 : i32
    %c0_i32_0 = arith.constant 0 : i32
    %c0_i32_1 = arith.constant 0 : i32
    return %c0_i32, %c0_i32_0 : i32, i32
  }
  func.func @transform_2(%arg0: i32) -> (i32, i32) {
    %c0_i32 = arith.constant 0 : i32
    %c0_i32_0 = arith.constant 0 : i32
    %c0_i32_1 = arith.constant 0 : i32
    return %c0_i32, %c0_i32_0 : i32, i32
  }
  func.func @transform_3(%arg0: i32) -> (i32, i32) {
    %c0_i32 = arith.constant 0 : i32
    %c0_i32_0 = arith.constant 0 : i32
    %c0_i32_1 = arith.constant 0 : i32
    return %c0_i32, %c0_i32_0 : i32, i32
  }
  func.func @transform_4(%arg0: i32) -> (i32, i32) {
    %c0_i32 = arith.constant 0 : i32
    %c0_i32_0 = arith.constant 0 : i32
    return %arg0, %c0_i32 : i32, i32
  }
  func.func @transform_5(%arg0: i32) -> (i32, i32) {
    %c0_i32 = arith.constant 0 : i32
    %c0_i32_0 = arith.constant 0 : i32
    return %arg0, %c0_i32 : i32, i32
  }
}

module attributes {stable_mosaic.version = 14 : i64} {
  func.func @_stats_body(%arg0: i32, %arg1: memref<2000x256xf32, #tpu.memory_space<vmem>>, %arg2: memref<2000x256xf32, #tpu.memory_space<vmem>>, %arg3: memref<2x256xf32, #tpu.memory_space<vmem>>, %arg4: memref<8x256xf32, #tpu.memory_space<vmem>>, %arg5: memref<8x256xf32, #tpu.memory_space<vmem>>) attributes {dimension_semantics = [#tpu.dimension_semantics<arbitrary>], iteration_bounds = array<i64: 5>, scalar_prefetch = 0 : i64, scratch_operands = 2 : i64, tpu.core_type = #tpu.core_type<tc>, window_params = [{transform_indices = @transform_0, window_bounds = array<i64: 2000, 256>}, {transform_indices = @transform_1, window_bounds = array<i64: 2000, 256>}, {pipeline_mode = #tpu.pipeline_mode<synchronous>, transform_indices = @transform_2, window_bounds = array<i64: 2, 256>}]} {
    %eq3A = arith.constant 0 : i32
    %eq3A_0 = arith.cmpi eq, %arg0, %eq3A : i32
    %convert_element_type3A = arith.extui %eq3A_0 : i1 to i32
    %cond3A = arith.constant 0 : i32
    %cond3A_1 = arith.cmpi ne, %convert_element_type3A, %cond3A : i32
    scf.if %cond3A_1 {
      %broadcast_in_dim3A_29 = arith.constant 0.000000e+00 : f32
      %broadcast_in_dim3A_30 = vector.broadcast %broadcast_in_dim3A_29 : f32 to vector<8x256xf32>
      %swap3A_31 = arith.constant 0 : index
      %swap3A_32 = arith.constant 0 : index
      %swap3A_33 = vector.load %arg4[%swap3A_31, %swap3A_32] : memref<8x256xf32, #tpu.memory_space<vmem>>, vector<8x256xf32>
      tpu.vector_store %arg4[%swap3A_31, %swap3A_32], %broadcast_in_dim3A_30 {strides = array<i32>} : memref<8x256xf32, #tpu.memory_space<vmem>>, vector<8x256xf32>,
      %broadcast_in_dim3A_34 = arith.constant 0.000000e+00 : f32
      %broadcast_in_dim3A_35 = vector.broadcast %broadcast_in_dim3A_34 : f32 to vector<8x256xf32>
      %swap3A_36 = arith.constant 0 : index
      %swap3A_37 = arith.constant 0 : index
      %swap3A_38 = vector.load %arg5[%swap3A_36, %swap3A_37] : memref<8x256xf32, #tpu.memory_space<vmem>>, vector<8x256xf32>
      tpu.vector_store %arg5[%swap3A_36, %swap3A_37], %broadcast_in_dim3A_35 {strides = array<i32>} : memref<8x256xf32, #tpu.memory_space<vmem>>, vector<8x256xf32>,
    } else {
    }
    %get3A = arith.constant 0 : index
    %get3A_2 = arith.constant 0 : index
    %get3A_3 = vector.load %arg1[%get3A, %get3A_2] : memref<2000x256xf32, #tpu.memory_space<vmem>>, vector<2000x256xf32>
    %get3A_4 = arith.constant 0 : index
    %get3A_5 = arith.constant 0 : index
    %get3A_6 = vector.load %arg2[%get3A_4, %get3A_5] : memref<2000x256xf32, #tpu.memory_space<vmem>>, vector<2000x256xf32>
    %add3A = arith.addf %get3A_3, %get3A_6 : vector<2000x256xf32>
    %get3A_7 = arith.constant 0 : index
    %get3A_8 = arith.constant 0 : index
    %get3A_9 = vector.load %arg4[%get3A_7, %get3A_8] : memref<8x256xf32, #tpu.memory_space<vmem>>, vector<1x256xf32>
    %reduce_sum3A = arith.constant dense<0.000000e+00> : vector<256xf32>
    %reduce_sum3A_10 = vector.multi_reduction <add>, %add3A, %reduce_sum3A [0] : vector<2000x256xf32> to vector<256xf32>
    %broadcast_in_dim3A = vector.shape_cast %reduce_sum3A_10 : vector<256xf32> to vector<1x256xf32>
    %add3A_11 = arith.addf %get3A_9, %broadcast_in_dim3A : vector<1x256xf32>
    %swap3A = arith.constant 0 : index
    %swap3A_12 = arith.constant 0 : index
    %swap3A_13 = vector.load %arg4[%swap3A, %swap3A_12] : memref<8x256xf32, #tpu.memory_space<vmem>>, vector<1x256xf32>
    tpu.vector_store %arg4[%swap3A, %swap3A_12], %add3A_11 {strides = array<i32>} : memref<8x256xf32, #tpu.memory_space<vmem>>, vector<1x256xf32>,
    %get3A_14 = arith.constant 0 : index
    %get3A_15 = arith.constant 0 : index
    %get3A_16 = vector.load %arg5[%get3A_14, %get3A_15] : memref<8x256xf32, #tpu.memory_space<vmem>>, vector<1x256xf32>
    %mul3A = arith.mulf %add3A, %add3A : vector<2000x256xf32>
    %reduce_sum3A_17 = arith.constant dense<0.000000e+00> : vector<256xf32>
    %reduce_sum3A_18 = vector.multi_reduction <add>, %mul3A, %reduce_sum3A_17 [0] : vector<2000x256xf32> to vector<256xf32>
    %broadcast_in_dim3A_19 = vector.shape_cast %reduce_sum3A_18 : vector<256xf32> to vector<1x256xf32>
    %add3A_20 = arith.addf %get3A_16, %broadcast_in_dim3A_19 : vector<1x256xf32>
    %swap3A_21 = arith.constant 0 : index
    %swap3A_22 = arith.constant 0 : index
    %swap3A_23 = vector.load %arg5[%swap3A_21, %swap3A_22] : memref<8x256xf32, #tpu.memory_space<vmem>>, vector<1x256xf32>
    tpu.vector_store %arg5[%swap3A_21, %swap3A_22], %add3A_20 {strides = array<i32>} : memref<8x256xf32, #tpu.memory_space<vmem>>, vector<1x256xf32>,
    %eq3A_24 = arith.constant 4 : i32
    %eq3A_25 = arith.cmpi eq, %arg0, %eq3A_24 : i32
    %convert_element_type3A_26 = arith.extui %eq3A_25 : i1 to i32
    %cond3A_27 = arith.constant 0 : i32
    %cond3A_28 = arith.cmpi ne, %convert_element_type3A_26, %cond3A_27 : i32
    scf.if %cond3A_28 {
      %get3A_29 = arith.constant 0 : index
      %get3A_30 = arith.constant 0 : index
      %get3A_31 = vector.load %arg4[%get3A_29, %get3A_30] : memref<8x256xf32, #tpu.memory_space<vmem>>, vector<1x256xf32>
      %mul3A_32 = arith.constant 9.99999974E-5 : f32
      %mul3A_33 = vector.broadcast %mul3A_32 : f32 to vector<1x256xf32>
      %mul3A_34 = arith.mulf %get3A_31, %mul3A_33 : vector<1x256xf32>
      %get3A_35 = arith.constant 0 : index
      %get3A_36 = arith.constant 0 : index
      %get3A_37 = vector.load %arg5[%get3A_35, %get3A_36] : memref<8x256xf32, #tpu.memory_space<vmem>>, vector<1x256xf32>
      %mul3A_38 = arith.constant 9.99999974E-5 : f32
      %mul3A_39 = vector.broadcast %mul3A_38 : f32 to vector<1x256xf32>
      %mul3A_40 = arith.mulf %get3A_37, %mul3A_39 : vector<1x256xf32>
      %mul3A_41 = arith.mulf %mul3A_34, %mul3A_34 : vector<1x256xf32>
      %sub3A = arith.subf %mul3A_40, %mul3A_41 : vector<1x256xf32>
      %swap3A_42 = arith.constant 0 : index
      %swap3A_43 = arith.constant 0 : index
      %swap3A_44 = vector.load %arg3[%swap3A_42, %swap3A_43] : memref<2x256xf32, #tpu.memory_space<vmem>>, vector<1x256xf32>
      tpu.vector_store %arg3[%swap3A_42, %swap3A_43], %mul3A_34 {strides = array<i32>} : memref<2x256xf32, #tpu.memory_space<vmem>>, vector<1x256xf32>,
      %swap3A_45 = arith.constant 1 : index
      %swap3A_46 = arith.constant 0 : index
      %swap3A_47 = vector.load %arg3[%swap3A_45, %swap3A_46] : memref<2x256xf32, #tpu.memory_space<vmem>>, vector<1x256xf32>
      tpu.vector_store %arg3[%swap3A_45, %swap3A_46], %sub3A {strides = array<i32>} : memref<2x256xf32, #tpu.memory_space<vmem>>, vector<1x256xf32>,
    } else {
    }
    return
  }
  func.func @transform_0(%arg0: i32) -> (i32, i32) {
    %c0_i32 = arith.constant 0 : i32
    %c0_i32_0 = arith.constant 0 : i32
    return %arg0, %c0_i32 : i32, i32
  }
  func.func @transform_1(%arg0: i32) -> (i32, i32) {
    %c0_i32 = arith.constant 0 : i32
    %c0_i32_0 = arith.constant 0 : i32
    return %arg0, %c0_i32 : i32, i32
  }
  func.func @transform_2(%arg0: i32) -> (i32, i32) {
    %c0_i32 = arith.constant 0 : i32
    %c0_i32_0 = arith.constant 0 : i32
    %c0_i32_1 = arith.constant 0 : i32
    return %c0_i32, %c0_i32_0 : i32, i32
  }
}

module attributes {stable_mosaic.version = 14 : i64} {
  func.func @_norm_body(%arg0: i32, %arg1: memref<2000x256xf32, #tpu.memory_space<vmem>>, %arg2: memref<2000x256xf32, #tpu.memory_space<vmem>>, %arg3: memref<2000x256xf32, #tpu.memory_space<vmem>>, %arg4: memref<2x256xf32, #tpu.memory_space<vmem>>, %arg5: memref<1x256xf32, #tpu.memory_space<vmem>>, %arg6: memref<1x256xf32, #tpu.memory_space<vmem>>, %arg7: memref<2000x256xf32, #tpu.memory_space<vmem>>) attributes {dimension_semantics = [#tpu.dimension_semantics<arbitrary>], iteration_bounds = array<i64: 5>, scalar_prefetch = 0 : i64, scratch_operands = 0 : i64, tpu.core_type = #tpu.core_type<tc>, window_params = [{transform_indices = @transform_0, window_bounds = array<i64: 2000, 256>}, {transform_indices = @transform_1, window_bounds = array<i64: 2000, 256>}, {transform_indices = @transform_2, window_bounds = array<i64: 2000, 256>}, {pipeline_mode = #tpu.pipeline_mode<synchronous>, transform_indices = @transform_3, window_bounds = array<i64: 2, 256>}, {pipeline_mode = #tpu.pipeline_mode<synchronous>, transform_indices = @transform_4, window_bounds = array<i64: 1, 256>}, {pipeline_mode = #tpu.pipeline_mode<synchronous>, transform_indices = @transform_5, window_bounds = array<i64: 1, 256>}, {transform_indices = @transform_6, window_bounds = array<i64: 2000, 256>}]} {
    %get3A = arith.constant 0 : index
    %get3A_0 = arith.constant 0 : index
    %get3A_1 = vector.load %arg1[%get3A, %get3A_0] : memref<2000x256xf32, #tpu.memory_space<vmem>>, vector<2000x256xf32>
    %get3A_2 = arith.constant 0 : index
    %get3A_3 = arith.constant 0 : index
    %get3A_4 = vector.load %arg2[%get3A_2, %get3A_3] : memref<2000x256xf32, #tpu.memory_space<vmem>>, vector<2000x256xf32>
    %add3A = arith.addf %get3A_1, %get3A_4 : vector<2000x256xf32>
    %get3A_5 = arith.constant 0 : index
    %get3A_6 = arith.constant 0 : index
    %get3A_7 = vector.load %arg4[%get3A_5, %get3A_6] : memref<2x256xf32, #tpu.memory_space<vmem>>, vector<1x256xf32>
    %get3A_8 = arith.constant 1 : index
    %get3A_9 = arith.constant 0 : index
    %get3A_10 = vector.load %arg4[%get3A_8, %get3A_9] : memref<2x256xf32, #tpu.memory_space<vmem>>, vector<1x256xf32>
    %add3A_11 = arith.constant 9.99999974E-6 : f32
    %add3A_12 = vector.broadcast %add3A_11 : f32 to vector<1x256xf32>
    %add3A_13 = arith.addf %get3A_10, %add3A_12 : vector<1x256xf32>
    %rsqrt3A = math.rsqrt %add3A_13 : vector<1x256xf32>
    %get3A_14 = arith.constant 0 : index
    %get3A_15 = arith.constant 0 : index
    %get3A_16 = vector.load %arg5[%get3A_14, %get3A_15] : memref<1x256xf32, #tpu.memory_space<vmem>>, vector<1x256xf32>
    %mul3A = arith.mulf %rsqrt3A, %get3A_16 : vector<1x256xf32>
    %sub3A = vector.broadcast %get3A_7 : vector<1x256xf32> to vector<2000x256xf32>
    %sub3A_17 = arith.subf %add3A, %sub3A : vector<2000x256xf32>
    %mul3A_18 = vector.broadcast %mul3A : vector<1x256xf32> to vector<2000x256xf32>
    %mul3A_19 = arith.mulf %sub3A_17, %mul3A_18 : vector<2000x256xf32>
    %get3A_20 = arith.constant 0 : index
    %get3A_21 = arith.constant 0 : index
    %get3A_22 = vector.load %arg6[%get3A_20, %get3A_21] : memref<1x256xf32, #tpu.memory_space<vmem>>, vector<1x256xf32>
    %add3A_23 = vector.broadcast %get3A_22 : vector<1x256xf32> to vector<2000x256xf32>
    %add3A_24 = arith.addf %mul3A_19, %add3A_23 : vector<2000x256xf32>
    %max3A = arith.constant 0.000000e+00 : f32
    %max3A_25 = vector.broadcast %max3A : f32 to vector<2000x256xf32>
    %max3A_26 = arith.maximumf %add3A_24, %max3A_25 : vector<2000x256xf32>
    %get3A_27 = arith.constant 0 : index
    %get3A_28 = arith.constant 0 : index
    %get3A_29 = vector.load %arg3[%get3A_27, %get3A_28] : memref<2000x256xf32, #tpu.memory_space<vmem>>, vector<2000x256xf32>
    %add3A_30 = arith.addf %max3A_26, %get3A_29 : vector<2000x256xf32>
    %swap3A = arith.constant 0 : index
    %swap3A_31 = arith.constant 0 : index
    %swap3A_32 = vector.load %arg7[%swap3A, %swap3A_31] : memref<2000x256xf32, #tpu.memory_space<vmem>>, vector<2000x256xf32>
    tpu.vector_store %arg7[%swap3A, %swap3A_31], %add3A_30 {strides = array<i32>} : memref<2000x256xf32, #tpu.memory_space<vmem>>, vector<2000x256xf32>,
    return
  }
  func.func @transform_0(%arg0: i32) -> (i32, i32) {
    %c0_i32 = arith.constant 0 : i32
    %c0_i32_0 = arith.constant 0 : i32
    return %arg0, %c0_i32 : i32, i32
  }
  func.func @transform_1(%arg0: i32) -> (i32, i32) {
    %c0_i32 = arith.constant 0 : i32
    %c0_i32_0 = arith.constant 0 : i32
    return %arg0, %c0_i32 : i32, i32
  }
  func.func @transform_2(%arg0: i32) -> (i32, i32) {
    %c0_i32 = arith.constant 0 : i32
    %c0_i32_0 = arith.constant 0 : i32
    return %arg0, %c0_i32 : i32, i32
  }
  func.func @transform_3(%arg0: i32) -> (i32, i32) {
    %c0_i32 = arith.constant 0 : i32
    %c0_i32_0 = arith.constant 0 : i32
    %c0_i32_1 = arith.constant 0 : i32
    return %c0_i32, %c0_i32_0 : i32, i32
  }
  func.func @transform_4(%arg0: i32) -> (i32, i32) {
    %c0_i32 = arith.constant 0 : i32
    %c0_i32_0 = arith.constant 0 : i32
    %c0_i32_1 = arith.constant 0 : i32
    return %c0_i32, %c0_i32_0 : i32, i32
  }
  func.func @transform_5(%arg0: i32) -> (i32, i32) {
    %c0_i32 = arith.constant 0 : i32
    %c0_i32_0 = arith.constant 0 : i32
    %c0_i32_1 = arith.constant 0 : i32
    return %c0_i32, %c0_i32_0 : i32, i32
  }
  func.func @transform_6(%arg0: i32) -> (i32, i32) {
    %c0_i32 = arith.constant 0 : i32
    %c0_i32_0 = arith.constant 0 : i32
    return %arg0, %c0_i32 : i32, i32
  }
}

module attributes {stable_mosaic.version = 14 : i64} {
  func.func @_proj_body(%arg0: i32, %arg1: i32, %arg2: i32, %arg3: memref<2000x256xf32, #tpu.memory_space<vmem>>, %arg4: memref<2x7x256x128xbf16, #tpu.memory_space<vmem>>, %arg5: memref<2000x128xf32, #tpu.memory_space<vmem>>) attributes {dimension_semantics = [#tpu.dimension_semantics<arbitrary>, #tpu.dimension_semantics<arbitrary>, #tpu.dimension_semantics<arbitrary>], iteration_bounds = array<i64: 5, 2, 7>, scalar_prefetch = 0 : i64, scratch_operands = 0 : i64, tpu.core_type = #tpu.core_type<tc>, window_params = [{transform_indices = @transform_0, window_bounds = array<i64: 2000, 256>}, {pipeline_mode = #tpu.pipeline_mode<synchronous>, transform_indices = @transform_1, window_bounds = array<i64: 2, 7, 256, 128>}, {transform_indices = @transform_2, window_bounds = array<i64: 2000, 128>}]} {
    %get3A = arith.index_cast %arg1 : i32 to index
    %get3A_0 = arith.index_cast %arg2 : i32 to index
    %get3A_1 = arith.constant 0 : index
    %get3A_2 = arith.constant 0 : index
    %get3A_3 = vector.load %arg4[%get3A, %get3A_0, %get3A_1, %get3A_2] : memref<2x7x256x128xbf16, #tpu.memory_space<vmem>>, vector<1x1x256x128xbf16>
    %get3A_4 = vector.shape_cast %get3A_3 : vector<1x1x256x128xbf16> to vector<256x128xbf16>
    %get3A_5 = arith.constant 0 : index
    %get3A_6 = arith.constant 0 : index
    %get3A_7 = vector.load %arg3[%get3A_5, %get3A_6] : memref<2000x256xf32, #tpu.memory_space<vmem>>, vector<2000x256xf32>
    %convert_element_type3A = arith.truncf %get3A_7 : vector<2000x256xf32> to vector<2000x256xbf16>
    %dot_general3A = arith.constant dense<0.000000e+00> : vector<2000x128xf32>
    %dot_general3A_8 = tpu.matmul %convert_element_type3A, %get3A_4, %dot_general3A {dimension_numbers = #tpu.dot_dimension_numbers<[1], [0], [0], [1], [0, 0, 1, 1], [], []>, transpose_lhs_hint = false} : vector<2000x256xbf16>, vector<256x128xbf16>, vector<2000x128xf32> -> vector<2000x128xf32>
    %swap3A = arith.constant 0 : index
    %swap3A_9 = arith.constant 0 : index
    %swap3A_10 = vector.load %arg5[%swap3A, %swap3A_9] : memref<2000x128xf32, #tpu.memory_space<vmem>>, vector<2000x128xf32>
    tpu.vector_store %arg5[%swap3A, %swap3A_9], %dot_general3A_8 {strides = array<i32>} : memref<2000x128xf32, #tpu.memory_space<vmem>>, vector<2000x128xf32>,
    return
  }
  func.func @transform_0(%arg0: i32, %arg1: i32, %arg2: i32) -> (i32, i32) {
    %c0_i32 = arith.constant 0 : i32
    %c0_i32_0 = arith.constant 0 : i32
    return %arg0, %c0_i32 : i32, i32
  }
  func.func @transform_1(%arg0: i32, %arg1: i32, %arg2: i32) -> (i32, i32, i32, i32) {
    %c0_i32 = arith.constant 0 : i32
    %c0_i32_0 = arith.constant 0 : i32
    %c0_i32_1 = arith.constant 0 : i32
    %c0_i32_2 = arith.constant 0 : i32
    %c0_i32_3 = arith.constant 0 : i32
    return %c0_i32, %c0_i32_0, %c0_i32_1, %c0_i32_2 : i32, i32, i32, i32
  }
  func.func @transform_2(%arg0: i32, %arg1: i32, %arg2: i32) -> (i32, i32) {
    %mul3A = arith.constant 35 : i32
    %mul3A_0 = arith.muli %arg1, %mul3A : i32
    %mul3A_1 = arith.constant 5 : i32
    %mul3A_2 = arith.muli %arg2, %mul3A_1 : i32
    %add3A = arith.addi %mul3A_0, %mul3A_2 : i32
    %add3A_3 = arith.addi %add3A, %arg0 : i32
    %c0_i32 = arith.constant 0 : i32
    %c0_i32_4 = arith.constant 0 : i32
    return %add3A_3, %c0_i32 : i32, i32
  }
}

module attributes {stable_mosaic.version = 14 : i64} {
  func.func @_self_body(%arg0: i32, %arg1: memref<2000x256xf32, #tpu.memory_space<vmem>>, %arg2: memref<256x256xf32, #tpu.memory_space<vmem>>, %arg3: memref<1x256xf32, #tpu.memory_space<vmem>>, %arg4: memref<2000x256xf32, #tpu.memory_space<vmem>>) attributes {dimension_semantics = [#tpu.dimension_semantics<arbitrary>], iteration_bounds = array<i64: 5>, scalar_prefetch = 0 : i64, scratch_operands = 0 : i64, tpu.core_type = #tpu.core_type<tc>, window_params = [{transform_indices = @transform_0, window_bounds = array<i64: 2000, 256>}, {pipeline_mode = #tpu.pipeline_mode<synchronous>, transform_indices = @transform_1, window_bounds = array<i64: 256, 256>}, {pipeline_mode = #tpu.pipeline_mode<synchronous>, transform_indices = @transform_2, window_bounds = array<i64: 1, 256>}, {transform_indices = @transform_3, window_bounds = array<i64: 2000, 256>}]} {
    %get3A = arith.constant 0 : index
    %get3A_0 = arith.constant 0 : index
    %get3A_1 = vector.load %arg1[%get3A, %get3A_0] : memref<2000x256xf32, #tpu.memory_space<vmem>>, vector<2000x256xf32>
    %get3A_2 = arith.constant 0 : index
    %get3A_3 = arith.constant 0 : index
    %get3A_4 = vector.load %arg2[%get3A_2, %get3A_3] : memref<256x256xf32, #tpu.memory_space<vmem>>, vector<256x256xf32>
    %dot_general3A = arith.constant dense<0.000000e+00> : vector<2000x256xf32>
    %dot_general3A_5 = tpu.matmul %get3A_1, %get3A_4, %dot_general3A {dimension_numbers = #tpu.dot_dimension_numbers<[1], [0], [0], [1], [0, 0, 1, 1], [], []>, transpose_lhs_hint = false} : vector<2000x256xf32>, vector<256x256xf32>, vector<2000x256xf32> -> vector<2000x256xf32>
    %get3A_6 = arith.constant 0 : index
    %get3A_7 = arith.constant 0 : index
    %get3A_8 = vector.load %arg3[%get3A_6, %get3A_7] : memref<1x256xf32, #tpu.memory_space<vmem>>, vector<1x256xf32>
    %add3A = vector.broadcast %get3A_8 : vector<1x256xf32> to vector<2000x256xf32>
    %add3A_9 = arith.addf %dot_general3A_5, %add3A : vector<2000x256xf32>
    %swap3A = arith.constant 0 : index
    %swap3A_10 = arith.constant 0 : index
    %swap3A_11 = vector.load %arg4[%swap3A, %swap3A_10] : memref<2000x256xf32, #tpu.memory_space<vmem>>, vector<2000x256xf32>
    tpu.vector_store %arg4[%swap3A, %swap3A_10], %add3A_9 {strides = array<i32>} : memref<2000x256xf32, #tpu.memory_space<vmem>>, vector<2000x256xf32>,
    return
  }
  func.func @transform_0(%arg0: i32) -> (i32, i32) {
    %c0_i32 = arith.constant 0 : i32
    %c0_i32_0 = arith.constant 0 : i32
    return %arg0, %c0_i32 : i32, i32
  }
  func.func @transform_1(%arg0: i32) -> (i32, i32) {
    %c0_i32 = arith.constant 0 : i32
    %c0_i32_0 = arith.constant 0 : i32
    %c0_i32_1 = arith.constant 0 : i32
    return %c0_i32, %c0_i32_0 : i32, i32
  }
  func.func @transform_2(%arg0: i32) -> (i32, i32) {
    %c0_i32 = arith.constant 0 : i32
    %c0_i32_0 = arith.constant 0 : i32
    %c0_i32_1 = arith.constant 0 : i32
    return %c0_i32, %c0_i32_0 : i32, i32
  }
  func.func @transform_3(%arg0: i32) -> (i32, i32) {
    %c0_i32 = arith.constant 0 : i32
    %c0_i32_0 = arith.constant 0 : i32
    return %arg0, %c0_i32 : i32, i32
  }
}

module attributes {stable_mosaic.version = 14 : i64} {
  func.func @_norm_body(%arg0: i32, %arg1: memref<2000x256xf32, #tpu.memory_space<vmem>>, %arg2: memref<2000x256xf32, #tpu.memory_space<vmem>>, %arg3: memref<2000x256xf32, #tpu.memory_space<vmem>>, %arg4: memref<2x256xf32, #tpu.memory_space<vmem>>, %arg5: memref<1x256xf32, #tpu.memory_space<vmem>>, %arg6: memref<1x256xf32, #tpu.memory_space<vmem>>, %arg7: memref<2000x256xf32, #tpu.memory_space<vmem>>) attributes {dimension_semantics = [#tpu.dimension_semantics<arbitrary>], iteration_bounds = array<i64: 5>, scalar_prefetch = 0 : i64, scratch_operands = 0 : i64, tpu.core_type = #tpu.core_type<tc>, window_params = [{transform_indices = @transform_0, window_bounds = array<i64: 2000, 256>}, {transform_indices = @transform_1, window_bounds = array<i64: 2000, 256>}, {transform_indices = @transform_2, window_bounds = array<i64: 2000, 256>}, {pipeline_mode = #tpu.pipeline_mode<synchronous>, transform_indices = @transform_3, window_bounds = array<i64: 2, 256>}, {pipeline_mode = #tpu.pipeline_mode<synchronous>, transform_indices = @transform_4, window_bounds = array<i64: 1, 256>}, {pipeline_mode = #tpu.pipeline_mode<synchronous>, transform_indices = @transform_5, window_bounds = array<i64: 1, 256>}, {transform_indices = @transform_6, window_bounds = array<i64: 2000, 256>}]} {
    %get3A = arith.constant 0 : index
    %get3A_0 = arith.constant 0 : index
    %get3A_1 = vector.load %arg1[%get3A, %get3A_0] : memref<2000x256xf32, #tpu.memory_space<vmem>>, vector<2000x256xf32>
    %get3A_2 = arith.constant 0 : index
    %get3A_3 = arith.constant 0 : index
    %get3A_4 = vector.load %arg2[%get3A_2, %get3A_3] : memref<2000x256xf32, #tpu.memory_space<vmem>>, vector<2000x256xf32>
    %add3A = arith.addf %get3A_1, %get3A_4 : vector<2000x256xf32>
    %get3A_5 = arith.constant 0 : index
    %get3A_6 = arith.constant 0 : index
    %get3A_7 = vector.load %arg4[%get3A_5, %get3A_6] : memref<2x256xf32, #tpu.memory_space<vmem>>, vector<1x256xf32>
    %get3A_8 = arith.constant 1 : index
    %get3A_9 = arith.constant 0 : index
    %get3A_10 = vector.load %arg4[%get3A_8, %get3A_9] : memref<2x256xf32, #tpu.memory_space<vmem>>, vector<1x256xf32>
    %add3A_11 = arith.constant 9.99999974E-6 : f32
    %add3A_12 = vector.broadcast %add3A_11 : f32 to vector<1x256xf32>
    %add3A_13 = arith.addf %get3A_10, %add3A_12 : vector<1x256xf32>
    %rsqrt3A = math.rsqrt %add3A_13 : vector<1x256xf32>
    %get3A_14 = arith.constant 0 : index
    %get3A_15 = arith.constant 0 : index
    %get3A_16 = vector.load %arg5[%get3A_14, %get3A_15] : memref<1x256xf32, #tpu.memory_space<vmem>>, vector<1x256xf32>
    %mul3A = arith.mulf %rsqrt3A, %get3A_16 : vector<1x256xf32>
    %sub3A = vector.broadcast %get3A_7 : vector<1x256xf32> to vector<2000x256xf32>
    %sub3A_17 = arith.subf %add3A, %sub3A : vector<2000x256xf32>
    %mul3A_18 = vector.broadcast %mul3A : vector<1x256xf32> to vector<2000x256xf32>
    %mul3A_19 = arith.mulf %sub3A_17, %mul3A_18 : vector<2000x256xf32>
    %get3A_20 = arith.constant 0 : index
    %get3A_21 = arith.constant 0 : index
    %get3A_22 = vector.load %arg6[%get3A_20, %get3A_21] : memref<1x256xf32, #tpu.memory_space<vmem>>, vector<1x256xf32>
    %add3A_23 = vector.broadcast %get3A_22 : vector<1x256xf32> to vector<2000x256xf32>
    %add3A_24 = arith.addf %mul3A_19, %add3A_23 : vector<2000x256xf32>
    %max3A = arith.constant 0.000000e+00 : f32
    %max3A_25 = vector.broadcast %max3A : f32 to vector<2000x256xf32>
    %max3A_26 = arith.maximumf %add3A_24, %max3A_25 : vector<2000x256xf32>
    %get3A_27 = arith.constant 0 : index
    %get3A_28 = arith.constant 0 : index
    %get3A_29 = vector.load %arg3[%get3A_27, %get3A_28] : memref<2000x256xf32, #tpu.memory_space<vmem>>, vector<2000x256xf32>
    %add3A_30 = arith.addf %max3A_26, %get3A_29 : vector<2000x256xf32>
    %swap3A = arith.constant 0 : index
    %swap3A_31 = arith.constant 0 : index
    %swap3A_32 = vector.load %arg7[%swap3A, %swap3A_31] : memref<2000x256xf32, #tpu.memory_space<vmem>>, vector<2000x256xf32>
    tpu.vector_store %arg7[%swap3A, %swap3A_31], %add3A_30 {strides = array<i32>} : memref<2000x256xf32, #tpu.memory_space<vmem>>, vector<2000x256xf32>,
    return
  }
  func.func @transform_0(%arg0: i32) -> (i32, i32) {
    %c0_i32 = arith.constant 0 : i32
    %c0_i32_0 = arith.constant 0 : i32
    return %arg0, %c0_i32 : i32, i32
  }
  func.func @transform_1(%arg0: i32) -> (i32, i32) {
    %c0_i32 = arith.constant 0 : i32
    %c0_i32_0 = arith.constant 0 : i32
    return %arg0, %c0_i32 : i32, i32
  }
  func.func @transform_2(%arg0: i32) -> (i32, i32) {
    %c0_i32 = arith.constant 0 : i32
    %c0_i32_0 = arith.constant 0 : i32
    return %arg0, %c0_i32 : i32, i32
  }
  func.func @transform_3(%arg0: i32) -> (i32, i32) {
    %c0_i32 = arith.constant 0 : i32
    %c0_i32_0 = arith.constant 0 : i32
    %c0_i32_1 = arith.constant 0 : i32
    return %c0_i32, %c0_i32_0 : i32, i32
  }
  func.func @transform_4(%arg0: i32) -> (i32, i32) {
    %c0_i32 = arith.constant 0 : i32
    %c0_i32_0 = arith.constant 0 : i32
    %c0_i32_1 = arith.constant 0 : i32
    return %c0_i32, %c0_i32_0 : i32, i32
  }
  func.func @transform_5(%arg0: i32) -> (i32, i32) {
    %c0_i32 = arith.constant 0 : i32
    %c0_i32_0 = arith.constant 0 : i32
    %c0_i32_1 = arith.constant 0 : i32
    return %c0_i32, %c0_i32_0 : i32, i32
  }
  func.func @transform_6(%arg0: i32) -> (i32, i32) {
    %c0_i32 = arith.constant 0 : i32
    %c0_i32_0 = arith.constant 0 : i32
    return %arg0, %c0_i32 : i32, i32
  }
}

</mosaic_0001>

<sc_bundles>
// kernel: kernel.13.cloned.1.call-start
scs
__scs_entry_jumppad:
0x0: {  	(pc) =	sbr.rel $0x88, $3  }
0x1: {  	(tag) =	ssettag $0x0;
	lr =	simm.s32 $0x1  }
0x2: {  	[smem:$0x3F93] =	sst lr;
	_ =	strace $0xD0000000  }
0x3: {  	_ = 	snop  }
0x4: {  	_ = 	snop  }
0x5: {  	_ = 	snop  }
0x6: {  	_ = 	snop  }
0x7: {  	_ = 	snop  }
__scs_overlays_trampoline_lowered:
0x8: {  	[smem:$0x3FA2] =	sst s0  }
0x9: {  	[smem:$0x3FA3] =	sst s1  }
0xa: {  	[smem:$0x3FA4] =	sst s2  }
0xb: {  	[smem:$0x3FA5] =	sst s3  }
0xc: {  	[smem:$0x3FA6] =	sst s4  }
0xd: {  	[smem:$0x3FA7] =	sst s5  }
0xe: {  	[smem:$0x3FA8] =	sst s6  }
0xf: {  	[smem:$0x3FA9] =	sst s7  }
0x10: {  	[smem:$0x3FAA] =	sst s8  }
0x11: {  	[smem:$0x3FAB] =	sst s9;
	s0 =	simm.s32 @!p0 $0x0  }
0x12: {  	s1 =	sld [smem:$0x3F91];
	s0 =	simm.s32 @p0 $0x1  }
0x13: {  	[smem:$0x3FAC] =	sst s0;
	s0 =	simm.s32 @!p1 $0x0  }
0x14: {  	s2 =	sld [smem:$0x3F90];
	s0 =	simm.s32 @p1 $0x1  }
0x15: {  	[smem:$0x3FAD] =	sst s0;
	s0 =	simm.s32 @!p2 $0x0  }
0x16: {  	s3 =	sld [smem:$0x3FDB];
	s0 =	simm.s32 @p2 $0x1  }
0x17: {  	s4 =	simm.s32 $0x1BF5;
	[smem:$0x3FAF] =	sst s0  }
0x18: {  	s0 =	sld [smem:$0x3F92];
	_ =	swait.ge [sflag:s4], $0x0  }
0x19: {  	s7 =	sld [smem:$0x3F93]  }
0x1a: {  	s8 =	sadd.s32 $0xFFFFE003, lr  }
0x1b: {  	s9 =	sadd.s32 $0xFFFFFEF7, lr;
	s5 =	simm.s32 $0xFFFFFFFF;
	p2 =	slt.u32 s8, $0xFFFFF086  }
0x1c: {  	p1 =	slt.u32 s9, $0xF7A;
	s5 =	simm.s32 @!p2 $0x0  }
0x1d: {  	s5 =	simm.s32 @p1 $0x1;
	p0 =	seq.s32 s7, s2  }
0x1e: {  	s7 =	smul.u32 @!p0 $0xF7A, s2;
	p2 =	seq.s32 @!p0 s5, $0x0  }
0x1f: {  	s9 =	smul.u32 $0xF7A, s1;
	s8 =	simm.s32 @!p0 $0x1BF5;
	p2 =	por !p2, p0  }
0x20: {  	[sflag:s8] =	ssyncset.s32 @!p0 $0xFFFFF086;
	s6 =	sadd.s32 @!p0 s3, s7;
	s7 =	simm.s32 @!p0 $0x108  }
0x21: {  	s3 =	sadd.s32 s3, s9;
	s6 =	sadd.s32 @!p0 $0x88, s6;
	s7 =	simm.s32 @p2 $0x1082  }
0x22: {  	[simem:s7], [sflag:s8] =	dma.local @!p0 [hbm:s6], $0xF7A  }
0x23: {  	s9 =	sor.u32 $0xD0000000, s2;
	s6 =	simm.s32 $0x108;
	_ =	swait.ge @!p0 [sflag:s8], $0x0  }
0x24: {  	s3 =	sadd.s32 $0x88, s3;
	s6 =	simm.s32 @!p1 $0x1082;
	[sflag:s4] =	ssyncset.s32 $0xFFFFF086  }
0x25: {  	[simem:s6], [sflag:s4] =	dma.local [hbm:s3], $0xF7A  }
0x26: {  	[smem:$0x3F93] =	sst s1;
	(tag) =	ssettag s2;
	_ =	strace s9  }
0x27: {  	s1 =	sld [smem:$0x3FA3]  }
0x28: {  	s2 =	sld [smem:$0x3FA4]  }
0x29: {  	s4 =	sld [smem:$0x3FA6]  }
0x2a: {  	p0 =	seq.s32 s5, $0x0;
	s5 =	sld [smem:$0x3FA7]  }
0x2b: {  	s6 =	sld [smem:$0x3FA8]  }
0x2c: {  	s7 =	sld [smem:$0x3FA9]  }
0x2d: {  	s3 =	simm.s32 $0x108;
	s8 =	sld [smem:$0x3FAA]  }
0x2e: {  	s3 =	simm.s32 @!p0 $0x1082;
	s9 =	sld [smem:$0x3FAB]  }
0x2f: {  	lr =	sadd.s32 s0, s3;
	s0 =	sld [smem:$0x3FA2]  }
0x30: {  	s3 =	sld [smem:$0x3FA5]  }
0x31: {  	[smem:$0x3FAE] =	sst s10  }
0x32: {  	s10 =	sld [smem:$0x3FAC];
	_ =	sdelay $0x3  }
0x33: {  	p0 =	seq.s32 s10, $0x1;
	s10 =	sld [smem:$0x3FAE];
	_ =	sdelay $0x3  }
0x34: {  	[smem:$0x3FAE] =	sst s10  }
0x35: {  	s10 =	sld [smem:$0x3FAD];
	_ =	sdelay $0x3  }
0x36: {  	p1 =	seq.s32 s10, $0x1;
	s10 =	sld [smem:$0x3FAE];
	_ =	sdelay $0x3  }
0x37: {  	[smem:$0x3FAE] =	sst s10  }
0x38: {  	s10 =	sld [smem:$0x3FAF]  }
0x39: {  	_ = 	snop;
	(pc) =	sbr.ind lr, $3  }
0x3a: {  	_ = 	snop  }
0x3b: {  	_ = 	snop  }
0x3c: {  	p2 =	seq.s32 s10, $0x1;
	s10 =	sld [smem:$0x3FAE]  }
0x3d: {  	_ =	shalt  }
0x3e: {  	_ =	shalt  }
0x3f: {  	_ =	shalt  }
0x40: {  	_ =	shalt  }
0x41: {  	_ =	shalt  }
0x42: {  	_ =	shalt  }
0x43: {  	_ =	shalt  }
0x44: {  	_ =	shalt  }
0x45: {  	_ =	shalt  }
0x46: {  	_ =	shalt  }
0x47: {  	_ =	shalt  }
0x48: {  	_ =	shalt  }
0x49: {  	_ =	shalt  }
0x4a: {  	_ =	shalt  }
0x4b: {  	_ =	shalt  }
0x4c: {  	_ =	shalt  }
0x4d: {  	_ =	shalt  }
0x4e: {  	_ =	shalt  }
0x4f: {  	_ =	shalt  }
0x50: {  	_ =	shalt  }
0x51: {  	_ =	shalt  }
0x52: {  	_ =	shalt  }
0x53: {  	_ =	shalt  }
0x54: {  	_ =	shalt  }
0x55: {  	_ =	shalt  }
0x56: {  	_ =	shalt  }
0x57: {  	_ =	shalt  }
0x58: {  	_ =	shalt  }
0x59: {  	_ =	shalt  }
0x5a: {  	_ =	shalt  }
0x5b: {  	_ =	shalt  }
0x5c: {  	_ =	shalt  }
0x5d: {  	_ =	shalt  }
0x5e: {  	_ =	shalt  }
0x5f: {  	_ =	shalt  }
0x60: {  	_ =	shalt  }
0x61: {  	_ =	shalt  }
0x62: {  	_ =	shalt  }
0x63: {  	_ =	shalt  }
0x64: {  	_ =	shalt  }
0x65: {  	_ =	shalt  }
0x66: {  	_ =	shalt  }
0x67: {  	_ =	shalt  }
0x68: {  	_ =	shalt  }
0x69: {  	_ =	shalt  }
0x6a: {  	_ =	shalt  }
0x6b: {  	_ =	shalt  }
0x6c: {  	_ =	shalt  }
0x6d: {  	_ =	shalt  }
0x6e: {  	_ =	shalt  }
0x6f: {  	_ =	shalt  }
0x70: {  	_ =	shalt  }
0x71: {  	_ =	shalt  }
0x72: {  	_ =	shalt  }
0x73: {  	_ =	shalt  }
0x74: {  	_ =	shalt  }
0x75: {  	_ =	shalt  }
0x76: {  	_ =	shalt  }
0x77: {  	_ =	shalt  }
0x78: {  	_ =	shalt  }
0x79: {  	_ =	shalt  }
0x7a: {  	_ =	shalt  }
0x7b: {  	_ =	shalt  }
0x7c: {  	_ =	shalt  }
0x7d: {  	_ =	shalt  }
0x7e: {  	_ =	shalt  }
0x7f: {  	_ =	shalt  }
0x80: {  	_ =	shalt  }
0x81: {  	_ =	shalt  }
0x82: {  	_ =	shalt  }
0x83: {  	_ =	shalt  }
0x84: {  	_ =	shalt  }
0x85: {  	_ =	shalt  }
0x86: {  	_ =	shalt  }
0x87: {  	_ =	shalt  }
.Lfunc_end0:
.L_simem_size_0:
called_computation_lowered:
.L_overlay_start_0:
0x88: {  	s2 =	sld [smem:$0x3FD9]  }
0x89: {  	s3 =	sld [smem:$0x3FFE];
	_ =	sdelay $0x1  }
0x8a: {  	s1 =	srdreg.scid  }
0x8b: {  	s0 =	sand.u32 $0x1, s1  }
0x8c: {  	s17 =	sshll.u32 s0, $0xA;
	s2 =	sadd.s32 s3, s2  }
0x8d: {  	s2 =	sadd.s32 s2, s17  }
0x8e: {  	[smem:$0x3FBA] =	sst s2  }
0x8f: {  	_ = 	snop  }
0x90: {  	s2 =	sld [smem:$0x3FD0];
	(tm) =	ssettm $0x1  }
0x91: {  	s18 =	sld [smem:$0x3FFB];
	_ =	sdelay $0x3  }
0x92: {  	_ =	strace s18  }
0x93: {  	s3 =	sld [smem:$0x3FFC];
	_ =	sdelay $0x3  }
0x94: {  	_ =	strace s3  }
0x95: {  	s3 =	sld [smem:$0x3FFD];
	_ =	sdelay $0x3  }
0x96: {  	_ =	strace s3  }
0x97: {  	_ =	strace $0x8FFFFFFF  }
0x98: {  	s19 =	sld [smem:$0x3FDB];
	_ =	sdelay $0x1  }
0x99: {  	s4 =	simm.s32 $_scs_section_size  }
0x9a: {  	s5 =	simm.s32 $_size__tile_overlayer_lowered;
	s6 =	simm.s32 $_tile_overlayer_lowered  }
0x9b: {  	s22 =	simm.s32 $0x1BFF;
	s21 =	sshll.u32 s6, $0x1;
	s3 =	sadd.s32 s4, s19  }
0x9c: {  	s7 =	simm.s32 $0x0;
	s20 =	sshll.u32 s5, $0x1;
	s5 =	sadd.s32 s21, s3  }
0x9d: {  	[timem:s7], [sflag:s22] =	dma.local [hbm:s5], s20  }
0x9e: {  	_ =	swait.ge [sflag:s22], s20  }
0x9f: {  	s4 =	ssub.s32 $0x0, s20;
	[sflag:s22] =	ssyncset.done $0x0  }
0xa0: {  	[sflag:s22] =	ssyncadd.s32 s4;
	_ =	sdelay $0x1  }
0xa1: {  	s23 =	simm.s32 $0x1B8B  }
0xa2: {  	_ =	swait.ge [sflag:s23], $0x1  }
0xa3: {  	[sflag:s23] =	ssyncset.done $0x0  }
0xa4: {  	s25 =	simm.s32 $0x1B8E;
	s24 =	sld [smem:$0x3FFE];
	[sflag:s23] =	ssyncadd.s32 $0xFFFFFFFF  }
0xa5: {  	s26 =	simm.s32 $execute0_lowered;
	[smem:$0x3FD2] =	sst s25  }
0xa6: {  	s5 =	sshll.u32 s26, $0x1;
	_ =	strace $0x80000046;
	[dreg:$0x1] =	wrdreg $0xFFFFFFFF  }
0xa7: {  	s28 =	simm.s32 $_size_execute0_lowered;
	s3 =	sadd.s32 s3, s5;
	[dreg:$0x0] =	wrdreg $0x0  }
0xa8: {  	s5 =	sshll.u32 s28, $0x1;
	[dreg:$0x2] =	wrdreg s3  }
0xa9: {  	[dreg:$0x3] =	wrdreg s5  }
0xaa: {  	[dreg:$0x4] =	wrdreg $0xC0  }
0xab: {  	_ =	task [dreg:s7], $0x5FFFF  }
0xac: {  	[dreg:$0x1] =	wrdreg $0xFFFFFFFF  }
0xad: {  	[dreg:$0x0] =	wrdreg $0x60  }
0xae: {  	[dreg:$0x2] =	wrdreg s24  }
0xaf: {  	[dreg:$0x3] =	wrdreg s2  }
0xb0: {  	[dreg:$0x4] =	wrdreg $0x9  }
0xb1: {  	_ =	task.clear_ibuf [dreg:s7], $0x5FFFF;
	_ =	strace $0x90000046  }
0xb2: {  	s29 =	simm.s32 $0x9;
	_ =	strace $0x80000048  }
0xb3: {  	_ =	swait.ge [sflag:s29], $0x1  }
0xb4: {  	[sflag:s29] =	ssyncadd.s32 $0xFFFFFFFF  }
0xb5: {  	_ =	strace $0x90000048  }
0xb6: {  	_ =	sfence  }
0xb7: {  	s30 =	sld [smem:$0x0];
	_ =	sdelay $0x2  }
0xb8: {  	s31 =	sshll.u32 s1, $0xD;
	s1 =	sshrl.u32 s1, $0x2  }
0xb9: {  	s3 =	sand.u32 $0x4000, s31;
	s1 =	sadd.s32 s1, s30  }
0xba: {  	s0 =	sor.u32 s3, s0;
	s1 =	sshll.u32 s1, $0x11  }
0xbb: {  	s0 =	sor.u32 s1, s0  }
0xbc: {  	s0 =	sadd.s32 $0x8F2B, s0  }
0xbd: {  	[sflag:s0] =	ssyncadd.remote.s32 $0x1  }
0xbe: {  	_ =	sfence.sel $0xFFFF  }
0xbf: {  	[dreg:$0x0] =	wrdreg $0xFFFFFFFF;
	(pc) =	sbr.abs _section_cstart, $3  }
0xc0: {  	[dreg:$0x1] =	wrdreg $0xFFFFFFFF  }
0xc1: {  	_ =	task.clear_ibuf [dreg:s7], $0x2FFFF;
	_ =	strace $0x9FFFFFFF  }
0xc2: {  	(tm) =	ssettm $0x7FFFFFFF  }
0xc3: {  	_ =	shalt  }
tec
execute0_lowered:
.L_overlay_start_1:
0x0: {  	(tag) =	ssettag $0x1  }
0x1: {  	s5 =	rddreg [dreg:$0x0]  }
0x2: {  	s1 =	rddreg [dreg:$0x1]  }
0x3: {  	s0 =	rddreg [dreg:$0x2];
	s2 =	simm.s32 $0x0  }
0x4: {  	s3 =	srdreg.scid;
	s10 =	simm.s32 $0xCC00;
	s11 =	simm.s32 $0x0  }
0x5: {  	[smem:$0x7FF] =	sst s2;
	s6 =	sand.u32 $0x1, s3;
	s3 =	stileid.u32  }
0x6: {  	s4 =	sadd.s32 $0x16400, s5;
	s5 =	sadd.s32 $0xC600, s5;
	s7 =	ssub.s32 $0x2, s6  }
0x7: {  	v0 =	vlaneseq.u32;
	_ =	strace $0x80000047;
	s9 =	sshll.u32 s3, $0x1;
	s8 =	sshrl.u32 s7, $0x1  }
0x8: {  	v0 =	vmul.u32 $0x80, v0;
	s6 =	sor.u32 s6, s9;
	s9 =	simm.s32 $0xCA00;
	s7 =	ssub.s32 s7, s8  }
0x9: {  	s6 =	smul.u32 $0x2710, s6;
	s8 =	simm.s32 $0x1;
	s7 =	smax.u32 s7, $0x1  }
.LBB2_1:
0xa: {  	s12 =	simm.s32 $0x0  }
.LBB2_2:
0xb: {  	s13 =	smul.u32 $0x190, s12;
	_ =	sdelay $0x1  }
0xc: {  	s13 =	sadd.s32 s6, s13  }
0xd: {  	s14 =	sshll.u32 s13, $0x4  }
0xe: {  	s15 =	simm.s32 $0x0;
	s14 =	sadd.s32 s4, s14  }
0xf: {  	v1 =	vmov s15;
	[tilespmem:s15], [sflag:$0x1] =	stream.linear.gather [hbm4b:s14+s15], $0xC800, $0x38;
	[tilespmem:$0xCE00] =	vst v63  }
0x10: {  	v1 =	vshll.u32 v1, $0x7;
	_ =	swait.ge [sflag:s8], $0xC800  }
0x11: {  	s13 =	sshrl.u32 s13, $0x3;
	v1 =	vor.u32 v0, v1;
	[sflag:s8] =	ssyncset.done $0x0  }
0x12: {  	s16 =	simm.s32 $0xC800;
	s30 =	sadd.s32 s5, s13;
	v2 =	vor.u32 $0x1, v1;
	[sflag:s8] =	ssyncadd.s32 $0xFFFF3800  }
0x13: {  	[tilespmem:s16], [sflag:$0x1] =	stream.linear.gather [hbm4b:s30+s15], $0x190, $0x38;
	[tilespmem:$0xCE00] =	vst v63  }
0x14: {  	v3 =	vor.u32 $0x2, v1;
	_ =	swait.ge [sflag:s8], $0x190  }
0x15: {  	v4 =	vor.u32 $0x3, v1;
	[sflag:s8] =	ssyncset.done $0x0  }
0x16: {  	v5 =	vor.u32 $0x4, v1;
	[sflag:s8] =	ssyncadd.s32 $0xFFFFFE70  }
0x17: {  	v6 =	vor.u32 $0x5, v1;
	v2 =	vld.idx.msk [tilespmem:v2+s2+$0x0], $0xffff  }
0x18: {  	v7 =	vld.idx.msk [tilespmem:v1+s2+$0x0], $0xffff;
	v1 =	vor.u32 $0x6, v1  }
0x19: {  	v3 =	vld.idx.msk [tilespmem:v3+s2+$0x0], $0xffff  }
0x1a: {  	v4 =	vld.idx.msk [tilespmem:v4+s2+$0x0], $0xffff  }
0x1b: {  	v5 =	vld.idx.msk [tilespmem:v5+s2+$0x0], $0xffff  }
0x1c: {  	v6 =	vld.idx.msk [tilespmem:v6+s2+$0x0], $0xffff  }
0x1d: {  	v1 =	vld.idx.msk [tilespmem:v1+s2+$0x0], $0xffff;
	v8 =	vmax.f32 v7, v2  }
0x1e: {  	v8 =	vmax.f32 v8, v3  }
0x1f: {  	v8 =	vmax.f32 v8, v4  }
0x20: {  	v8 =	vmax.f32 v8, v5  }
0x21: {  	v8 =	vmax.f32 v8, v6  }
0x22: {  	v8 =	vmax.f32 v8, v1  }
0x23: {  	v7 =	vsub.f32 v8, v7;
	v1 =	vsub.f32 v8, v1  }
0x24: {  	v2 =	vsub.f32 v8, v2;
	v6 =	vsub.f32 v8, v6  }
0x25: {  	v3 =	vsub.f32 v8, v3;
	v5 =	vsub.f32 v8, v5;
	v7 =	vmul.f32 $1.000000000e+09, v7  }
0x26: {  	v4 =	vsub.f32 v8, v4;
	v2 =	vmul.f32 $1.000000000e+09, v2;
	v1 =	vmul.f32 $1.000000000e+09, v1  }
0x27: {  	v3 =	vmul.f32 $1.000000000e+09, v3;
	v6 =	vmul.f32 $1.000000000e+09, v6;
	v7 =	vmin.f32 v7, $7.000000000e+00  }
0x28: {  	v4 =	vmul.f32 $1.000000000e+09, v4;
	v2 =	vmin.f32 v2, $7.000000000e+00;
	v7 =	vadd.f32 $0.0e+00, v7  }
0x29: {  	v5 =	vmul.f32 $1.000000000e+09, v5;
	v3 =	vmin.f32 v3, $7.000000000e+00;
	v2 =	vadd.f32 $1.000000000e+00, v2  }
0x2a: {  	v4 =	vmin.f32 v4, $7.000000000e+00;
	v3 =	vadd.f32 $2.000000000e+00, v3;
	v7 =	vmin.f32 v7, $7.000000000e+00  }
0x2b: {  	v5 =	vmin.f32 v5, $7.000000000e+00;
	v4 =	vadd.f32 $3.000000000e+00, v4;
	v2 =	vmin.f32 v7, v2  }
0x2c: {  	v2 =	vmin.f32 v2, v3;
	v3 =	vadd.f32 $4.000000000e+00, v5;
	v5 =	vmin.f32 v6, $7.000000000e+00  }
0x2d: {  	v1 =	vmin.f32 v1, $7.000000000e+00;
	v2 =	vmin.f32 v2, v4;
	v4 =	vadd.f32 $5.000000000e+00, v5  }
0x2e: {  	v1 =	vadd.f32 $6.000000000e+00, v1;
	v2 =	vmin.f32 v2, v3  }
0x2f: {  	v2 =	vmin.f32 v2, v4  }
0x30: {  	s31 =	simm.s32 $0x10;
	v1 =	vmin.f32 v2, v1  }
0x31: {  	v3 =	vld [tilespmem:s16+$0x0];
	v2 =	vmov s31;
	v1 =	vtrunc.f32 v1  }
0x32: {  	v2 =	vshll.u32 v2, $0x7;
	v1 =	vcvt.f32.s32 v1  }
0x33: {  	v2 =	vor.u32 v0, v2  }
0x34: {  	v4 =	vor.u32 $0x1, v2;
	v1 =	vmul.u32 $0x2710, v1;
	_ =	sdelay $0x1  }
0x35: {  	s15 =	simm.s32 $0xCA00;
	v5 =	vor.u32 $0x2, v2;
	v1 =	vadd.s32 v3, v1  }
0x36: {  	s14 =	simm.s32 $0xCC00;
	v3 =	vor.u32 $0x3, v2;
	[tilespmem:s15+$0x0] =	vst v1;
	v1 =	vadd.s32 $0x11170, v1  }
0x37: {  	v61 =	vor.u32 $0x4, v2;
	[tilespmem:s14+$0x0] =	vst v1  }
0x38: {  	v1 =	vld.idx.msk [tilespmem:v4+s2+$0x0], $0xffff;
	v4 =	vor.u32 $0x5, v2  }
0x39: {  	v62 =	vld.idx.msk [tilespmem:v2+s2+$0x0], $0xffff;
	v2 =	vor.u32 $0x6, v2  }
0x3a: {  	v5 =	vld.idx.msk [tilespmem:v5+s2+$0x0], $0xffff  }
0x3b: {  	v3 =	vld.idx.msk [tilespmem:v3+s2+$0x0], $0xffff  }
0x3c: {  	v6 =	vld.idx.msk [tilespmem:v61+s2+$0x0], $0xffff  }
0x3d: {  	v4 =	vld.idx.msk [tilespmem:v4+s2+$0x0], $0xffff  }
0x3e: {  	v2 =	vld.idx.msk [tilespmem:v2+s2+$0x0], $0xffff;
	v63 =	vmax.f32 v62, v1  }
0x3f: {  	v8 =	vmax.f32 v63, v5  }
0x40: {  	v8 =	vmax.f32 v8, v3  }
0x41: {  	v8 =	vmax.f32 v8, v6  }
0x42: {  	v8 =	vmax.f32 v8, v4  }
0x43: {  	v8 =	vmax.f32 v8, v2  }
0x44: {  	v7 =	vsub.f32 v8, v62;
	v2 =	vsub.f32 v8, v2  }
0x45: {  	v1 =	vsub.f32 v8, v1;
	v4 =	vsub.f32 v8, v4  }
0x46: {  	v5 =	vsub.f32 v8, v5;
	v6 =	vsub.f32 v8, v6;
	v7 =	vmul.f32 $1.000000000e+09, v7  }
0x47: {  	v3 =	vsub.f32 v8, v3;
	v1 =	vmul.f32 $1.000000000e+09, v1;
	v2 =	vmul.f32 $1.000000000e+09, v2  }
0x48: {  	v5 =	vmul.f32 $1.000000000e+09, v5;
	v4 =	vmul.f32 $1.000000000e+09, v4;
	v7 =	vmin.f32 v7, $7.000000000e+00  }
0x49: {  	v3 =	vmul.f32 $1.000000000e+09, v3;
	v1 =	vmin.f32 v1, $7.000000000e+00;
	v7 =	vadd.f32 $0.0e+00, v7  }
0x4a: {  	v6 =	vmul.f32 $1.000000000e+09, v6;
	v5 =	vmin.f32 v5, $7.000000000e+00;
	v1 =	vadd.f32 $1.000000000e+00, v1  }
0x4b: {  	v3 =	vmin.f32 v3, $7.000000000e+00;
	v5 =	vadd.f32 $2.000000000e+00, v5;
	v7 =	vmin.f32 v7, $7.000000000e+00  }
0x4c: {  	v6 =	vmin.f32 v6, $7.000000000e+00;
	v3 =	vadd.f32 $3.000000000e+00, v3;
	v1 =	vmin.f32 v7, v1  }
0x4d: {  	v4 =	vmin.f32 v4, $7.000000000e+00;
	v1 =	vmin.f32 v1, v5;
	v5 =	vadd.f32 $4.000000000e+00, v6  }
0x4e: {  	v2 =	vmin.f32 v2, $7.000000000e+00;
	v1 =	vmin.f32 v1, v3;
	v3 =	vadd.f32 $5.000000000e+00, v4  }
0x4f: {  	v2 =	vadd.f32 $6.000000000e+00, v2;
	v1 =	vmin.f32 v1, v5  }
0x50: {  	v1 =	vmin.f32 v1, v3  }
0x51: {  	s17 =	simm.s32 $0x20;
	s16 =	simm.s32 $0xC810;
	v1 =	vmin.f32 v1, v2  }
0x52: {  	v2 =	vmov s17;
	v4 =	vtrunc.f32 v1;
	v1 =	vld [tilespmem:s16+$0x0]  }
0x53: {  	s17 =	simm.s32 $0x30;
	v3 =	vshll.u32 v2, $0x7;
	v2 =	vcvt.f32.s32 v4  }
.LBB2_3:
0x54: {  	p0 =	sne.s32 s17, $0x180;
	v3 =	vor.u32 v0, v3  }
0x55: {  	v4 =	vor.u32 $0x1, v3;
	v2 =	vmul.u32 $0x2710, v2;
	_ =	sdelay $0x1  }
0x56: {  	s15 =	sadd.s32 $0x10, s15;
	v5 =	vor.u32 $0x2, v3;
	v1 =	vadd.s32 v1, v2  }
0x57: {  	s14 =	sadd.s32 $0x10, s14;
	v2 =	vor.u32 $0x3, v3;
	[tilespmem:s15+$0x0] =	vst v1;
	v1 =	vadd.s32 $0x11170, v1  }
0x58: {  	v6 =	vor.u32 $0x4, v3;
	[tilespmem:s14+$0x0] =	vst v1  }
0x59: {  	v1 =	vld.idx.msk [tilespmem:v4+s2+$0x0], $0xffff;
	v4 =	vor.u32 $0x5, v3  }
0x5a: {  	v7 =	vld.idx.msk [tilespmem:v3+s2+$0x0], $0xffff;
	v3 =	vor.u32 $0x6, v3  }
0x5b: {  	v5 =	vld.idx.msk [tilespmem:v5+s2+$0x0], $0xffff  }
0x5c: {  	v2 =	vld.idx.msk [tilespmem:v2+s2+$0x0], $0xffff  }
0x5d: {  	v6 =	vld.idx.msk [tilespmem:v6+s2+$0x0], $0xffff  }
0x5e: {  	v4 =	vld.idx.msk [tilespmem:v4+s2+$0x0], $0xffff  }
0x5f: {  	v3 =	vld.idx.msk [tilespmem:v3+s2+$0x0], $0xffff  }
0x60: {  	v8 =	vmax.f32 v7, v1  }
0x61: {  	v8 =	vmax.f32 v8, v5  }
0x62: {  	v8 =	vmax.f32 v8, v2  }
0x63: {  	v8 =	vmax.f32 v8, v6  }
0x64: {  	v8 =	vmax.f32 v8, v4  }
0x65: {  	v8 =	vmax.f32 v8, v3  }
0x66: {  	v7 =	vsub.f32 v8, v7;
	v3 =	vsub.f32 v8, v3  }
0x67: {  	v1 =	vsub.f32 v8, v1;
	v4 =	vsub.f32 v8, v4  }
0x68: {  	v5 =	vsub.f32 v8, v5;
	v6 =	vsub.f32 v8, v6;
	v7 =	vmul.f32 $1.000000000e+09, v7  }
0x69: {  	v2 =	vsub.f32 v8, v2;
	v1 =	vmul.f32 $1.000000000e+09, v1;
	v3 =	vmul.f32 $1.000000000e+09, v3  }
0x6a: {  	v5 =	vmul.f32 $1.000000000e+09, v5;
	v4 =	vmul.f32 $1.000000000e+09, v4;
	v7 =	vmin.f32 v7, $7.000000000e+00  }
0x6b: {  	v2 =	vmul.f32 $1.000000000e+09, v2;
	v1 =	vmin.f32 v1, $7.000000000e+00;
	v7 =	vadd.f32 $0.0e+00, v7  }
0x6c: {  	v6 =	vmul.f32 $1.000000000e+09, v6;
	v5 =	vmin.f32 v5, $7.000000000e+00;
	v1 =	vadd.f32 $1.000000000e+00, v1  }
0x6d: {  	v2 =	vmin.f32 v2, $7.000000000e+00;
	v5 =	vadd.f32 $2.000000000e+00, v5;
	v7 =	vmin.f32 v7, $7.000000000e+00  }
0x6e: {  	v6 =	vmin.f32 v6, $7.000000000e+00;
	v2 =	vadd.f32 $3.000000000e+00, v2;
	v1 =	vmin.f32 v7, v1  }
0x6f: {  	v4 =	vmin.f32 v4, $7.000000000e+00;
	v1 =	vmin.f32 v1, v5;
	v5 =	vadd.f32 $4.000000000e+00, v6  }
0x70: {  	v3 =	vmin.f32 v3, $7.000000000e+00;
	v1 =	vmin.f32 v1, v2;
	v2 =	vadd.f32 $5.000000000e+00, v4  }
.Ltmp0:
0x71: {  	v3 =	vadd.f32 $6.000000000e+00, v3;
	v1 =	vmin.f32 v1, v5;
	(pc) =	sbr.rel @p0 .LBB2_3-.Ltmp0, $4  }
0x72: {  	v1 =	vmin.f32 v1, v2  }
0x73: {  	s16 =	sadd.s32 $0x10, s16;
	v1 =	vmin.f32 v1, v3  }
0x74: {  	v2 =	vmov s17;
	v4 =	vtrunc.f32 v1;
	v1 =	vld [tilespmem:s16+$0x0]  }
0x75: {  	s17 =	sadd.s32 $0x10, s17;
	v3 =	vshll.u32 v2, $0x7;
	v2 =	vcvt.f32.s32 v4  }
0x76: {  	v3 =	vor.u32 v0, v3  }
0x77: {  	v4 =	vor.u32 $0x1, v3;
	v2 =	vmul.u32 $0x2710, v2;
	_ =	sdelay $0x1  }
0x78: {  	s15 =	sadd.s32 $0x10, s15;
	v5 =	vor.u32 $0x2, v3;
	v1 =	vadd.s32 v1, v2  }
0x79: {  	s14 =	sadd.s32 $0x10, s14;
	v2 =	vor.u32 $0x3, v3;
	[tilespmem:s15+$0x0] =	vst v1;
	v1 =	vadd.s32 $0x11170, v1  }
0x7a: {  	v6 =	vor.u32 $0x4, v3;
	[tilespmem:s14+$0x0] =	vst v1  }
0x7b: {  	v62 =	vor.u32 $0x5, v3;
	v1 =	vld.idx.msk [tilespmem:v4+s2+$0x0], $0xffff  }
0x7c: {  	v7 =	vld.idx.msk [tilespmem:v3+s2+$0x0], $0xffff;
	v3 =	vor.u32 $0x6, v3  }
0x7d: {  	v5 =	vld.idx.msk [tilespmem:v5+s2+$0x0], $0xffff  }
0x7e: {  	v2 =	vld.idx.msk [tilespmem:v2+s2+$0x0], $0xffff  }
0x7f: {  	v6 =	vld.idx.msk [tilespmem:v6+s2+$0x0], $0xffff  }
0x80: {  	v4 =	vld.idx.msk [tilespmem:v62+s2+$0x0], $0xffff  }
0x81: {  	v3 =	vld.idx.msk [tilespmem:v3+s2+$0x0], $0xffff;
	v8 =	vmax.f32 v7, v1  }
0x82: {  	v8 =	vmax.f32 v8, v5  }
0x83: {  	v8 =	vmax.f32 v8, v2  }
0x84: {  	v8 =	vmax.f32 v8, v6  }
0x85: {  	v8 =	vmax.f32 v8, v4  }
0x86: {  	v8 =	vmax.f32 v8, v3  }
0x87: {  	v7 =	vsub.f32 v8, v7;
	v3 =	vsub.f32 v8, v3  }
0x88: {  	v1 =	vsub.f32 v8, v1;
	v4 =	vsub.f32 v8, v4  }
0x89: {  	v5 =	vsub.f32 v8, v5;
	v6 =	vsub.f32 v8, v6;
	v7 =	vmul.f32 $1.000000000e+09, v7  }
0x8a: {  	v2 =	vsub.f32 v8, v2;
	v1 =	vmul.f32 $1.000000000e+09, v1;
	v3 =	vmul.f32 $1.000000000e+09, v3  }
0x8b: {  	v5 =	vmul.f32 $1.000000000e+09, v5;
	v4 =	vmul.f32 $1.000000000e+09, v4;
	v7 =	vmin.f32 v7, $7.000000000e+00  }
0x8c: {  	v2 =	vmul.f32 $1.000000000e+09, v2;
	v1 =	vmin.f32 v1, $7.000000000e+00;
	v7 =	vadd.f32 $0.0e+00, v7  }
0x8d: {  	v6 =	vmul.f32 $1.000000000e+09, v6;
	v5 =	vmin.f32 v5, $7.000000000e+00;
	v1 =	vadd.f32 $1.000000000e+00, v1  }
0x8e: {  	v2 =	vmin.f32 v2, $7.000000000e+00;
	v5 =	vadd.f32 $2.000000000e+00, v5;
	v7 =	vmin.f32 v7, $7.000000000e+00  }
0x8f: {  	v6 =	vmin.f32 v6, $7.000000000e+00;
	v2 =	vadd.f32 $3.000000000e+00, v2;
	v1 =	vmin.f32 v7, v1  }
0x90: {  	v4 =	vmin.f32 v4, $7.000000000e+00;
	v63 =	vadd.f32 $4.000000000e+00, v6;
	v1 =	vmin.f32 v1, v5  }
0x91: {  	v3 =	vmin.f32 v3, $7.000000000e+00;
	v1 =	vmin.f32 v1, v2;
	v2 =	vadd.f32 $5.000000000e+00, v4  }
0x92: {  	v3 =	vadd.f32 $6.000000000e+00, v3;
	v1 =	vmin.f32 v1, v63  }
0x93: {  	v1 =	vmin.f32 v1, v2  }
0x94: {  	s16 =	sadd.s32 $0x10, s16;
	v1 =	vmin.f32 v1, v3  }
0x95: {  	v2 =	vld [tilespmem:s16+$0x0];
	v1 =	vtrunc.f32 v1  }
0x96: {  	v1 =	vcvt.f32.s32 v1;
	_ =	sdelay $0x1  }
0x97: {  	v1 =	vmul.u32 $0x2710, v1;
	_ =	sdelay $0x1  }
0x98: {  	s15 =	sadd.s32 $0x10, s15;
	v1 =	vadd.s32 v2, v1  }
0x99: {  	s14 =	sadd.s32 $0x10, s14;
	[tilespmem:s15+$0x0] =	vst v1;
	v1 =	vadd.s32 $0x11170, v1  }
0x9a: {  	s13 =	sadd.s32 s1, s13;
	[tilespmem:s14+$0x0] =	vst v1  }
0x9b: {  	[hbm4b:s13+s2] =	stream.linear.scatter [tilespmem:s9], [sflag:$0x1], $0x190, $0x38;
	[tilespmem:$0xCE00] =	vst v63  }
0x9c: {  	s12 =	sadd.s32 $0x1, s12;
	_ =	swait.ge [sflag:s8], $0x190  }
0x9d: {  	p0 =	sne.s32 s12, $0x19;
	[sflag:s8] =	ssyncset.done $0x0  }
.Ltmp1:
0x9e: {  	s13 =	sadd.s32 $0x9C40, s13;
	[sflag:s8] =	ssyncadd.s32 $0xFFFFFE70;
	(pc) =	sbr.rel @p0 .LBB2_2-.Ltmp1, $4  }
0x9f: {  	[hbm4b:s13+s2] =	stream.linear.scatter [tilespmem:s10], [sflag:$0x1], $0x190, $0x38;
	[tilespmem:$0xCE00] =	vst v63  }
0xa0: {  	_ =	swait.ge [sflag:s8], $0x190  }
0xa1: {  	[sflag:s8] =	ssyncset.done $0x0  }
0xa2: {  	[sflag:s8] =	ssyncadd.s32 $0xFFFFFE70  }
0xa3: {  	s11 =	sadd.s32 $0x1, s11  }
0xa4: {  	p0 =	sne.s32 s11, s7  }
.Ltmp2:
0xa5: {  	_ = 	snop;
	(pc) =	sbr.rel @p0 .LBB2_1-.Ltmp2, $1  }
0xa6: {  	_ =	sdelay $0x3  }
0xa7: {  	_ =	sfence.sel $0x180000  }
0xa8: {  	[bflag:$0x0] =	sbarrier.arrive $0xFFFF  }
0xa9: {  	p0 =	sne.s32 s3, $0x0;
	_ =	strace $0x90000047  }
0xaa: {  	s0 =	sadd.s32 @!p0 $0x100000, s0;
	[bflag:$0x2] =	sbarrier.arrive $0xFFFF  }
0xab: {  	[sflag:s0] =	ssyncadd.tile.s32 @!p0 $0x1;
	_ =	shalt  }
.Lfunc_end2:
_tile_overlayer_lowered:
.L_overlay_start_2:
0xac: {  	(tag) =	ssettag $0x2  }
0xad: {  	s0 =	rddreg [dreg:$0x0];
	s2 =	stileid.u32  }
0xae: {  	s1 =	rddreg [dreg:$0x1];
	p0 =	sne.s32 s2, $0x0  }
0xaf: {  	s3 =	rddreg [dreg:$0x2];
	[bflag:$0x3] =	sbarrier.arrive $0xFFFF;
	s2 =	simm.s32 @!p0 $0x1C01  }
0xb0: {  	[timem:s3], [sflag:s2] =	dma.local @!p0 [hbm:s0], s1  }
0xb1: {  	s0 =	simm.s32 @!p0 $0x1  }
0xb2: {  	_ =	swait.ge @!p0 [sflag:s0], s1  }
0xb3: {  	s1 =	ssub.s32 @!p0 $0x0, s1;
	[sflag:s0] =	ssyncset.done @!p0 $0x0  }
0xb4: {  	[sflag:s0] =	ssyncadd.s32 @!p0 s1  }
0xb5: {  	[bflag:$0x3] =	sbarrier.arrive $0xFFFF  }
0xb6: {  	_ =	shalt  }

// kernel: kernel.16.cloned.1.call-start
scs
__scs_entry_jumppad:
0x0: {  	(pc) =	sbr.rel $0x88, $3  }
0x1: {  	(tag) =	ssettag $0x0;
	lr =	simm.s32 $0x1  }
0x2: {  	[smem:$0x3F93] =	sst lr;
	_ =	strace $0xD0000000  }
0x3: {  	_ = 	snop  }
0x4: {  	_ = 	snop  }
0x5: {  	_ = 	snop  }
0x6: {  	_ = 	snop  }
0x7: {  	_ = 	snop  }
__scs_overlays_trampoline_lowered:
0x8: {  	[smem:$0x3FA2] =	sst s0  }
0x9: {  	[smem:$0x3FA3] =	sst s1  }
0xa: {  	[smem:$0x3FA4] =	sst s2  }
0xb: {  	[smem:$0x3FA5] =	sst s3  }
0xc: {  	[smem:$0x3FA6] =	sst s4  }
0xd: {  	[smem:$0x3FA7] =	sst s5  }
0xe: {  	[smem:$0x3FA8] =	sst s6  }
0xf: {  	[smem:$0x3FA9] =	sst s7  }
0x10: {  	[smem:$0x3FAA] =	sst s8  }
0x11: {  	[smem:$0x3FAB] =	sst s9;
	s0 =	simm.s32 @!p0 $0x0  }
0x12: {  	s1 =	sld [smem:$0x3F91];
	s0 =	simm.s32 @p0 $0x1  }
0x13: {  	[smem:$0x3FAC] =	sst s0;
	s0 =	simm.s32 @!p1 $0x0  }
0x14: {  	s2 =	sld [smem:$0x3F90];
	s0 =	simm.s32 @p1 $0x1  }
0x15: {  	[smem:$0x3FAD] =	sst s0;
	s0 =	simm.s32 @!p2 $0x0  }
0x16: {  	s3 =	sld [smem:$0x3FDB];
	s0 =	simm.s32 @p2 $0x1  }
0x17: {  	s4 =	simm.s32 $0x1BF5;
	[smem:$0x3FAF] =	sst s0  }
0x18: {  	s0 =	sld [smem:$0x3F92];
	_ =	swait.ge [sflag:s4], $0x0  }
0x19: {  	s7 =	sld [smem:$0x3F93]  }
0x1a: {  	s8 =	sadd.s32 $0xFFFFE003, lr  }
0x1b: {  	s9 =	sadd.s32 $0xFFFFFEF7, lr;
	s5 =	simm.s32 $0xFFFFFFFF;
	p2 =	slt.u32 s8, $0xFFFFF086  }
0x1c: {  	p1 =	slt.u32 s9, $0xF7A;
	s5 =	simm.s32 @!p2 $0x0  }
0x1d: {  	s5 =	simm.s32 @p1 $0x1;
	p0 =	seq.s32 s7, s2  }
0x1e: {  	s7 =	smul.u32 @!p0 $0xF7A, s2;
	p2 =	seq.s32 @!p0 s5, $0x0  }
0x1f: {  	s9 =	smul.u32 $0xF7A, s1;
	s8 =	simm.s32 @!p0 $0x1BF5;
	p2 =	por !p2, p0  }
0x20: {  	[sflag:s8] =	ssyncset.s32 @!p0 $0xFFFFF086;
	s6 =	sadd.s32 @!p0 s3, s7;
	s7 =	simm.s32 @!p0 $0x108  }
0x21: {  	s3 =	sadd.s32 s3, s9;
	s6 =	sadd.s32 @!p0 $0x88, s6;
	s7 =	simm.s32 @p2 $0x1082  }
0x22: {  	[simem:s7], [sflag:s8] =	dma.local @!p0 [hbm:s6], $0xF7A  }
0x23: {  	s9 =	sor.u32 $0xD0000000, s2;
	s6 =	simm.s32 $0x108;
	_ =	swait.ge @!p0 [sflag:s8], $0x0  }
0x24: {  	s3 =	sadd.s32 $0x88, s3;
	s6 =	simm.s32 @!p1 $0x1082;
	[sflag:s4] =	ssyncset.s32 $0xFFFFF086  }
0x25: {  	[simem:s6], [sflag:s4] =	dma.local [hbm:s3], $0xF7A  }
0x26: {  	[smem:$0x3F93] =	sst s1;
	(tag) =	ssettag s2;
	_ =	strace s9  }
0x27: {  	s1 =	sld [smem:$0x3FA3]  }
0x28: {  	s2 =	sld [smem:$0x3FA4]  }
0x29: {  	s4 =	sld [smem:$0x3FA6]  }
0x2a: {  	p0 =	seq.s32 s5, $0x0;
	s5 =	sld [smem:$0x3FA7]  }
0x2b: {  	s6 =	sld [smem:$0x3FA8]  }
0x2c: {  	s7 =	sld [smem:$0x3FA9]  }
0x2d: {  	s3 =	simm.s32 $0x108;
	s8 =	sld [smem:$0x3FAA]  }
0x2e: {  	s3 =	simm.s32 @!p0 $0x1082;
	s9 =	sld [smem:$0x3FAB]  }
0x2f: {  	lr =	sadd.s32 s0, s3;
	s0 =	sld [smem:$0x3FA2]  }
0x30: {  	s3 =	sld [smem:$0x3FA5]  }
0x31: {  	[smem:$0x3FAE] =	sst s10  }
0x32: {  	s10 =	sld [smem:$0x3FAC];
	_ =	sdelay $0x3  }
0x33: {  	p0 =	seq.s32 s10, $0x1;
	s10 =	sld [smem:$0x3FAE];
	_ =	sdelay $0x3  }
0x34: {  	[smem:$0x3FAE] =	sst s10  }
0x35: {  	s10 =	sld [smem:$0x3FAD];
	_ =	sdelay $0x3  }
0x36: {  	p1 =	seq.s32 s10, $0x1;
	s10 =	sld [smem:$0x3FAE];
	_ =	sdelay $0x3  }
0x37: {  	[smem:$0x3FAE] =	sst s10  }
0x38: {  	s10 =	sld [smem:$0x3FAF]  }
0x39: {  	_ = 	snop;
	(pc) =	sbr.ind lr, $3  }
0x3a: {  	_ = 	snop  }
0x3b: {  	_ = 	snop  }
0x3c: {  	p2 =	seq.s32 s10, $0x1;
	s10 =	sld [smem:$0x3FAE]  }
0x3d: {  	_ =	shalt  }
0x3e: {  	_ =	shalt  }
0x3f: {  	_ =	shalt  }
0x40: {  	_ =	shalt  }
0x41: {  	_ =	shalt  }
0x42: {  	_ =	shalt  }
0x43: {  	_ =	shalt  }
0x44: {  	_ =	shalt  }
0x45: {  	_ =	shalt  }
0x46: {  	_ =	shalt  }
0x47: {  	_ =	shalt  }
0x48: {  	_ =	shalt  }
0x49: {  	_ =	shalt  }
0x4a: {  	_ =	shalt  }
0x4b: {  	_ =	shalt  }
0x4c: {  	_ =	shalt  }
0x4d: {  	_ =	shalt  }
0x4e: {  	_ =	shalt  }
0x4f: {  	_ =	shalt  }
0x50: {  	_ =	shalt  }
0x51: {  	_ =	shalt  }
0x52: {  	_ =	shalt  }
0x53: {  	_ =	shalt  }
0x54: {  	_ =	shalt  }
0x55: {  	_ =	shalt  }
0x56: {  	_ =	shalt  }
0x57: {  	_ =	shalt  }
0x58: {  	_ =	shalt  }
0x59: {  	_ =	shalt  }
0x5a: {  	_ =	shalt  }
0x5b: {  	_ =	shalt  }
0x5c: {  	_ =	shalt  }
0x5d: {  	_ =	shalt  }
0x5e: {  	_ =	shalt  }
0x5f: {  	_ =	shalt  }
0x60: {  	_ =	shalt  }
0x61: {  	_ =	shalt  }
0x62: {  	_ =	shalt  }
0x63: {  	_ =	shalt  }
0x64: {  	_ =	shalt  }
0x65: {  	_ =	shalt  }
0x66: {  	_ =	shalt  }
0x67: {  	_ =	shalt  }
0x68: {  	_ =	shalt  }
0x69: {  	_ =	shalt  }
0x6a: {  	_ =	shalt  }
0x6b: {  	_ =	shalt  }
0x6c: {  	_ =	shalt  }
0x6d: {  	_ =	shalt  }
0x6e: {  	_ =	shalt  }
0x6f: {  	_ =	shalt  }
0x70: {  	_ =	shalt  }
0x71: {  	_ =	shalt  }
0x72: {  	_ =	shalt  }
0x73: {  	_ =	shalt  }
0x74: {  	_ =	shalt  }
0x75: {  	_ =	shalt  }
0x76: {  	_ =	shalt  }
0x77: {  	_ =	shalt  }
0x78: {  	_ =	shalt  }
0x79: {  	_ =	shalt  }
0x7a: {  	_ =	shalt  }
0x7b: {  	_ =	shalt  }
0x7c: {  	_ =	shalt  }
0x7d: {  	_ =	shalt  }
0x7e: {  	_ =	shalt  }
0x7f: {  	_ =	shalt  }
0x80: {  	_ =	shalt  }
0x81: {  	_ =	shalt  }
0x82: {  	_ =	shalt  }
0x83: {  	_ =	shalt  }
0x84: {  	_ =	shalt  }
0x85: {  	_ =	shalt  }
0x86: {  	_ =	shalt  }
0x87: {  	_ =	shalt  }
.Lfunc_end0:
.L_simem_size_0:
called_computation.1_lowered:
.L_overlay_start_0:
0x88: {  	s2 =	sld [smem:$0x3FD9]  }
0x89: {  	s3 =	sld [smem:$0x3FFE];
	_ =	sdelay $0x1  }
0x8a: {  	s1 =	srdreg.scid  }
0x8b: {  	s0 =	sand.u32 $0x1, s1  }
0x8c: {  	s17 =	sshll.u32 s0, $0xA;
	s2 =	sadd.s32 s3, s2  }
0x8d: {  	s2 =	sadd.s32 s2, s17  }
0x8e: {  	[smem:$0x3FBA] =	sst s2  }
0x8f: {  	_ = 	snop  }
0x90: {  	s2 =	sld [smem:$0x3FD0];
	(tm) =	ssettm $0x1  }
0x91: {  	s18 =	sld [smem:$0x3FFB];
	_ =	sdelay $0x3  }
0x92: {  	_ =	strace s18  }
0x93: {  	s3 =	sld [smem:$0x3FFC];
	_ =	sdelay $0x3  }
0x94: {  	_ =	strace s3  }
0x95: {  	s3 =	sld [smem:$0x3FFD];
	_ =	sdelay $0x3  }
0x96: {  	_ =	strace s3  }
0x97: {  	_ =	strace $0x8FFFFFFF  }
0x98: {  	s19 =	sld [smem:$0x3FDB];
	_ =	sdelay $0x1  }
0x99: {  	s4 =	simm.s32 $_scs_section_size  }
0x9a: {  	s5 =	simm.s32 $_size__tile_overlayer_lowered;
	s6 =	simm.s32 $_tile_overlayer_lowered  }
0x9b: {  	s22 =	simm.s32 $0x1BFF;
	s21 =	sshll.u32 s6, $0x1;
	s3 =	sadd.s32 s4, s19  }
0x9c: {  	s7 =	simm.s32 $0x0;
	s20 =	sshll.u32 s5, $0x1;
	s5 =	sadd.s32 s21, s3  }
0x9d: {  	[timem:s7], [sflag:s22] =	dma.local [hbm:s5], s20  }
0x9e: {  	_ =	swait.ge [sflag:s22], s20  }
0x9f: {  	s4 =	ssub.s32 $0x0, s20;
	[sflag:s22] =	ssyncset.done $0x0  }
0xa0: {  	[sflag:s22] =	ssyncadd.s32 s4;
	_ =	sdelay $0x1  }
0xa1: {  	s23 =	simm.s32 $0x1B8B  }
0xa2: {  	_ =	swait.ge [sflag:s23], $0x1  }
0xa3: {  	[sflag:s23] =	ssyncset.done $0x0  }
0xa4: {  	s25 =	simm.s32 $0x1B8E;
	s24 =	sld [smem:$0x3FFE];
	[sflag:s23] =	ssyncadd.s32 $0xFFFFFFFF  }
0xa5: {  	s26 =	simm.s32 $execute0_lowered;
	[smem:$0x3FD2] =	sst s25  }
0xa6: {  	s5 =	sshll.u32 s26, $0x1;
	_ =	strace $0x80000049;
	[dreg:$0x1] =	wrdreg $0xFFFFFFFF  }
0xa7: {  	s28 =	simm.s32 $_size_execute0_lowered;
	s3 =	sadd.s32 s3, s5;
	[dreg:$0x0] =	wrdreg $0x0  }
0xa8: {  	s5 =	sshll.u32 s28, $0x1;
	[dreg:$0x2] =	wrdreg s3  }
0xa9: {  	[dreg:$0x3] =	wrdreg s5  }
0xaa: {  	[dreg:$0x4] =	wrdreg $0xC0  }
0xab: {  	_ =	task [dreg:s7], $0x5FFFF  }
0xac: {  	[dreg:$0x1] =	wrdreg $0xFFFFFFFF  }
0xad: {  	[dreg:$0x0] =	wrdreg $0x60  }
0xae: {  	[dreg:$0x2] =	wrdreg s24  }
0xaf: {  	[dreg:$0x3] =	wrdreg s2  }
0xb0: {  	[dreg:$0x4] =	wrdreg $0xA4000  }
0xb1: {  	[dreg:$0x5] =	wrdreg $0x9  }
0xb2: {  	_ =	task.clear_ibuf [dreg:s7], $0x6FFFF;
	_ =	strace $0x90000049  }
0xb3: {  	s29 =	simm.s32 $0x9;
	_ =	strace $0x8000004B  }
0xb4: {  	_ =	swait.ge [sflag:s29], $0x1  }
0xb5: {  	[sflag:s29] =	ssyncadd.s32 $0xFFFFFFFF  }
0xb6: {  	_ =	strace $0x9000004B  }
0xb7: {  	_ =	sfence  }
0xb8: {  	s30 =	sld [smem:$0x0];
	_ =	sdelay $0x2  }
0xb9: {  	s31 =	sshll.u32 s1, $0xD;
	s1 =	sshrl.u32 s1, $0x2  }
0xba: {  	s3 =	sand.u32 $0x4000, s31;
	s1 =	sadd.s32 s1, s30  }
0xbb: {  	s0 =	sor.u32 s3, s0;
	s1 =	sshll.u32 s1, $0x11  }
0xbc: {  	s0 =	sor.u32 s1, s0  }
0xbd: {  	s0 =	sadd.s32 $0x8F2B, s0  }
0xbe: {  	[sflag:s0] =	ssyncadd.remote.s32 $0x1  }
0xbf: {  	_ =	sfence.sel $0xFFFF  }
0xc0: {  	[dreg:$0x0] =	wrdreg $0xFFFFFFFF;
	(pc) =	sbr.abs _section_cstart, $3  }
0xc1: {  	[dreg:$0x1] =	wrdreg $0xFFFFFFFF  }
0xc2: {  	_ =	task.clear_ibuf [dreg:s7], $0x2FFFF;
	_ =	strace $0x9FFFFFFF  }
0xc3: {  	(tm) =	ssettm $0x7FFFFFFF  }
tec
execute0_lowered:
.L_overlay_start_1:
0x0: {  	(tag) =	ssettag $0x1  }
0x1: {  	s0 =	rddreg [dreg:$0x0];
	s1 =	srdreg.scid  }
0x2: {  	s26 =	stileid.u32;
	s5 =	rddreg [dreg:$0x1]  }
0x3: {  	s2 =	rddreg [dreg:$0x2];
	s3 =	simm.s32 $0x0;
	s10 =	simm.s32 $0x80  }
0x4: {  	s12 =	simm.s32 $0x880;
	s13 =	simm.s32 $0x100;
	s14 =	simm.s32 $0x180  }
0x5: {  	s15 =	simm.s32 $0x900;
	s16 =	simm.s32 $0x980;
	s17 =	simm.s32 $0x200  }
0x6: {  	s18 =	simm.s32 $0x280;
	s19 =	simm.s32 $0xA00;
	[smem:$0x7FF] =	sst s3  }
0x7: {  	s20 =	simm.s32 $0xA80;
	_ =	strace $0x8000004A;
	[dreg:$0x6] =	wrdreg s10  }
0x8: {  	s21 =	simm.s32 $0x300;
	s22 =	simm.s32 $0x380;
	[dreg:$0x7] =	wrdreg s12  }
0x9: {  	s28 =	simm.s32 $0xE00;
	s29 =	simm.s32 $0xE80;
	[dreg:$0x8] =	wrdreg s13  }
0xa: {  	s30 =	simm.s32 $0x700;
	s4 =	smul.u32 $0x5000, s26;
	[dreg:$0x9] =	wrdreg s14  }
0xb: {  	s31 =	simm.s32 $0x780;
	s7 =	smul.u32 $0xA00, s26;
	[dreg:$0xa] =	wrdreg s15  }
0xc: {  	s1 =	sand.u32 $0x1, s1;
	s9 =	smul.u32 $0x1F400, s26;
	[dreg:$0xb] =	wrdreg s16  }
0xd: {  	s25 =	smul.u32 $0x7D000, s26;
	p0 =	slt.u32 s26, $0xA;
	[dreg:$0xc] =	wrdreg s17  }
0xe: {  	p1 =	sgt.u32 s26, $0x9;
	s6 =	smul.u32 $0x50000, s1;
	[dreg:$0xd] =	wrdreg s18  }
0xf: {  	s26 =	simm.s32 $0x680;
	s23 =	smul.u32 $0x138800, s1;
	[dreg:$0xe] =	wrdreg s19  }
0x10: {  	s1 =	ssub.s32 $0x2, s1;
	s10 =	simm.s32 $0x800;
	[dreg:$0xf] =	wrdreg s20  }
0x11: {  	s12 =	simm.s32 $0x1000;
	s13 =	simm.s32 $0x5000;
	[dreg:$0x10] =	wrdreg s21  }
0x12: {  	s14 =	simm.s32 $0x1;
	s15 =	simm.s32 $0x2;
	[dreg:$0x11] =	wrdreg s22  }
0x13: {  	s16 =	simm.s32 $0x3;
	s17 =	simm.s32 $0x4;
	s18 =	simm.s32 $0x480  }
0x14: {  	s19 =	simm.s32 $0xC00;
	s20 =	simm.s32 $0xC80;
	s21 =	simm.s32 $0x500  }
0x15: {  	s22 =	simm.s32 $0x580;
	s24 =	sshrl.u32 s1, $0x1;
	s11 =	sshrl.u32 s25, $0x2  }
0x16: {  	s25 =	simm.s32 $0x400;
	s4 =	sadd.s32 s4, s6;
	s6 =	sadd.s32 s9, s23  }
0x17: {  	s1 =	ssub.s32 s1, s24;
	s23 =	simm.s32 $0xB00;
	s24 =	simm.s32 $0xB80  }
0x18: {  	[dreg:$0x14] =	wrdreg s25;
	s25 =	simm.s32 $0x600;
	s8 =	sshrl.u32 s4, $0x3  }
0x19: {  	s4 =	sadd.s32 $0x502400, s0;
	s6 =	sshrl.u32 s6, $0x3;
	[dreg:$0x12] =	wrdreg s23  }
0x1a: {  	s1 =	smax.u32 s1, $0x1;
	[dreg:$0x13] =	wrdreg s24;
	s23 =	simm.s32 $0xD00  }
0x1b: {  	s24 =	simm.s32 $0xD80;
	s8 =	sadd.s32 s8, s0;
	s0 =	sadd.s32 s7, s0  }
0x1c: {  	s5 =	sadd.s32 s5, s6;
	[dreg:$0x17] =	wrdreg s1;
	s6 =	simm.s32 $0x9000  }
0x1d: {  	s1 =	simm.s32 $0xF00;
	s0 =	sadd.s32 $0x4F8400, s0;
	[dreg:$0x15] =	wrdreg s5  }
0x1e: {  	s7 =	simm.s32 $0x0;
	s9 =	sadd.s32 $0x2800, s8;
	[dreg:$0x4] =	wrdreg s0  }
0x1f: {  	s8 =	sadd.s32 s11, s2;
	s11 =	simm.s32 $0x7D;
	[dreg:$0x5] =	wrdreg s9  }
0x20: {  	v0 =	vimm.f32 $0.0e+00;
	s9 =	simm.s32 $0x5;
	s0 =	simm.s32 $0xF80;
	[dreg:$0x16] =	wrdreg s8  }
.LBB2_1:
.Ltmp0:
0x21: {  	(pc) =	sbr.rel @!p0 .LBB2_7-.Ltmp0, $2  }
0x22: {  	_ =	sdelay $0x2  }
0x23: {  	[dreg:$0x18] =	wrdreg s7  }
0x24: {  	s5 =	sshra.s32 s3, $0x2;
	s7 =	sadd.s32 $0x200, s3  }
.LBB2_3:
0x25: {  	p2 =	seq.s32 s7, $0x4E00;
	[tilespmem:s5+$0x9070] =	vst v0  }
0x26: {  	[tilespmem:s5+$0x9000] =	vst v0  }
0x27: {  	[tilespmem:s5+$0x9010] =	vst v0  }
.Ltmp1:
0x28: {  	[tilespmem:s5+$0x9020] =	vst v0;
	(pc) =	sbr.rel @!p2 .LBB2_3-.Ltmp1, $4  }
0x29: {  	[tilespmem:s5+$0x9030] =	vst v0  }
0x2a: {  	[tilespmem:s5+$0x9040] =	vst v0  }
0x2b: {  	[tilespmem:s5+$0x9050] =	vst v0  }
0x2c: {  	[tilespmem:s5+$0x9060] =	vst v0;
	s5 =	sshra.s32 s7, $0x2;
	s7 =	sadd.s32 $0x200, s7  }
0x2d: {  	[tilespmem:s5+$0x9070] =	vst v0  }
0x2e: {  	[tilespmem:s5+$0x9000] =	vst v0  }
0x2f: {  	[tilespmem:s5+$0x9010] =	vst v0  }
0x30: {  	[tilespmem:s5+$0x9020] =	vst v0  }
0x31: {  	[tilespmem:s5+$0x9030] =	vst v0  }
0x32: {  	[tilespmem:s5+$0x9040] =	vst v0  }
0x33: {  	[tilespmem:s5+$0x9050] =	vst v0  }
0x34: {  	[tilespmem:s5+$0x9060] =	vst v0;
	s7 =	sadd.s32 $0x0, s8  }
0x35: {  	[spmem:s7] =	stream.linear.scatter [tilespmem:s6], [sflag:$0x5], $0x1400, $0x38;
	[tilespmem:$0x1DC80] =	vst v63  }
0x36: {  	s5 =	simm.s32 $0x5000;
	_ =	swait.ge [sflag:s9], $0x1400  }
.LBB2_5:
0x37: {  	s7 =	sshra.s32 s5, $0x2;
	[sflag:s9] =	ssyncset.done $0x0;
	p2 =	sne.s32 s5, $0x78000  }
.Ltmp2:
0x38: {  	s7 =	sadd.s32 s7, s8;
	[sflag:s9] =	ssyncadd.s32 $0xFFFFEC00;
	(pc) =	sbr.rel @p2 .LBB2_5-.Ltmp2, $3  }
0x39: {  	[spmem:s7] =	stream.linear.scatter [tilespmem:s6], [sflag:$0x5], $0x1400, $0x38;
	[tilespmem:$0x1DC80] =	vst v63  }
0x3a: {  	s5 =	sadd.s32 $0x5000, s5;
	_ =	sdelay $0x1  }
0x3b: {  	_ =	swait.ge [sflag:s9], $0x1400  }
0x3c: {  	[sflag:s9] =	ssyncset.done $0x0  }
0x3d: {  	[sflag:s9] =	ssyncadd.s32 $0xFFFFEC00  }
.LBB2_7:
0x3e: {  	[bflag:$0x0] =	sbarrier.arrive $0xFFFF  }
0x3f: {  	s5 =	rddreg [dreg:$0x5]  }
0x40: {  	s5 =	sadd.s32 $0x0, s5  }
0x41: {  	[tilespmem:s3], [sflag:$0x5] =	stream.linear.gather [hbm4b:s5+s3], $0x800, $0x38;
	[tilespmem:$0x1DC80] =	vst v63  }
0x42: {  	_ =	swait.ge [sflag:s9], $0x800  }
0x43: {  	s8 =	rddreg [dreg:$0x4];
	[sflag:s9] =	ssyncset.done $0x0  }
0x44: {  	[sflag:s9] =	ssyncadd.s32 $0xFFFFF800;
	s5 =	sadd.s32 $0x0, s8  }
0x45: {  	[tilespmem:s10], [sflag:$0x5] =	stream.linear.gather [hbm4b:s5+s3], $0x800, $0x38;
	[tilespmem:$0x1DC80] =	vst v63  }
0x46: {  	_ =	swait.ge [sflag:s9], $0x800  }
0x47: {  	[sflag:s9] =	ssyncset.done $0x0  }
0x48: {  	[sflag:s9] =	ssyncadd.s32 $0xFFFFF800  }
0x49: {  	[tilespmem:s12], [sflag:$0x1] =	stream.indirect.gather [hbm4b:s4+s11], $0x80, s3, s11, $0xb8;
	[tilespmem:$0x1DC80] =	vst v63  }
0x4a: {  	s6 =	rddreg [dreg:$0x6]  }
0x4b: {  	[tilespmem:s13], [sflag:$0x2] =	stream.indirect.gather [hbm4b:s4+s11], $0x80, s6, s11, $0xb8;
	[tilespmem:$0x1DC80] =	vst v63  }
0x4c: {  	_ =	swait.ge [sflag:s14], $0x3E80  }
0x4d: {  	[sflag:s14] =	ssyncset.done $0x0  }
0x4e: {  	[sflag:s14] =	ssyncadd.s32 $0xFFFFC180  }
0x4f: {  	[spmem:s2] =	stream.indirect.scatter.add.f32 [tilespmem:s12], [sflag:$0x3], $0x80, s10, s11, $0xb8;
	[tilespmem:$0x1DC80] =	vst v63  }
0x50: {  	_ =	swait.ge [sflag:s15], $0x3E80  }
0x51: {  	[sflag:s15] =	ssyncset.done $0x0  }
0x52: {  	s7 =	rddreg [dreg:$0x7];
	[sflag:s15] =	ssyncadd.s32 $0xFFFFC180  }
0x53: {  	[spmem:s2] =	stream.indirect.scatter.add.f32 [tilespmem:s13], [sflag:$0x4], $0x80, s7, s11, $0xb8;
	[tilespmem:$0x1DC80] =	vst v63  }
0x54: {  	_ =	swait.ge [sflag:s16], $0x3E80  }
0x55: {  	[sflag:s16] =	ssyncset.done $0x0  }
0x56: {  	[sflag:s16] =	ssyncadd.s32 $0xFFFFC180  }
0x57: {  	_ =	swait.ge [sflag:s17], $0x3E80  }
0x58: {  	[sflag:s17] =	ssyncset.done $0x0  }
0x59: {  	s8 =	rddreg [dreg:$0x8];
	[sflag:s17] =	ssyncadd.s32 $0xFFFFC180  }
0x5a: {  	[tilespmem:s12], [sflag:$0x1] =	stream.indirect.gather [hbm4b:s4+s11], $0x80, s8, s11, $0xb8;
	[tilespmem:$0x1DC80] =	vst v63  }
0x5b: {  	s7 =	rddreg [dreg:$0x9]  }
0x5c: {  	[tilespmem:s13], [sflag:$0x2] =	stream.indirect.gather [hbm4b:s4+s11], $0x80, s7, s11, $0xb8;
	[tilespmem:$0x1DC80] =	vst v63  }
0x5d: {  	_ =	swait.ge [sflag:s14], $0x3E80  }
0x5e: {  	[sflag:s14] =	ssyncset.done $0x0  }
0x5f: {  	s6 =	rddreg [dreg:$0xa];
	[sflag:s14] =	ssyncadd.s32 $0xFFFFC180  }
0x60: {  	[spmem:s2] =	stream.indirect.scatter.add.f32 [tilespmem:s12], [sflag:$0x3], $0x80, s6, s11, $0xb8;
	[tilespmem:$0x1DC80] =	vst v63  }
0x61: {  	_ =	swait.ge [sflag:s15], $0x3E80  }
0x62: {  	[sflag:s15] =	ssyncset.done $0x0  }
0x63: {  	s7 =	rddreg [dreg:$0xb];
	[sflag:s15] =	ssyncadd.s32 $0xFFFFC180  }
0x64: {  	[spmem:s2] =	stream.indirect.scatter.add.f32 [tilespmem:s13], [sflag:$0x4], $0x80, s7, s11, $0xb8;
	[tilespmem:$0x1DC80] =	vst v63  }
0x65: {  	_ =	swait.ge [sflag:s16], $0x3E80  }
0x66: {  	[sflag:s16] =	ssyncset.done $0x0  }
0x67: {  	[sflag:s16] =	ssyncadd.s32 $0xFFFFC180  }
0x68: {  	_ =	swait.ge [sflag:s17], $0x3E80  }
0x69: {  	[sflag:s17] =	ssyncset.done $0x0  }
0x6a: {  	s8 =	rddreg [dreg:$0xc];
	[sflag:s17] =	ssyncadd.s32 $0xFFFFC180  }
0x6b: {  	[tilespmem:s12], [sflag:$0x1] =	stream.indirect.gather [hbm4b:s4+s11], $0x80, s8, s11, $0xb8;
	[tilespmem:$0x1DC80] =	vst v63  }
0x6c: {  	s6 =	rddreg [dreg:$0xd]  }
0x6d: {  	[tilespmem:s13], [sflag:$0x2] =	stream.indirect.gather [hbm4b:s4+s11], $0x80, s6, s11, $0xb8;
	[tilespmem:$0x1DC80] =	vst v63  }
0x6e: {  	_ =	swait.ge [sflag:s14], $0x3E80  }
0x6f: {  	[sflag:s14] =	ssyncset.done $0x0  }
0x70: {  	s8 =	rddreg [dreg:$0xe];
	[sflag:s14] =	ssyncadd.s32 $0xFFFFC180  }
0x71: {  	[spmem:s2] =	stream.indirect.scatter.add.f32 [tilespmem:s12], [sflag:$0x3], $0x80, s8, s11, $0xb8;
	[tilespmem:$0x1DC80] =	vst v63  }
0x72: {  	_ =	swait.ge [sflag:s15], $0x3E80  }
0x73: {  	[sflag:s15] =	ssyncset.done $0x0  }
0x74: {  	s6 =	rddreg [dreg:$0xf];
	[sflag:s15] =	ssyncadd.s32 $0xFFFFC180  }
0x75: {  	[spmem:s2] =	stream.indirect.scatter.add.f32 [tilespmem:s13], [sflag:$0x4], $0x80, s6, s11, $0xb8;
	[tilespmem:$0x1DC80] =	vst v63  }
0x76: {  	_ =	swait.ge [sflag:s16], $0x3E80  }
0x77: {  	[sflag:s16] =	ssyncset.done $0x0  }
0x78: {  	[sflag:s16] =	ssyncadd.s32 $0xFFFFC180  }
0x79: {  	_ =	swait.ge [sflag:s17], $0x3E80  }
0x7a: {  	[sflag:s17] =	ssyncset.done $0x0  }
0x7b: {  	s7 =	rddreg [dreg:$0x10];
	[sflag:s17] =	ssyncadd.s32 $0xFFFFC180  }
0x7c: {  	[tilespmem:s12], [sflag:$0x1] =	stream.indirect.gather [hbm4b:s4+s11], $0x80, s7, s11, $0xb8;
	[tilespmem:$0x1DC80] =	vst v63  }
0x7d: {  	s8 =	rddreg [dreg:$0x11]  }
0x7e: {  	[tilespmem:s13], [sflag:$0x2] =	stream.indirect.gather [hbm4b:s4+s11], $0x80, s8, s11, $0xb8;
	[tilespmem:$0x1DC80] =	vst v63  }
0x7f: {  	_ =	swait.ge [sflag:s14], $0x3E80  }
0x80: {  	[sflag:s14] =	ssyncset.done $0x0  }
0x81: {  	s6 =	rddreg [dreg:$0x12];
	[sflag:s14] =	ssyncadd.s32 $0xFFFFC180  }
0x82: {  	[spmem:s2] =	stream.indirect.scatter.add.f32 [tilespmem:s12], [sflag:$0x3], $0x80, s6, s11, $0xb8;
	[tilespmem:$0x1DC80] =	vst v63  }
0x83: {  	_ =	swait.ge [sflag:s15], $0x3E80  }
0x84: {  	[sflag:s15] =	ssyncset.done $0x0  }
0x85: {  	s7 =	rddreg [dreg:$0x13];
	[sflag:s15] =	ssyncadd.s32 $0xFFFFC180  }
0x86: {  	[spmem:s2] =	stream.indirect.scatter.add.f32 [tilespmem:s13], [sflag:$0x4], $0x80, s7, s11, $0xb8;
	[tilespmem:$0x1DC80] =	vst v63  }
0x87: {  	_ =	swait.ge [sflag:s16], $0x3E80  }
0x88: {  	[sflag:s16] =	ssyncset.done $0x0  }
0x89: {  	[sflag:s16] =	ssyncadd.s32 $0xFFFFC180  }
0x8a: {  	_ =	swait.ge [sflag:s17], $0x3E80  }
0x8b: {  	[sflag:s17] =	ssyncset.done $0x0  }
0x8c: {  	s8 =	rddreg [dreg:$0x14];
	[sflag:s17] =	ssyncadd.s32 $0xFFFFC180  }
0x8d: {  	[tilespmem:s12], [sflag:$0x1] =	stream.indirect.gather [hbm4b:s4+s11], $0x80, s8, s11, $0xb8;
	[tilespmem:$0x1DC80] =	vst v63  }
0x8e: {  	_ = 	snop  }
0x8f: {  	[tilespmem:s13], [sflag:$0x2] =	stream.indirect.gather [hbm4b:s4+s11], $0x80, s18, s11, $0xb8;
	[tilespmem:$0x1DC80] =	vst v63  }
0x90: {  	_ =	swait.ge [sflag:s14], $0x3E80  }
0x91: {  	[sflag:s14] =	ssyncset.done $0x0  }
0x92: {  	[sflag:s14] =	ssyncadd.s32 $0xFFFFC180  }
0x93: {  	[spmem:s2] =	stream.indirect.scatter.add.f32 [tilespmem:s12], [sflag:$0x3], $0x80, s19, s11, $0xb8;
	[tilespmem:$0x1DC80] =	vst v63  }
0x94: {  	_ =	swait.ge [sflag:s15], $0x3E80  }
0x95: {  	[sflag:s15] =	ssyncset.done $0x0  }
0x96: {  	[sflag:s15] =	ssyncadd.s32 $0xFFFFC180  }
0x97: {  	[spmem:s2] =	stream.indirect.scatter.add.f32 [tilespmem:s13], [sflag:$0x4], $0x80, s20, s11, $0xb8;
	[tilespmem:$0x1DC80] =	vst v63  }
0x98: {  	_ =	swait.ge [sflag:s16], $0x3E80  }
0x99: {  	[sflag:s16] =	ssyncset.done $0x0  }
0x9a: {  	[sflag:s16] =	ssyncadd.s32 $0xFFFFC180  }
0x9b: {  	_ =	swait.ge [sflag:s17], $0x3E80  }
0x9c: {  	[sflag:s17] =	ssyncset.done $0x0  }
0x9d: {  	[sflag:s17] =	ssyncadd.s32 $0xFFFFC180  }
0x9e: {  	[tilespmem:s12], [sflag:$0x1] =	stream.indirect.gather [hbm4b:s4+s11], $0x80, s21, s11, $0xb8;
	[tilespmem:$0x1DC80] =	vst v63  }
0x9f: {  	_ = 	snop  }
0xa0: {  	[tilespmem:s13], [sflag:$0x2] =	stream.indirect.gather [hbm4b:s4+s11], $0x80, s22, s11, $0xb8;
	[tilespmem:$0x1DC80] =	vst v63  }
0xa1: {  	_ =	swait.ge [sflag:s14], $0x3E80  }
0xa2: {  	[sflag:s14] =	ssyncset.done $0x0  }
0xa3: {  	[sflag:s14] =	ssyncadd.s32 $0xFFFFC180  }
0xa4: {  	[spmem:s2] =	stream.indirect.scatter.add.f32 [tilespmem:s12], [sflag:$0x3], $0x80, s23, s11, $0xb8;
	[tilespmem:$0x1DC80] =	vst v63  }
0xa5: {  	_ =	swait.ge [sflag:s15], $0x3E80  }
0xa6: {  	[sflag:s15] =	ssyncset.done $0x0  }
0xa7: {  	[sflag:s15] =	ssyncadd.s32 $0xFFFFC180  }
0xa8: {  	[spmem:s2] =	stream.indirect.scatter.add.f32 [tilespmem:s13], [sflag:$0x4], $0x80, s24, s11, $0xb8;
	[tilespmem:$0x1DC80] =	vst v63  }
0xa9: {  	_ =	swait.ge [sflag:s16], $0x3E80  }
0xaa: {  	[sflag:s16] =	ssyncset.done $0x0  }
0xab: {  	[sflag:s16] =	ssyncadd.s32 $0xFFFFC180  }
0xac: {  	_ =	swait.ge [sflag:s17], $0x3E80  }
0xad: {  	[sflag:s17] =	ssyncset.done $0x0  }
0xae: {  	[sflag:s17] =	ssyncadd.s32 $0xFFFFC180  }
0xaf: {  	[tilespmem:s12], [sflag:$0x1] =	stream.indirect.gather [hbm4b:s4+s11], $0x80, s25, s11, $0xb8;
	[tilespmem:$0x1DC80] =	vst v63  }
0xb0: {  	_ = 	snop  }
0xb1: {  	[tilespmem:s13], [sflag:$0x2] =	stream.indirect.gather [hbm4b:s4+s11], $0x80, s26, s11, $0xb8;
	[tilespmem:$0x1DC80] =	vst v63  }
0xb2: {  	_ =	swait.ge [sflag:s14], $0x3E80  }
0xb3: {  	[sflag:s14] =	ssyncset.done $0x0  }
0xb4: {  	[sflag:s14] =	ssyncadd.s32 $0xFFFFC180  }
0xb5: {  	[spmem:s2] =	stream.indirect.scatter.add.f32 [tilespmem:s12], [sflag:$0x3], $0x80, s28, s11, $0xb8;
	[tilespmem:$0x1DC80] =	vst v63  }
0xb6: {  	_ =	swait.ge [sflag:s15], $0x3E80  }
0xb7: {  	[sflag:s15] =	ssyncset.done $0x0  }
0xb8: {  	[sflag:s15] =	ssyncadd.s32 $0xFFFFC180  }
0xb9: {  	[spmem:s2] =	stream.indirect.scatter.add.f32 [tilespmem:s13], [sflag:$0x4], $0x80, s29, s11, $0xb8;
	[tilespmem:$0x1DC80] =	vst v63  }
0xba: {  	_ =	swait.ge [sflag:s16], $0x3E80  }
0xbb: {  	[sflag:s16] =	ssyncset.done $0x0  }
0xbc: {  	[sflag:s16] =	ssyncadd.s32 $0xFFFFC180  }
0xbd: {  	_ =	swait.ge [sflag:s17], $0x3E80  }
0xbe: {  	[sflag:s17] =	ssyncset.done $0x0  }
0xbf: {  	[sflag:s17] =	ssyncadd.s32 $0xFFFFC180  }
0xc0: {  	[tilespmem:s12], [sflag:$0x1] =	stream.indirect.gather [hbm4b:s4+s11], $0x80, s30, s11, $0xb8;
	[tilespmem:$0x1DC80] =	vst v63  }
0xc1: {  	_ = 	snop  }
0xc2: {  	[tilespmem:s13], [sflag:$0x2] =	stream.indirect.gather [hbm4b:s4+s11], $0x80, s31, s11, $0xb8;
	[tilespmem:$0x1DC80] =	vst v63  }
0xc3: {  	_ =	swait.ge [sflag:s14], $0x3E80  }
0xc4: {  	[sflag:s14] =	ssyncset.done $0x0  }
0xc5: {  	[sflag:s14] =	ssyncadd.s32 $0xFFFFC180  }
0xc6: {  	[spmem:s2] =	stream.indirect.scatter.add.f32 [tilespmem:s12], [sflag:$0x3], $0x80, s1, s11, $0xb8;
	[tilespmem:$0x1DC80] =	vst v63  }
0xc7: {  	_ =	swait.ge [sflag:s15], $0x3E80  }
0xc8: {  	[sflag:s15] =	ssyncset.done $0x0  }
0xc9: {  	[sflag:s15] =	ssyncadd.s32 $0xFFFFC180  }
0xca: {  	[spmem:s2] =	stream.indirect.scatter.add.f32 [tilespmem:s13], [sflag:$0x4], $0x80, s0, s11, $0xb8;
	[tilespmem:$0x1DC80] =	vst v63  }
0xcb: {  	_ =	swait.ge [sflag:s16], $0x3E80  }
0xcc: {  	[sflag:s16] =	ssyncset.done $0x0  }
0xcd: {  	[sflag:s16] =	ssyncadd.s32 $0xFFFFC180  }
0xce: {  	s5 =	simm.s32 $0x200;
	_ =	swait.ge [sflag:s17], $0x3E80  }
0xcf: {  	s7 =	simm.s32 $0x100;
	s8 =	rddreg [dreg:$0x5];
	[sflag:s17] =	ssyncset.done $0x0  }
.LBB2_8:
0xd0: {  	[sflag:s17] =	ssyncadd.s32 $0xFFFFC180;
	s8 =	sadd.s32 s7, s8  }
0xd1: {  	[tilespmem:s3], [sflag:$0x5] =	stream.linear.gather [hbm4b:s8+s3], $0x800, $0x38;
	[tilespmem:$0x1DC80] =	vst v63  }
0xd2: {  	_ =	swait.ge [sflag:s9], $0x800  }
0xd3: {  	s8 =	rddreg [dreg:$0x4];
	[sflag:s9] =	ssyncset.done $0x0  }
0xd4: {  	[sflag:s9] =	ssyncadd.s32 $0xFFFFF800;
	s8 =	sadd.s32 s7, s8  }
0xd5: {  	[tilespmem:s10], [sflag:$0x5] =	stream.linear.gather [hbm4b:s8+s3], $0x800, $0x38;
	[tilespmem:$0x1DC80] =	vst v63  }
0xd6: {  	_ =	swait.ge [sflag:s9], $0x800  }
0xd7: {  	[sflag:s9] =	ssyncset.done $0x0  }
0xd8: {  	[sflag:s9] =	ssyncadd.s32 $0xFFFFF800  }
0xd9: {  	[tilespmem:s12], [sflag:$0x1] =	stream.indirect.gather [hbm4b:s4+s11], $0x80, s3, s11, $0xb8;
	[tilespmem:$0x1DC80] =	vst v63  }
0xda: {  	s8 =	rddreg [dreg:$0x6]  }
0xdb: {  	[tilespmem:s13], [sflag:$0x2] =	stream.indirect.gather [hbm4b:s4+s11], $0x80, s8, s11, $0xb8;
	[tilespmem:$0x1DC80] =	vst v63  }
0xdc: {  	_ =	swait.ge [sflag:s14], $0x3E80  }
0xdd: {  	[sflag:s14] =	ssyncset.done $0x0  }
0xde: {  	[sflag:s14] =	ssyncadd.s32 $0xFFFFC180  }
0xdf: {  	[spmem:s2] =	stream.indirect.scatter.add.f32 [tilespmem:s12], [sflag:$0x3], $0x80, s10, s11, $0xb8;
	[tilespmem:$0x1DC80] =	vst v63  }
0xe0: {  	_ =	swait.ge [sflag:s15], $0x3E80  }
0xe1: {  	[sflag:s15] =	ssyncset.done $0x0  }
0xe2: {  	s8 =	rddreg [dreg:$0x7];
	[sflag:s15] =	ssyncadd.s32 $0xFFFFC180  }
0xe3: {  	[spmem:s2] =	stream.indirect.scatter.add.f32 [tilespmem:s13], [sflag:$0x4], $0x80, s8, s11, $0xb8;
	[tilespmem:$0x1DC80] =	vst v63  }
0xe4: {  	_ =	swait.ge [sflag:s16], $0x3E80  }
0xe5: {  	[sflag:s16] =	ssyncset.done $0x0  }
0xe6: {  	[sflag:s16] =	ssyncadd.s32 $0xFFFFC180  }
0xe7: {  	_ =	swait.ge [sflag:s17], $0x3E80  }
0xe8: {  	s6 =	smov.u32 s5;
	[sflag:s17] =	ssyncset.done $0x0  }
0xe9: {  	s7 =	smov.u32 s6;
	s6 =	rddreg [dreg:$0x8];
	[sflag:s17] =	ssyncadd.s32 $0xFFFFC180  }
0xea: {  	[tilespmem:s12], [sflag:$0x1] =	stream.indirect.gather [hbm4b:s4+s11], $0x80, s6, s11, $0xb8;
	[tilespmem:$0x1DC80] =	vst v63  }
0xeb: {  	s8 =	rddreg [dreg:$0x9]  }
0xec: {  	[tilespmem:s13], [sflag:$0x2] =	stream.indirect.gather [hbm4b:s4+s11], $0x80, s8, s11, $0xb8;
	[tilespmem:$0x1DC80] =	vst v63  }
0xed: {  	_ =	swait.ge [sflag:s14], $0x3E80  }
0xee: {  	[sflag:s14] =	ssyncset.done $0x0  }
0xef: {  	s8 =	rddreg [dreg:$0xa];
	[sflag:s14] =	ssyncadd.s32 $0xFFFFC180  }
0xf0: {  	[spmem:s2] =	stream.indirect.scatter.add.f32 [tilespmem:s12], [sflag:$0x3], $0x80, s8, s11, $0xb8;
	[tilespmem:$0x1DC80] =	vst v63  }
0xf1: {  	_ =	swait.ge [sflag:s15], $0x3E80  }
0xf2: {  	[sflag:s15] =	ssyncset.done $0x0  }
0xf3: {  	s8 =	rddreg [dreg:$0xb];
	[sflag:s15] =	ssyncadd.s32 $0xFFFFC180  }
0xf4: {  	[spmem:s2] =	stream.indirect.scatter.add.f32 [tilespmem:s13], [sflag:$0x4], $0x80, s8, s11, $0xb8;
	[tilespmem:$0x1DC80] =	vst v63  }
0xf5: {  	_ =	swait.ge [sflag:s16], $0x3E80  }
0xf6: {  	[sflag:s16] =	ssyncset.done $0x0  }
0xf7: {  	[sflag:s16] =	ssyncadd.s32 $0xFFFFC180  }
0xf8: {  	_ =	swait.ge [sflag:s17], $0x3E80  }
0xf9: {  	[sflag:s17] =	ssyncset.done $0x0  }
0xfa: {  	s6 =	rddreg [dreg:$0xc];
	[sflag:s17] =	ssyncadd.s32 $0xFFFFC180  }
0xfb: {  	[tilespmem:s12], [sflag:$0x1] =	stream.indirect.gather [hbm4b:s4+s11], $0x80, s6, s11, $0xb8;
	[tilespmem:$0x1DC80] =	vst v63  }
0xfc: {  	s8 =	rddreg [dreg:$0xd]  }
0xfd: {  	[tilespmem:s13], [sflag:$0x2] =	stream.indirect.gather [hbm4b:s4+s11], $0x80, s8, s11, $0xb8;
	[tilespmem:$0x1DC80] =	vst v63  }
0xfe: {  	_ =	swait.ge [sflag:s14], $0x3E80  }
0xff: {  	[sflag:s14] =	ssyncset.done $0x0  }
0x100: {  	s8 =	rddreg [dreg:$0xe];
	[sflag:s14] =	ssyncadd.s32 $0xFFFFC180  }
0x101: {  	[spmem:s2] =	stream.indirect.scatter.add.f32 [tilespmem:s12], [sflag:$0x3], $0x80, s8, s11, $0xb8;
	[tilespmem:$0x1DC80] =	vst v63  }
0x102: {  	_ =	swait.ge [sflag:s15], $0x3E80  }
0x103: {  	[sflag:s15] =	ssyncset.done $0x0  }
0x104: {  	s8 =	rddreg [dreg:$0xf];
	[sflag:s15] =	ssyncadd.s32 $0xFFFFC180  }
0x105: {  	[spmem:s2] =	stream.indirect.scatter.add.f32 [tilespmem:s13], [sflag:$0x4], $0x80, s8, s11, $0xb8;
	[tilespmem:$0x1DC80] =	vst v63  }
0x106: {  	_ =	swait.ge [sflag:s16], $0x3E80  }
0x107: {  	[sflag:s16] =	ssyncset.done $0x0  }
0x108: {  	[sflag:s16] =	ssyncadd.s32 $0xFFFFC180  }
0x109: {  	_ =	swait.ge [sflag:s17], $0x3E80  }
0x10a: {  	[sflag:s17] =	ssyncset.done $0x0  }
0x10b: {  	s6 =	rddreg [dreg:$0x10];
	[sflag:s17] =	ssyncadd.s32 $0xFFFFC180  }
0x10c: {  	[tilespmem:s12], [sflag:$0x1] =	stream.indirect.gather [hbm4b:s4+s11], $0x80, s6, s11, $0xb8;
	[tilespmem:$0x1DC80] =	vst v63  }
0x10d: {  	s8 =	rddreg [dreg:$0x11]  }
0x10e: {  	[tilespmem:s13], [sflag:$0x2] =	stream.indirect.gather [hbm4b:s4+s11], $0x80, s8, s11, $0xb8;
	[tilespmem:$0x1DC80] =	vst v63  }
0x10f: {  	_ =	swait.ge [sflag:s14], $0x3E80  }
0x110: {  	[sflag:s14] =	ssyncset.done $0x0  }
0x111: {  	s8 =	rddreg [dreg:$0x12];
	[sflag:s14] =	ssyncadd.s32 $0xFFFFC180  }
0x112: {  	[spmem:s2] =	stream.indirect.scatter.add.f32 [tilespmem:s12], [sflag:$0x3], $0x80, s8, s11, $0xb8;
	[tilespmem:$0x1DC80] =	vst v63  }
0x113: {  	_ =	swait.ge [sflag:s15], $0x3E80  }
0x114: {  	[sflag:s15] =	ssyncset.done $0x0  }
0x115: {  	s8 =	rddreg [dreg:$0x13];
	[sflag:s15] =	ssyncadd.s32 $0xFFFFC180  }
0x116: {  	[spmem:s2] =	stream.indirect.scatter.add.f32 [tilespmem:s13], [sflag:$0x4], $0x80, s8, s11, $0xb8;
	[tilespmem:$0x1DC80] =	vst v63  }
0x117: {  	_ =	swait.ge [sflag:s16], $0x3E80  }
0x118: {  	[sflag:s16] =	ssyncset.done $0x0  }
0x119: {  	[sflag:s16] =	ssyncadd.s32 $0xFFFFC180  }
0x11a: {  	_ =	swait.ge [sflag:s17], $0x3E80  }
0x11b: {  	[sflag:s17] =	ssyncset.done $0x0  }
0x11c: {  	s8 =	rddreg [dreg:$0x14];
	[sflag:s17] =	ssyncadd.s32 $0xFFFFC180  }
0x11d: {  	[tilespmem:s12], [sflag:$0x1] =	stream.indirect.gather [hbm4b:s4+s11], $0x80, s8, s11, $0xb8;
	[tilespmem:$0x1DC80] =	vst v63  }
0x11e: {  	_ = 	snop  }
0x11f: {  	[tilespmem:s13], [sflag:$0x2] =	stream.indirect.gather [hbm4b:s4+s11], $0x80, s18, s11, $0xb8;
	[tilespmem:$0x1DC80] =	vst v63  }
0x120: {  	_ =	swait.ge [sflag:s14], $0x3E80  }
0x121: {  	[sflag:s14] =	ssyncset.done $0x0  }
0x122: {  	[sflag:s14] =	ssyncadd.s32 $0xFFFFC180  }
0x123: {  	[spmem:s2] =	stream.indirect.scatter.add.f32 [tilespmem:s12], [sflag:$0x3], $0x80, s19, s11, $0xb8;
	[tilespmem:$0x1DC80] =	vst v63  }
0x124: {  	_ =	swait.ge [sflag:s15], $0x3E80  }
0x125: {  	[sflag:s15] =	ssyncset.done $0x0  }
0x126: {  	[sflag:s15] =	ssyncadd.s32 $0xFFFFC180  }
0x127: {  	[spmem:s2] =	stream.indirect.scatter.add.f32 [tilespmem:s13], [sflag:$0x4], $0x80, s20, s11, $0xb8;
	[tilespmem:$0x1DC80] =	vst v63  }
0x128: {  	_ =	swait.ge [sflag:s16], $0x3E80  }
0x129: {  	[sflag:s16] =	ssyncset.done $0x0  }
0x12a: {  	[sflag:s16] =	ssyncadd.s32 $0xFFFFC180  }
0x12b: {  	_ =	swait.ge [sflag:s17], $0x3E80  }
0x12c: {  	[sflag:s17] =	ssyncset.done $0x0  }
0x12d: {  	[sflag:s17] =	ssyncadd.s32 $0xFFFFC180  }
0x12e: {  	[tilespmem:s12], [sflag:$0x1] =	stream.indirect.gather [hbm4b:s4+s11], $0x80, s21, s11, $0xb8;
	[tilespmem:$0x1DC80] =	vst v63  }
0x12f: {  	_ = 	snop  }
0x130: {  	[tilespmem:s13], [sflag:$0x2] =	stream.indirect.gather [hbm4b:s4+s11], $0x80, s22, s11, $0xb8;
	[tilespmem:$0x1DC80] =	vst v63  }
0x131: {  	_ =	swait.ge [sflag:s14], $0x3E80  }
0x132: {  	[sflag:s14] =	ssyncset.done $0x0  }
0x133: {  	[sflag:s14] =	ssyncadd.s32 $0xFFFFC180  }
0x134: {  	[spmem:s2] =	stream.indirect.scatter.add.f32 [tilespmem:s12], [sflag:$0x3], $0x80, s23, s11, $0xb8;
	[tilespmem:$0x1DC80] =	vst v63  }
0x135: {  	_ =	swait.ge [sflag:s15], $0x3E80  }
0x136: {  	[sflag:s15] =	ssyncset.done $0x0  }
0x137: {  	[sflag:s15] =	ssyncadd.s32 $0xFFFFC180  }
0x138: {  	[spmem:s2] =	stream.indirect.scatter.add.f32 [tilespmem:s13], [sflag:$0x4], $0x80, s24, s11, $0xb8;
	[tilespmem:$0x1DC80] =	vst v63  }
0x139: {  	_ =	swait.ge [sflag:s16], $0x3E80  }
0x13a: {  	[sflag:s16] =	ssyncset.done $0x0  }
0x13b: {  	[sflag:s16] =	ssyncadd.s32 $0xFFFFC180  }
0x13c: {  	_ =	swait.ge [sflag:s17], $0x3E80  }
0x13d: {  	[sflag:s17] =	ssyncset.done $0x0  }
0x13e: {  	[sflag:s17] =	ssyncadd.s32 $0xFFFFC180  }
0x13f: {  	[tilespmem:s12], [sflag:$0x1] =	stream.indirect.gather [hbm4b:s4+s11], $0x80, s25, s11, $0xb8;
	[tilespmem:$0x1DC80] =	vst v63  }
0x140: {  	_ = 	snop  }
0x141: {  	[tilespmem:s13], [sflag:$0x2] =	stream.indirect.gather [hbm4b:s4+s11], $0x80, s26, s11, $0xb8;
	[tilespmem:$0x1DC80] =	vst v63  }
0x142: {  	_ =	swait.ge [sflag:s14], $0x3E80  }
0x143: {  	[sflag:s14] =	ssyncset.done $0x0  }
0x144: {  	[sflag:s14] =	ssyncadd.s32 $0xFFFFC180  }
0x145: {  	[spmem:s2] =	stream.indirect.scatter.add.f32 [tilespmem:s12], [sflag:$0x3], $0x80, s28, s11, $0xb8;
	[tilespmem:$0x1DC80] =	vst v63  }
0x146: {  	_ =	swait.ge [sflag:s15], $0x3E80  }
0x147: {  	[sflag:s15] =	ssyncset.done $0x0  }
0x148: {  	[sflag:s15] =	ssyncadd.s32 $0xFFFFC180  }
0x149: {  	[spmem:s2] =	stream.indirect.scatter.add.f32 [tilespmem:s13], [sflag:$0x4], $0x80, s29, s11, $0xb8;
	[tilespmem:$0x1DC80] =	vst v63  }
0x14a: {  	_ =	swait.ge [sflag:s16], $0x3E80  }
0x14b: {  	[sflag:s16] =	ssyncset.done $0x0  }
0x14c: {  	[sflag:s16] =	ssyncadd.s32 $0xFFFFC180  }
0x14d: {  	_ =	swait.ge [sflag:s17], $0x3E80  }
0x14e: {  	[sflag:s17] =	ssyncset.done $0x0  }
0x14f: {  	[sflag:s17] =	ssyncadd.s32 $0xFFFFC180  }
0x150: {  	[tilespmem:s12], [sflag:$0x1] =	stream.indirect.gather [hbm4b:s4+s11], $0x80, s30, s11, $0xb8;
	[tilespmem:$0x1DC80] =	vst v63  }
0x151: {  	_ = 	snop  }
0x152: {  	[tilespmem:s13], [sflag:$0x2] =	stream.indirect.gather [hbm4b:s4+s11], $0x80, s31, s11, $0xb8;
	[tilespmem:$0x1DC80] =	vst v63  }
0x153: {  	_ =	swait.ge [sflag:s14], $0x3E80  }
0x154: {  	[sflag:s14] =	ssyncset.done $0x0  }
0x155: {  	[sflag:s14] =	ssyncadd.s32 $0xFFFFC180  }
0x156: {  	[spmem:s2] =	stream.indirect.scatter.add.f32 [tilespmem:s12], [sflag:$0x3], $0x80, s1, s11, $0xb8;
	[tilespmem:$0x1DC80] =	vst v63  }
0x157: {  	_ =	swait.ge [sflag:s15], $0x3E80  }
0x158: {  	[sflag:s15] =	ssyncset.done $0x0  }
0x159: {  	p2 =	sne.s32 s5, $0x900;
	[sflag:s15] =	ssyncadd.s32 $0xFFFFC180  }
0x15a: {  	[spmem:s2] =	stream.indirect.scatter.add.f32 [tilespmem:s13], [sflag:$0x4], $0x80, s0, s11, $0xb8;
	[tilespmem:$0x1DC80] =	vst v63  }
.Ltmp3:
0x15b: {  	_ =	swait.ge [sflag:s16], $0x3E80;
	(pc) =	sbr.rel @p2 .LBB2_8-.Ltmp3, $4  }
0x15c: {  	[sflag:s16] =	ssyncset.done $0x0  }
0x15d: {  	[sflag:s16] =	ssyncadd.s32 $0xFFFFC180  }
0x15e: {  	_ =	swait.ge [sflag:s17], $0x3E80  }
0x15f: {  	s5 =	sadd.s32 $0x100, s5;
	s8 =	rddreg [dreg:$0x5];
	[sflag:s17] =	ssyncset.done $0x0  }
0x160: {  	[sflag:s17] =	ssyncadd.s32 $0xFFFFC180;
	s5 =	sadd.s32 s7, s8  }
0x161: {  	[tilespmem:s3], [sflag:$0x5] =	stream.linear.gather [hbm4b:s5+s3], $0x800, $0x38;
	[tilespmem:$0x1DC80] =	vst v63  }
0x162: {  	_ =	swait.ge [sflag:s9], $0x800  }
0x163: {  	s8 =	rddreg [dreg:$0x4];
	[sflag:s9] =	ssyncset.done $0x0  }
0x164: {  	[sflag:s9] =	ssyncadd.s32 $0xFFFFF800;
	s5 =	sadd.s32 s7, s8  }
0x165: {  	[tilespmem:s10], [sflag:$0x5] =	stream.linear.gather [hbm4b:s5+s3], $0x800, $0x38;
	[tilespmem:$0x1DC80] =	vst v63  }
0x166: {  	_ =	swait.ge [sflag:s9], $0x800  }
0x167: {  	[sflag:s9] =	ssyncset.done $0x0  }
0x168: {  	[sflag:s9] =	ssyncadd.s32 $0xFFFFF800  }
0x169: {  	[tilespmem:s12], [sflag:$0x1] =	stream.indirect.gather [hbm4b:s4+s11], $0x80, s3, s11, $0xb8;
	[tilespmem:$0x1DC80] =	vst v63  }
0x16a: {  	s6 =	rddreg [dreg:$0x6]  }
0x16b: {  	[tilespmem:s13], [sflag:$0x2] =	stream.indirect.gather [hbm4b:s4+s11], $0x80, s6, s11, $0xb8;
	[tilespmem:$0x1DC80] =	vst v63  }
0x16c: {  	_ =	swait.ge [sflag:s14], $0x3E80  }
0x16d: {  	[sflag:s14] =	ssyncset.done $0x0  }
0x16e: {  	[sflag:s14] =	ssyncadd.s32 $0xFFFFC180  }
0x16f: {  	[spmem:s2] =	stream.indirect.scatter.add.f32 [tilespmem:s12], [sflag:$0x3], $0x80, s10, s11, $0xb8;
	[tilespmem:$0x1DC80] =	vst v63  }
0x170: {  	_ =	swait.ge [sflag:s15], $0x3E80  }
0x171: {  	[sflag:s15] =	ssyncset.done $0x0  }
0x172: {  	s7 =	rddreg [dreg:$0x7];
	[sflag:s15] =	ssyncadd.s32 $0xFFFFC180  }
0x173: {  	[spmem:s2] =	stream.indirect.scatter.add.f32 [tilespmem:s13], [sflag:$0x4], $0x80, s7, s11, $0xb8;
	[tilespmem:$0x1DC80] =	vst v63  }
0x174: {  	_ =	swait.ge [sflag:s16], $0x3E80  }
0x175: {  	[sflag:s16] =	ssyncset.done $0x0  }
0x176: {  	[sflag:s16] =	ssyncadd.s32 $0xFFFFC180  }
0x177: {  	_ =	swait.ge [sflag:s17], $0x3E80  }
0x178: {  	[sflag:s17] =	ssyncset.done $0x0  }
0x179: {  	s8 =	rddreg [dreg:$0x8];
	[sflag:s17] =	ssyncadd.s32 $0xFFFFC180  }
0x17a: {  	[tilespmem:s12], [sflag:$0x1] =	stream.indirect.gather [hbm4b:s4+s11], $0x80, s8, s11, $0xb8;
	[tilespmem:$0x1DC80] =	vst v63  }
0x17b: {  	s6 =	rddreg [dreg:$0x9]  }
0x17c: {  	[tilespmem:s13], [sflag:$0x2] =	stream.indirect.gather [hbm4b:s4+s11], $0x80, s6, s11, $0xb8;
	[tilespmem:$0x1DC80] =	vst v63  }
0x17d: {  	_ =	swait.ge [sflag:s14], $0x3E80  }
0x17e: {  	[sflag:s14] =	ssyncset.done $0x0  }
0x17f: {  	s7 =	rddreg [dreg:$0xa];
	[sflag:s14] =	ssyncadd.s32 $0xFFFFC180  }
0x180: {  	[spmem:s2] =	stream.indirect.scatter.add.f32 [tilespmem:s12], [sflag:$0x3], $0x80, s7, s11, $0xb8;
	[tilespmem:$0x1DC80] =	vst v63  }
0x181: {  	_ =	swait.ge [sflag:s15], $0x3E80  }
0x182: {  	[sflag:s15] =	ssyncset.done $0x0  }
0x183: {  	s8 =	rddreg [dreg:$0xb];
	[sflag:s15] =	ssyncadd.s32 $0xFFFFC180  }
0x184: {  	[spmem:s2] =	stream.indirect.scatter.add.f32 [tilespmem:s13], [sflag:$0x4], $0x80, s8, s11, $0xb8;
	[tilespmem:$0x1DC80] =	vst v63  }
0x185: {  	_ =	swait.ge [sflag:s16], $0x3E80  }
0x186: {  	[sflag:s16] =	ssyncset.done $0x0  }
0x187: {  	[sflag:s16] =	ssyncadd.s32 $0xFFFFC180  }
0x188: {  	_ =	swait.ge [sflag:s17], $0x3E80  }
0x189: {  	[sflag:s17] =	ssyncset.done $0x0  }
0x18a: {  	s6 =	rddreg [dreg:$0xc];
	[sflag:s17] =	ssyncadd.s32 $0xFFFFC180  }
0x18b: {  	[tilespmem:s12], [sflag:$0x1] =	stream.indirect.gather [hbm4b:s4+s11], $0x80, s6, s11, $0xb8;
	[tilespmem:$0x1DC80] =	vst v63  }
0x18c: {  	s7 =	rddreg [dreg:$0xd]  }
0x18d: {  	[tilespmem:s13], [sflag:$0x2] =	stream.indirect.gather [hbm4b:s4+s11], $0x80, s7, s11, $0xb8;
	[tilespmem:$0x1DC80] =	vst v63  }
0x18e: {  	_ =	swait.ge [sflag:s14], $0x3E80  }
0x18f: {  	[sflag:s14] =	ssyncset.done $0x0  }
0x190: {  	s8 =	rddreg [dreg:$0xe];
	[sflag:s14] =	ssyncadd.s32 $0xFFFFC180  }
0x191: {  	[spmem:s2] =	stream.indirect.scatter.add.f32 [tilespmem:s12], [sflag:$0x3], $0x80, s8, s11, $0xb8;
	[tilespmem:$0x1DC80] =	vst v63  }
0x192: {  	_ =	swait.ge [sflag:s15], $0x3E80  }
0x193: {  	[sflag:s15] =	ssyncset.done $0x0  }
0x194: {  	s6 =	rddreg [dreg:$0xf];
	[sflag:s15] =	ssyncadd.s32 $0xFFFFC180  }
0x195: {  	[spmem:s2] =	stream.indirect.scatter.add.f32 [tilespmem:s13], [sflag:$0x4], $0x80, s6, s11, $0xb8;
	[tilespmem:$0x1DC80] =	vst v63  }
0x196: {  	_ =	swait.ge [sflag:s16], $0x3E80  }
0x197: {  	[sflag:s16] =	ssyncset.done $0x0  }
0x198: {  	[sflag:s16] =	ssyncadd.s32 $0xFFFFC180  }
0x199: {  	_ =	swait.ge [sflag:s17], $0x3E80  }
0x19a: {  	[sflag:s17] =	ssyncset.done $0x0  }
0x19b: {  	s7 =	rddreg [dreg:$0x10];
	[sflag:s17] =	ssyncadd.s32 $0xFFFFC180  }
0x19c: {  	[tilespmem:s12], [sflag:$0x1] =	stream.indirect.gather [hbm4b:s4+s11], $0x80, s7, s11, $0xb8;
	[tilespmem:$0x1DC80] =	vst v63  }
0x19d: {  	s8 =	rddreg [dreg:$0x11]  }
0x19e: {  	[tilespmem:s13], [sflag:$0x2] =	stream.indirect.gather [hbm4b:s4+s11], $0x80, s8, s11, $0xb8;
	[tilespmem:$0x1DC80] =	vst v63  }
0x19f: {  	_ =	swait.ge [sflag:s14], $0x3E80  }
0x1a0: {  	[sflag:s14] =	ssyncset.done $0x0  }
0x1a1: {  	s6 =	rddreg [dreg:$0x12];
	[sflag:s14] =	ssyncadd.s32 $0xFFFFC180  }
0x1a2: {  	[spmem:s2] =	stream.indirect.scatter.add.f32 [tilespmem:s12], [sflag:$0x3], $0x80, s6, s11, $0xb8;
	[tilespmem:$0x1DC80] =	vst v63  }
0x1a3: {  	_ =	swait.ge [sflag:s15], $0x3E80  }
0x1a4: {  	[sflag:s15] =	ssyncset.done $0x0  }
0x1a5: {  	s7 =	rddreg [dreg:$0x13];
	[sflag:s15] =	ssyncadd.s32 $0xFFFFC180  }
0x1a6: {  	[spmem:s2] =	stream.indirect.scatter.add.f32 [tilespmem:s13], [sflag:$0x4], $0x80, s7, s11, $0xb8;
	[tilespmem:$0x1DC80] =	vst v63  }
0x1a7: {  	_ =	swait.ge [sflag:s16], $0x3E80  }
0x1a8: {  	[sflag:s16] =	ssyncset.done $0x0  }
0x1a9: {  	[sflag:s16] =	ssyncadd.s32 $0xFFFFC180  }
0x1aa: {  	_ =	swait.ge [sflag:s17], $0x3E80  }
0x1ab: {  	[sflag:s17] =	ssyncset.done $0x0  }
0x1ac: {  	s8 =	rddreg [dreg:$0x14];
	[sflag:s17] =	ssyncadd.s32 $0xFFFFC180  }
0x1ad: {  	[tilespmem:s12], [sflag:$0x1] =	stream.indirect.gather [hbm4b:s4+s11], $0x80, s8, s11, $0xb8;
	[tilespmem:$0x1DC80] =	vst v63  }
0x1ae: {  	_ = 	snop  }
0x1af: {  	[tilespmem:s13], [sflag:$0x2] =	stream.indirect.gather [hbm4b:s4+s11], $0x80, s18, s11, $0xb8;
	[tilespmem:$0x1DC80] =	vst v63  }
0x1b0: {  	_ =	swait.ge [sflag:s14], $0x3E80  }
0x1b1: {  	[sflag:s14] =	ssyncset.done $0x0  }
0x1b2: {  	[sflag:s14] =	ssyncadd.s32 $0xFFFFC180  }
0x1b3: {  	[spmem:s2] =	stream.indirect.scatter.add.f32 [tilespmem:s12], [sflag:$0x3], $0x80, s19, s11, $0xb8;
	[tilespmem:$0x1DC80] =	vst v63  }
0x1b4: {  	_ =	swait.ge [sflag:s15], $0x3E80  }
0x1b5: {  	[sflag:s15] =	ssyncset.done $0x0  }
0x1b6: {  	[sflag:s15] =	ssyncadd.s32 $0xFFFFC180  }
0x1b7: {  	[spmem:s2] =	stream.indirect.scatter.add.f32 [tilespmem:s13], [sflag:$0x4], $0x80, s20, s11, $0xb8;
	[tilespmem:$0x1DC80] =	vst v63  }
0x1b8: {  	_ =	swait.ge [sflag:s16], $0x3E80  }
0x1b9: {  	[sflag:s16] =	ssyncset.done $0x0  }
0x1ba: {  	[sflag:s16] =	ssyncadd.s32 $0xFFFFC180  }
0x1bb: {  	_ =	swait.ge [sflag:s17], $0x3E80  }
0x1bc: {  	[sflag:s17] =	ssyncset.done $0x0  }
0x1bd: {  	[sflag:s17] =	ssyncadd.s32 $0xFFFFC180  }
0x1be: {  	[tilespmem:s12], [sflag:$0x1] =	stream.indirect.gather [hbm4b:s4+s11], $0x80, s21, s11, $0xb8;
	[tilespmem:$0x1DC80] =	vst v63  }
0x1bf: {  	_ = 	snop  }
0x1c0: {  	[tilespmem:s13], [sflag:$0x2] =	stream.indirect.gather [hbm4b:s4+s11], $0x80, s22, s11, $0xb8;
	[tilespmem:$0x1DC80] =	vst v63  }
0x1c1: {  	_ =	swait.ge [sflag:s14], $0x3E80  }
0x1c2: {  	[sflag:s14] =	ssyncset.done $0x0  }
0x1c3: {  	[sflag:s14] =	ssyncadd.s32 $0xFFFFC180  }
0x1c4: {  	[spmem:s2] =	stream.indirect.scatter.add.f32 [tilespmem:s12], [sflag:$0x3], $0x80, s23, s11, $0xb8;
	[tilespmem:$0x1DC80] =	vst v63  }
0x1c5: {  	_ =	swait.ge [sflag:s15], $0x3E80  }
0x1c6: {  	[sflag:s15] =	ssyncset.done $0x0  }
0x1c7: {  	[sflag:s15] =	ssyncadd.s32 $0xFFFFC180  }
0x1c8: {  	[spmem:s2] =	stream.indirect.scatter.add.f32 [tilespmem:s13], [sflag:$0x4], $0x80, s24, s11, $0xb8;
	[tilespmem:$0x1DC80] =	vst v63  }
0x1c9: {  	_ =	swait.ge [sflag:s16], $0x3E80  }
0x1ca: {  	[sflag:s16] =	ssyncset.done $0x0  }
0x1cb: {  	[sflag:s16] =	ssyncadd.s32 $0xFFFFC180  }
0x1cc: {  	_ =	swait.ge [sflag:s17], $0x3E80  }
0x1cd: {  	[sflag:s17] =	ssyncset.done $0x0  }
0x1ce: {  	[sflag:s17] =	ssyncadd.s32 $0xFFFFC180  }
0x1cf: {  	[tilespmem:s12], [sflag:$0x1] =	stream.indirect.gather [hbm4b:s4+s11], $0x80, s25, s11, $0xb8;
	[tilespmem:$0x1DC80] =	vst v63  }
0x1d0: {  	_ = 	snop  }
0x1d1: {  	[tilespmem:s13], [sflag:$0x2] =	stream.indirect.gather [hbm4b:s4+s11], $0x80, s26, s11, $0xb8;
	[tilespmem:$0x1DC80] =	vst v63  }
0x1d2: {  	_ =	swait.ge [sflag:s14], $0x3E80  }
0x1d3: {  	[sflag:s14] =	ssyncset.done $0x0  }
0x1d4: {  	[sflag:s14] =	ssyncadd.s32 $0xFFFFC180  }
0x1d5: {  	[spmem:s2] =	stream.indirect.scatter.add.f32 [tilespmem:s12], [sflag:$0x3], $0x80, s28, s11, $0xb8;
	[tilespmem:$0x1DC80] =	vst v63  }
0x1d6: {  	_ =	swait.ge [sflag:s15], $0x3E80  }
0x1d7: {  	[sflag:s15] =	ssyncset.done $0x0  }
0x1d8: {  	[sflag:s15] =	ssyncadd.s32 $0xFFFFC180  }
0x1d9: {  	[spmem:s2] =	stream.indirect.scatter.add.f32 [tilespmem:s13], [sflag:$0x4], $0x80, s29, s11, $0xb8;
	[tilespmem:$0x1DC80] =	vst v63  }
0x1da: {  	_ =	swait.ge [sflag:s16], $0x3E80  }
0x1db: {  	[sflag:s16] =	ssyncset.done $0x0  }
0x1dc: {  	[sflag:s16] =	ssyncadd.s32 $0xFFFFC180  }
0x1dd: {  	_ =	swait.ge [sflag:s17], $0x3E80  }
0x1de: {  	[sflag:s17] =	ssyncset.done $0x0  }
0x1df: {  	[sflag:s17] =	ssyncadd.s32 $0xFFFFC180  }
0x1e0: {  	[tilespmem:s12], [sflag:$0x1] =	stream.indirect.gather [hbm4b:s4+s11], $0x80, s30, s11, $0xb8;
	[tilespmem:$0x1DC80] =	vst v63  }
0x1e1: {  	_ = 	snop  }
0x1e2: {  	[tilespmem:s13], [sflag:$0x2] =	stream.indirect.gather [hbm4b:s4+s11], $0x80, s31, s11, $0xb8;
	[tilespmem:$0x1DC80] =	vst v63  }
0x1e3: {  	_ =	swait.ge [sflag:s14], $0x3E80  }
0x1e4: {  	[sflag:s14] =	ssyncset.done $0x0  }
0x1e5: {  	[sflag:s14] =	ssyncadd.s32 $0xFFFFC180  }
0x1e6: {  	[spmem:s2] =	stream.indirect.scatter.add.f32 [tilespmem:s12], [sflag:$0x3], $0x80, s1, s11, $0xb8;
	[tilespmem:$0x1DC80] =	vst v63  }
0x1e7: {  	_ =	swait.ge [sflag:s15], $0x3E80  }
0x1e8: {  	[sflag:s15] =	ssyncset.done $0x0  }
0x1e9: {  	[sflag:s15] =	ssyncadd.s32 $0xFFFFC180  }
0x1ea: {  	[spmem:s2] =	stream.indirect.scatter.add.f32 [tilespmem:s13], [sflag:$0x4], $0x80, s0, s11, $0xb8;
	[tilespmem:$0x1DC80] =	vst v63  }
0x1eb: {  	_ =	swait.ge [sflag:s16], $0x3E80  }
0x1ec: {  	[sflag:s16] =	ssyncset.done $0x0  }
0x1ed: {  	[sflag:s16] =	ssyncadd.s32 $0xFFFFC180  }
0x1ee: {  	_ =	swait.ge [sflag:s17], $0x3E80  }
0x1ef: {  	[sflag:s17] =	ssyncset.done $0x0  }
0x1f0: {  	[sflag:s17] =	ssyncadd.s32 $0xFFFFC180  }
0x1f1: {  	s5 =	stileid.u32;
	[bflag:$0x0] =	sbarrier.arrive $0xFFFF  }
0x1f2: {  	s5 =	sshll.u32 @!p1 s5, $0x6;
	s8 =	rddreg [dreg:$0x16]  }
0x1f3: {  	s5 =	sor.u32 @!p1 $0x1C05, s5;
	s7 =	rddreg [dreg:$0x15];
	s6 =	sshrl.u32 @!p1 s8, $0x3  }
0x1f4: {  	[hbm:s7], [sflag:s5] =	dma.local @!p1 [spmem:s6], $0x3E80  }
0x1f5: {  	s5 =	simm.s32 @!p1 $0x5  }
0x1f6: {  	_ =	swait.ge @!p1 [sflag:s5], $0x3E80  }
0x1f7: {  	s6 =	rddreg [dreg:$0x18]  }
0x1f8: {  	s7 =	sadd.s32 $0x1, s6;
	s6 =	rddreg [dreg:$0x17]  }
0x1f9: {  	p2 =	sne.s32 s7, s6  }
.Ltmp4:
0x1fa: {  	_ = 	snop;
	(pc) =	sbr.rel @p2 .LBB2_1-.Ltmp4, $3  }
0x1fb: {  	_ =	sdelay $0x1  }
0x1fc: {  	[sflag:s5] =	ssyncset.done @!p1 $0x0  }
0x1fd: {  	[sflag:s5] =	ssyncadd.s32 @!p1 $0xFFFFC180;
	s6 =	simm.s32 $0x9000  }
0x1fe: {  	_ =	sfence.sel $0x180000  }
0x1ff: {  	[bflag:$0x0] =	sbarrier.arrive $0xFFFF  }
0x200: {  	_ =	strace $0x9000004A  }
0x201: {  	s0 =	stileid.u32;
	[bflag:$0x2] =	sbarrier.arrive $0xFFFF  }
0x202: {  	p0 =	sne.s32 s0, $0x0;
	s0 =	rddreg [dreg:$0x3]  }
0x203: {  	s0 =	sadd.s32 @!p0 $0x100000, s0  }
0x204: {  	[sflag:s0] =	ssyncadd.tile.s32 @!p0 $0x1;
	_ =	shalt  }
.Lfunc_end2:
_tile_overlayer_lowered:
.L_overlay_start_2:
0x205: {  	(tag) =	ssettag $0x2  }
0x206: {  	s0 =	rddreg [dreg:$0x0];
	s2 =	stileid.u32  }
0x207: {  	s1 =	rddreg [dreg:$0x1];
	p0 =	sne.s32 s2, $0x0  }
0x208: {  	s3 =	rddreg [dreg:$0x2];
	[bflag:$0x3] =	sbarrier.arrive $0xFFFF;
	s2 =	simm.s32 @!p0 $0x1C05  }
0x209: {  	[timem:s3], [sflag:s2] =	dma.local @!p0 [hbm:s0], s1  }
0x20a: {  	s0 =	simm.s32 @!p0 $0x5  }
0x20b: {  	_ =	swait.ge @!p0 [sflag:s0], s1  }
0x20c: {  	s1 =	ssub.s32 @!p0 $0x0, s1;
	[sflag:s0] =	ssyncset.done @!p0 $0x0  }
0x20d: {  	[sflag:s0] =	ssyncadd.s32 @!p0 s1  }
0x20e: {  	[bflag:$0x3] =	sbarrier.arrive $0xFFFF  }
0x20f: {  	_ =	shalt  }

// kernel: kernel.19.cloned.1.call-start
scs
__scs_entry_jumppad:
0x0: {  	(pc) =	sbr.rel $0x88, $3  }
0x1: {  	(tag) =	ssettag $0x0;
	lr =	simm.s32 $0x1  }
0x2: {  	[smem:$0x3F93] =	sst lr;
	_ =	strace $0xD0000000  }
0x3: {  	_ = 	snop  }
0x4: {  	_ = 	snop  }
0x5: {  	_ = 	snop  }
0x6: {  	_ = 	snop  }
0x7: {  	_ = 	snop  }
__scs_overlays_trampoline_lowered:
0x8: {  	[smem:$0x3FA2] =	sst s0  }
0x9: {  	[smem:$0x3FA3] =	sst s1  }
0xa: {  	[smem:$0x3FA4] =	sst s2  }
0xb: {  	[smem:$0x3FA5] =	sst s3  }
0xc: {  	[smem:$0x3FA6] =	sst s4  }
0xd: {  	[smem:$0x3FA7] =	sst s5  }
0xe: {  	[smem:$0x3FA8] =	sst s6  }
0xf: {  	[smem:$0x3FA9] =	sst s7  }
0x10: {  	[smem:$0x3FAA] =	sst s8  }
0x11: {  	[smem:$0x3FAB] =	sst s9;
	s0 =	simm.s32 @!p0 $0x0  }
0x12: {  	s1 =	sld [smem:$0x3F91];
	s0 =	simm.s32 @p0 $0x1  }
0x13: {  	[smem:$0x3FAC] =	sst s0;
	s0 =	simm.s32 @!p1 $0x0  }
0x14: {  	s2 =	sld [smem:$0x3F90];
	s0 =	simm.s32 @p1 $0x1  }
0x15: {  	[smem:$0x3FAD] =	sst s0;
	s0 =	simm.s32 @!p2 $0x0  }
0x16: {  	s3 =	sld [smem:$0x3FDB];
	s0 =	simm.s32 @p2 $0x1  }
0x17: {  	s4 =	simm.s32 $0x1BF5;
	[smem:$0x3FAF] =	sst s0  }
0x18: {  	s0 =	sld [smem:$0x3F92];
	_ =	swait.ge [sflag:s4], $0x0  }
0x19: {  	s7 =	sld [smem:$0x3F93]  }
0x1a: {  	s8 =	sadd.s32 $0xFFFFE003, lr  }
0x1b: {  	s9 =	sadd.s32 $0xFFFFFEF7, lr;
	s5 =	simm.s32 $0xFFFFFFFF;
	p2 =	slt.u32 s8, $0xFFFFF086  }
0x1c: {  	p1 =	slt.u32 s9, $0xF7A;
	s5 =	simm.s32 @!p2 $0x0  }
0x1d: {  	s5 =	simm.s32 @p1 $0x1;
	p0 =	seq.s32 s7, s2  }
0x1e: {  	s7 =	smul.u32 @!p0 $0xF7A, s2;
	p2 =	seq.s32 @!p0 s5, $0x0  }
0x1f: {  	s9 =	smul.u32 $0xF7A, s1;
	s8 =	simm.s32 @!p0 $0x1BF5;
	p2 =	por !p2, p0  }
0x20: {  	[sflag:s8] =	ssyncset.s32 @!p0 $0xFFFFF086;
	s6 =	sadd.s32 @!p0 s3, s7;
	s7 =	simm.s32 @!p0 $0x108  }
0x21: {  	s3 =	sadd.s32 s3, s9;
	s6 =	sadd.s32 @!p0 $0x88, s6;
	s7 =	simm.s32 @p2 $0x1082  }
0x22: {  	[simem:s7], [sflag:s8] =	dma.local @!p0 [hbm:s6], $0xF7A  }
0x23: {  	s9 =	sor.u32 $0xD0000000, s2;
	s6 =	simm.s32 $0x108;
	_ =	swait.ge @!p0 [sflag:s8], $0x0  }
0x24: {  	s3 =	sadd.s32 $0x88, s3;
	s6 =	simm.s32 @!p1 $0x1082;
	[sflag:s4] =	ssyncset.s32 $0xFFFFF086  }
0x25: {  	[simem:s6], [sflag:s4] =	dma.local [hbm:s3], $0xF7A  }
0x26: {  	[smem:$0x3F93] =	sst s1;
	(tag) =	ssettag s2;
	_ =	strace s9  }
0x27: {  	s1 =	sld [smem:$0x3FA3]  }
0x28: {  	s2 =	sld [smem:$0x3FA4]  }
0x29: {  	s4 =	sld [smem:$0x3FA6]  }
0x2a: {  	p0 =	seq.s32 s5, $0x0;
	s5 =	sld [smem:$0x3FA7]  }
0x2b: {  	s6 =	sld [smem:$0x3FA8]  }
0x2c: {  	s7 =	sld [smem:$0x3FA9]  }
0x2d: {  	s3 =	simm.s32 $0x108;
	s8 =	sld [smem:$0x3FAA]  }
0x2e: {  	s3 =	simm.s32 @!p0 $0x1082;
	s9 =	sld [smem:$0x3FAB]  }
0x2f: {  	lr =	sadd.s32 s0, s3;
	s0 =	sld [smem:$0x3FA2]  }
0x30: {  	s3 =	sld [smem:$0x3FA5]  }
0x31: {  	[smem:$0x3FAE] =	sst s10  }
0x32: {  	s10 =	sld [smem:$0x3FAC];
	_ =	sdelay $0x3  }
0x33: {  	p0 =	seq.s32 s10, $0x1;
	s10 =	sld [smem:$0x3FAE];
	_ =	sdelay $0x3  }
0x34: {  	[smem:$0x3FAE] =	sst s10  }
0x35: {  	s10 =	sld [smem:$0x3FAD];
	_ =	sdelay $0x3  }
0x36: {  	p1 =	seq.s32 s10, $0x1;
	s10 =	sld [smem:$0x3FAE];
	_ =	sdelay $0x3  }
0x37: {  	[smem:$0x3FAE] =	sst s10  }
0x38: {  	s10 =	sld [smem:$0x3FAF]  }
0x39: {  	_ = 	snop;
	(pc) =	sbr.ind lr, $3  }
0x3a: {  	_ = 	snop  }
0x3b: {  	_ = 	snop  }
0x3c: {  	p2 =	seq.s32 s10, $0x1;
	s10 =	sld [smem:$0x3FAE]  }
0x3d: {  	_ =	shalt  }
0x3e: {  	_ =	shalt  }
0x3f: {  	_ =	shalt  }
0x40: {  	_ =	shalt  }
0x41: {  	_ =	shalt  }
0x42: {  	_ =	shalt  }
0x43: {  	_ =	shalt  }
0x44: {  	_ =	shalt  }
0x45: {  	_ =	shalt  }
0x46: {  	_ =	shalt  }
0x47: {  	_ =	shalt  }
0x48: {  	_ =	shalt  }
0x49: {  	_ =	shalt  }
0x4a: {  	_ =	shalt  }
0x4b: {  	_ =	shalt  }
0x4c: {  	_ =	shalt  }
0x4d: {  	_ =	shalt  }
0x4e: {  	_ =	shalt  }
0x4f: {  	_ =	shalt  }
0x50: {  	_ =	shalt  }
0x51: {  	_ =	shalt  }
0x52: {  	_ =	shalt  }
0x53: {  	_ =	shalt  }
0x54: {  	_ =	shalt  }
0x55: {  	_ =	shalt  }
0x56: {  	_ =	shalt  }
0x57: {  	_ =	shalt  }
0x58: {  	_ =	shalt  }
0x59: {  	_ =	shalt  }
0x5a: {  	_ =	shalt  }
0x5b: {  	_ =	shalt  }
0x5c: {  	_ =	shalt  }
0x5d: {  	_ =	shalt  }
0x5e: {  	_ =	shalt  }
0x5f: {  	_ =	shalt  }
0x60: {  	_ =	shalt  }
0x61: {  	_ =	shalt  }
0x62: {  	_ =	shalt  }
0x63: {  	_ =	shalt  }
0x64: {  	_ =	shalt  }
0x65: {  	_ =	shalt  }
0x66: {  	_ =	shalt  }
0x67: {  	_ =	shalt  }
0x68: {  	_ =	shalt  }
0x69: {  	_ =	shalt  }
0x6a: {  	_ =	shalt  }
0x6b: {  	_ =	shalt  }
0x6c: {  	_ =	shalt  }
0x6d: {  	_ =	shalt  }
0x6e: {  	_ =	shalt  }
0x6f: {  	_ =	shalt  }
0x70: {  	_ =	shalt  }
0x71: {  	_ =	shalt  }
0x72: {  	_ =	shalt  }
0x73: {  	_ =	shalt  }
0x74: {  	_ =	shalt  }
0x75: {  	_ =	shalt  }
0x76: {  	_ =	shalt  }
0x77: {  	_ =	shalt  }
0x78: {  	_ =	shalt  }
0x79: {  	_ =	shalt  }
0x7a: {  	_ =	shalt  }
0x7b: {  	_ =	shalt  }
0x7c: {  	_ =	shalt  }
0x7d: {  	_ =	shalt  }
0x7e: {  	_ =	shalt  }
0x7f: {  	_ =	shalt  }
0x80: {  	_ =	shalt  }
0x81: {  	_ =	shalt  }
0x82: {  	_ =	shalt  }
0x83: {  	_ =	shalt  }
0x84: {  	_ =	shalt  }
0x85: {  	_ =	shalt  }
0x86: {  	_ =	shalt  }
0x87: {  	_ =	shalt  }
.Lfunc_end0:
.L_simem_size_0:
called_computation.2_lowered:
.L_overlay_start_0:
0x88: {  	s2 =	sld [smem:$0x3FD9]  }
0x89: {  	s3 =	sld [smem:$0x3FFE];
	_ =	sdelay $0x1  }
0x8a: {  	s1 =	srdreg.scid  }
0x8b: {  	s0 =	sand.u32 $0x1, s1  }
0x8c: {  	s17 =	sshll.u32 s0, $0xA;
	s2 =	sadd.s32 s3, s2  }
0x8d: {  	s2 =	sadd.s32 s2, s17  }
0x8e: {  	[smem:$0x3FBA] =	sst s2  }
0x8f: {  	_ = 	snop  }
0x90: {  	s2 =	sld [smem:$0x3FD0];
	(tm) =	ssettm $0x1  }
0x91: {  	s18 =	sld [smem:$0x3FFB];
	_ =	sdelay $0x3  }
0x92: {  	_ =	strace s18  }
0x93: {  	s3 =	sld [smem:$0x3FFC];
	_ =	sdelay $0x3  }
0x94: {  	_ =	strace s3  }
0x95: {  	s3 =	sld [smem:$0x3FFD];
	_ =	sdelay $0x3  }
0x96: {  	_ =	strace s3  }
0x97: {  	_ =	strace $0x8FFFFFFF  }
0x98: {  	s19 =	sld [smem:$0x3FDB];
	_ =	sdelay $0x1  }
0x99: {  	s4 =	simm.s32 $_scs_section_size  }
0x9a: {  	s5 =	simm.s32 $_size__tile_overlayer_lowered;
	s6 =	simm.s32 $_tile_overlayer_lowered  }
0x9b: {  	s22 =	simm.s32 $0x1BFF;
	s21 =	sshll.u32 s6, $0x1;
	s3 =	sadd.s32 s4, s19  }
0x9c: {  	s7 =	simm.s32 $0x0;
	s20 =	sshll.u32 s5, $0x1;
	s5 =	sadd.s32 s21, s3  }
0x9d: {  	[timem:s7], [sflag:s22] =	dma.local [hbm:s5], s20  }
0x9e: {  	_ =	swait.ge [sflag:s22], s20  }
0x9f: {  	s4 =	ssub.s32 $0x0, s20;
	[sflag:s22] =	ssyncset.done $0x0  }
0xa0: {  	[sflag:s22] =	ssyncadd.s32 s4;
	_ =	sdelay $0x1  }
0xa1: {  	s23 =	simm.s32 $0x1B8B  }
0xa2: {  	_ =	swait.ge [sflag:s23], $0x1  }
0xa3: {  	[sflag:s23] =	ssyncset.done $0x0  }
0xa4: {  	s25 =	simm.s32 $0x1B8E;
	s24 =	sld [smem:$0x3FFE];
	[sflag:s23] =	ssyncadd.s32 $0xFFFFFFFF  }
0xa5: {  	s26 =	simm.s32 $execute0_lowered;
	[smem:$0x3FD2] =	sst s25  }
0xa6: {  	s5 =	sshll.u32 s26, $0x1;
	_ =	strace $0x8000004C;
	[dreg:$0x1] =	wrdreg $0xFFFFFFFF  }
0xa7: {  	s28 =	simm.s32 $_size_execute0_lowered;
	s3 =	sadd.s32 s3, s5;
	[dreg:$0x0] =	wrdreg $0x0  }
0xa8: {  	s5 =	sshll.u32 s28, $0x1;
	[dreg:$0x2] =	wrdreg s3  }
0xa9: {  	[dreg:$0x3] =	wrdreg s5  }
0xaa: {  	[dreg:$0x4] =	wrdreg $0xC0  }
0xab: {  	_ =	task [dreg:s7], $0x5FFFF  }
0xac: {  	[dreg:$0x1] =	wrdreg $0xFFFFFFFF  }
0xad: {  	[dreg:$0x0] =	wrdreg $0x60  }
0xae: {  	[dreg:$0x2] =	wrdreg s24  }
0xaf: {  	[dreg:$0x3] =	wrdreg s2  }
0xb0: {  	[dreg:$0x4] =	wrdreg $0xA4000  }
0xb1: {  	[dreg:$0x5] =	wrdreg $0x9  }
0xb2: {  	_ =	task.clear_ibuf [dreg:s7], $0x6FFFF;
	_ =	strace $0x9000004C  }
0xb3: {  	s29 =	simm.s32 $0x9;
	_ =	strace $0x8000004E  }
0xb4: {  	_ =	swait.ge [sflag:s29], $0x1  }
0xb5: {  	[sflag:s29] =	ssyncadd.s32 $0xFFFFFFFF  }
0xb6: {  	_ =	strace $0x9000004E  }
0xb7: {  	_ =	sfence  }
0xb8: {  	s30 =	sld [smem:$0x0];
	_ =	sdelay $0x2  }
0xb9: {  	s31 =	sshll.u32 s1, $0xD;
	s1 =	sshrl.u32 s1, $0x2  }
0xba: {  	s3 =	sand.u32 $0x4000, s31;
	s1 =	sadd.s32 s1, s30  }
0xbb: {  	s0 =	sor.u32 s3, s0;
	s1 =	sshll.u32 s1, $0x11  }
0xbc: {  	s0 =	sor.u32 s1, s0  }
0xbd: {  	s0 =	sadd.s32 $0x8F2B, s0  }
0xbe: {  	[sflag:s0] =	ssyncadd.remote.s32 $0x1  }
0xbf: {  	_ =	sfence.sel $0xFFFF  }
0xc0: {  	[dreg:$0x0] =	wrdreg $0xFFFFFFFF;
	(pc) =	sbr.abs _section_cstart, $3  }
0xc1: {  	[dreg:$0x1] =	wrdreg $0xFFFFFFFF  }
0xc2: {  	_ =	task.clear_ibuf [dreg:s7], $0x2FFFF;
	_ =	strace $0x9FFFFFFF  }
0xc3: {  	(tm) =	ssettm $0x7FFFFFFF  }
tec
execute0_lowered:
.L_overlay_start_1:
0x0: {  	(tag) =	ssettag $0x1  }
0x1: {  	s0 =	rddreg [dreg:$0x0];
	s1 =	srdreg.scid  }
0x2: {  	s26 =	stileid.u32;
	s5 =	rddreg [dreg:$0x1]  }
0x3: {  	s2 =	rddreg [dreg:$0x2];
	s3 =	simm.s32 $0x0;
	s10 =	simm.s32 $0x80  }
0x4: {  	s12 =	simm.s32 $0x880;
	s13 =	simm.s32 $0x100;
	s14 =	simm.s32 $0x180  }
0x5: {  	s15 =	simm.s32 $0x900;
	s16 =	simm.s32 $0x980;
	s17 =	simm.s32 $0x200  }
0x6: {  	s18 =	simm.s32 $0x280;
	s19 =	simm.s32 $0xA00;
	[smem:$0x7FF] =	sst s3  }
0x7: {  	s20 =	simm.s32 $0xA80;
	_ =	strace $0x8000004D;
	[dreg:$0x6] =	wrdreg s10  }
0x8: {  	s21 =	simm.s32 $0x300;
	s22 =	simm.s32 $0x380;
	[dreg:$0x7] =	wrdreg s12  }
0x9: {  	s28 =	simm.s32 $0xE00;
	s29 =	simm.s32 $0xE80;
	[dreg:$0x8] =	wrdreg s13  }
0xa: {  	s30 =	simm.s32 $0x700;
	s4 =	smul.u32 $0x5000, s26;
	[dreg:$0x9] =	wrdreg s14  }
0xb: {  	s31 =	simm.s32 $0x780;
	s7 =	smul.u32 $0xA00, s26;
	[dreg:$0xa] =	wrdreg s15  }
0xc: {  	s1 =	sand.u32 $0x1, s1;
	s9 =	smul.u32 $0x1F400, s26;
	[dreg:$0xb] =	wrdreg s16  }
0xd: {  	s25 =	smul.u32 $0x7D000, s26;
	p0 =	slt.u32 s26, $0xA;
	[dreg:$0xc] =	wrdreg s17  }
0xe: {  	p1 =	sgt.u32 s26, $0x9;
	s6 =	smul.u32 $0x50000, s1;
	[dreg:$0xd] =	wrdreg s18  }
0xf: {  	s26 =	simm.s32 $0x680;
	s23 =	smul.u32 $0x138800, s1;
	[dreg:$0xe] =	wrdreg s19  }
0x10: {  	s1 =	ssub.s32 $0x2, s1;
	s10 =	simm.s32 $0x800;
	[dreg:$0xf] =	wrdreg s20  }
0x11: {  	s12 =	simm.s32 $0x1000;
	s13 =	simm.s32 $0x5000;
	[dreg:$0x10] =	wrdreg s21  }
0x12: {  	s14 =	simm.s32 $0x1;
	s15 =	simm.s32 $0x2;
	[dreg:$0x11] =	wrdreg s22  }
0x13: {  	s16 =	simm.s32 $0x3;
	s17 =	simm.s32 $0x4;
	s18 =	simm.s32 $0x480  }
0x14: {  	s19 =	simm.s32 $0xC00;
	s20 =	simm.s32 $0xC80;
	s21 =	simm.s32 $0x500  }
0x15: {  	s22 =	simm.s32 $0x580;
	s24 =	sshrl.u32 s1, $0x1;
	s11 =	sshrl.u32 s25, $0x2  }
0x16: {  	s25 =	simm.s32 $0x400;
	s4 =	sadd.s32 s4, s6;
	s6 =	sadd.s32 s9, s23  }
0x17: {  	s1 =	ssub.s32 s1, s24;
	s23 =	simm.s32 $0xB00;
	s24 =	simm.s32 $0xB80  }
0x18: {  	[dreg:$0x14] =	wrdreg s25;
	s25 =	simm.s32 $0x600;
	s8 =	sshrl.u32 s4, $0x3  }
0x19: {  	s4 =	sadd.s32 $0x64A00, s0;
	s6 =	sshrl.u32 s6, $0x3;
	[dreg:$0x12] =	wrdreg s23  }
0x1a: {  	s1 =	smax.u32 s1, $0x1;
	[dreg:$0x13] =	wrdreg s24;
	s23 =	simm.s32 $0xD00  }
0x1b: {  	s24 =	simm.s32 $0xD80;
	s8 =	sadd.s32 s8, s0;
	s0 =	sadd.s32 s7, s0  }
0x1c: {  	s5 =	sadd.s32 s5, s6;
	[dreg:$0x17] =	wrdreg s1;
	s6 =	simm.s32 $0x9000  }
0x1d: {  	s1 =	simm.s32 $0xF00;
	s0 =	sadd.s32 $0x4F8400, s0;
	[dreg:$0x15] =	wrdreg s5  }
0x1e: {  	s7 =	simm.s32 $0x0;
	s9 =	sadd.s32 $0x2800, s8;
	[dreg:$0x4] =	wrdreg s0  }
0x1f: {  	s8 =	sadd.s32 s11, s2;
	s11 =	simm.s32 $0x7D;
	[dreg:$0x5] =	wrdreg s9  }
0x20: {  	v0 =	vimm.f32 $0.0e+00;
	s9 =	simm.s32 $0x5;
	s0 =	simm.s32 $0xF80;
	[dreg:$0x16] =	wrdreg s8  }
.LBB2_1:
.Ltmp0:
0x21: {  	(pc) =	sbr.rel @!p0 .LBB2_7-.Ltmp0, $2  }
0x22: {  	_ =	sdelay $0x2  }
0x23: {  	[dreg:$0x18] =	wrdreg s7  }
0x24: {  	s5 =	sshra.s32 s3, $0x2;
	s7 =	sadd.s32 $0x200, s3  }
.LBB2_3:
0x25: {  	p2 =	seq.s32 s7, $0x4E00;
	[tilespmem:s5+$0x9070] =	vst v0  }
0x26: {  	[tilespmem:s5+$0x9000] =	vst v0  }
0x27: {  	[tilespmem:s5+$0x9010] =	vst v0  }
.Ltmp1:
0x28: {  	[tilespmem:s5+$0x9020] =	vst v0;
	(pc) =	sbr.rel @!p2 .LBB2_3-.Ltmp1, $4  }
0x29: {  	[tilespmem:s5+$0x9030] =	vst v0  }
0x2a: {  	[tilespmem:s5+$0x9040] =	vst v0  }
0x2b: {  	[tilespmem:s5+$0x9050] =	vst v0  }
0x2c: {  	[tilespmem:s5+$0x9060] =	vst v0;
	s5 =	sshra.s32 s7, $0x2;
	s7 =	sadd.s32 $0x200, s7  }
0x2d: {  	[tilespmem:s5+$0x9070] =	vst v0  }
0x2e: {  	[tilespmem:s5+$0x9000] =	vst v0  }
0x2f: {  	[tilespmem:s5+$0x9010] =	vst v0  }
0x30: {  	[tilespmem:s5+$0x9020] =	vst v0  }
0x31: {  	[tilespmem:s5+$0x9030] =	vst v0  }
0x32: {  	[tilespmem:s5+$0x9040] =	vst v0  }
0x33: {  	[tilespmem:s5+$0x9050] =	vst v0  }
0x34: {  	[tilespmem:s5+$0x9060] =	vst v0;
	s7 =	sadd.s32 $0x0, s8  }
0x35: {  	[spmem:s7] =	stream.linear.scatter [tilespmem:s6], [sflag:$0x5], $0x1400, $0x38;
	[tilespmem:$0x1DC80] =	vst v63  }
0x36: {  	s5 =	simm.s32 $0x5000;
	_ =	swait.ge [sflag:s9], $0x1400  }
.LBB2_5:
0x37: {  	s7 =	sshra.s32 s5, $0x2;
	[sflag:s9] =	ssyncset.done $0x0;
	p2 =	sne.s32 s5, $0x78000  }
.Ltmp2:
0x38: {  	s7 =	sadd.s32 s7, s8;
	[sflag:s9] =	ssyncadd.s32 $0xFFFFEC00;
	(pc) =	sbr.rel @p2 .LBB2_5-.Ltmp2, $3  }
0x39: {  	[spmem:s7] =	stream.linear.scatter [tilespmem:s6], [sflag:$0x5], $0x1400, $0x38;
	[tilespmem:$0x1DC80] =	vst v63  }
0x3a: {  	s5 =	sadd.s32 $0x5000, s5;
	_ =	sdelay $0x1  }
0x3b: {  	_ =	swait.ge [sflag:s9], $0x1400  }
0x3c: {  	[sflag:s9] =	ssyncset.done $0x0  }
0x3d: {  	[sflag:s9] =	ssyncadd.s32 $0xFFFFEC00  }
.LBB2_7:
0x3e: {  	[bflag:$0x0] =	sbarrier.arrive $0xFFFF  }
0x3f: {  	s5 =	rddreg [dreg:$0x5]  }
0x40: {  	s5 =	sadd.s32 $0x0, s5  }
0x41: {  	[tilespmem:s3], [sflag:$0x5] =	stream.linear.gather [hbm4b:s5+s3], $0x800, $0x38;
	[tilespmem:$0x1DC80] =	vst v63  }
0x42: {  	_ =	swait.ge [sflag:s9], $0x800  }
0x43: {  	s8 =	rddreg [dreg:$0x4];
	[sflag:s9] =	ssyncset.done $0x0  }
0x44: {  	[sflag:s9] =	ssyncadd.s32 $0xFFFFF800;
	s5 =	sadd.s32 $0x0, s8  }
0x45: {  	[tilespmem:s10], [sflag:$0x5] =	stream.linear.gather [hbm4b:s5+s3], $0x800, $0x38;
	[tilespmem:$0x1DC80] =	vst v63  }
0x46: {  	_ =	swait.ge [sflag:s9], $0x800  }
0x47: {  	[sflag:s9] =	ssyncset.done $0x0  }
0x48: {  	[sflag:s9] =	ssyncadd.s32 $0xFFFFF800  }
0x49: {  	[tilespmem:s12], [sflag:$0x1] =	stream.indirect.gather [hbm4b:s4+s11], $0x80, s3, s11, $0xb8;
	[tilespmem:$0x1DC80] =	vst v63  }
0x4a: {  	s6 =	rddreg [dreg:$0x6]  }
0x4b: {  	[tilespmem:s13], [sflag:$0x2] =	stream.indirect.gather [hbm4b:s4+s11], $0x80, s6, s11, $0xb8;
	[tilespmem:$0x1DC80] =	vst v63  }
0x4c: {  	_ =	swait.ge [sflag:s14], $0x3E80  }
0x4d: {  	[sflag:s14] =	ssyncset.done $0x0  }
0x4e: {  	[sflag:s14] =	ssyncadd.s32 $0xFFFFC180  }
0x4f: {  	[spmem:s2] =	stream.indirect.scatter.add.f32 [tilespmem:s12], [sflag:$0x3], $0x80, s10, s11, $0xb8;
	[tilespmem:$0x1DC80] =	vst v63  }
0x50: {  	_ =	swait.ge [sflag:s15], $0x3E80  }
0x51: {  	[sflag:s15] =	ssyncset.done $0x0  }
0x52: {  	s7 =	rddreg [dreg:$0x7];
	[sflag:s15] =	ssyncadd.s32 $0xFFFFC180  }
0x53: {  	[spmem:s2] =	stream.indirect.scatter.add.f32 [tilespmem:s13], [sflag:$0x4], $0x80, s7, s11, $0xb8;
	[tilespmem:$0x1DC80] =	vst v63  }
0x54: {  	_ =	swait.ge [sflag:s16], $0x3E80  }
0x55: {  	[sflag:s16] =	ssyncset.done $0x0  }
0x56: {  	[sflag:s16] =	ssyncadd.s32 $0xFFFFC180  }
0x57: {  	_ =	swait.ge [sflag:s17], $0x3E80  }
0x58: {  	[sflag:s17] =	ssyncset.done $0x0  }
0x59: {  	s8 =	rddreg [dreg:$0x8];
	[sflag:s17] =	ssyncadd.s32 $0xFFFFC180  }
0x5a: {  	[tilespmem:s12], [sflag:$0x1] =	stream.indirect.gather [hbm4b:s4+s11], $0x80, s8, s11, $0xb8;
	[tilespmem:$0x1DC80] =	vst v63  }
0x5b: {  	s7 =	rddreg [dreg:$0x9]  }
0x5c: {  	[tilespmem:s13], [sflag:$0x2] =	stream.indirect.gather [hbm4b:s4+s11], $0x80, s7, s11, $0xb8;
	[tilespmem:$0x1DC80] =	vst v63  }
0x5d: {  	_ =	swait.ge [sflag:s14], $0x3E80  }
0x5e: {  	[sflag:s14] =	ssyncset.done $0x0  }
0x5f: {  	s6 =	rddreg [dreg:$0xa];
	[sflag:s14] =	ssyncadd.s32 $0xFFFFC180  }
0x60: {  	[spmem:s2] =	stream.indirect.scatter.add.f32 [tilespmem:s12], [sflag:$0x3], $0x80, s6, s11, $0xb8;
	[tilespmem:$0x1DC80] =	vst v63  }
0x61: {  	_ =	swait.ge [sflag:s15], $0x3E80  }
0x62: {  	[sflag:s15] =	ssyncset.done $0x0  }
0x63: {  	s7 =	rddreg [dreg:$0xb];
	[sflag:s15] =	ssyncadd.s32 $0xFFFFC180  }
0x64: {  	[spmem:s2] =	stream.indirect.scatter.add.f32 [tilespmem:s13], [sflag:$0x4], $0x80, s7, s11, $0xb8;
	[tilespmem:$0x1DC80] =	vst v63  }
0x65: {  	_ =	swait.ge [sflag:s16], $0x3E80  }
0x66: {  	[sflag:s16] =	ssyncset.done $0x0  }
0x67: {  	[sflag:s16] =	ssyncadd.s32 $0xFFFFC180  }
0x68: {  	_ =	swait.ge [sflag:s17], $0x3E80  }
0x69: {  	[sflag:s17] =	ssyncset.done $0x0  }
0x6a: {  	s8 =	rddreg [dreg:$0xc];
	[sflag:s17] =	ssyncadd.s32 $0xFFFFC180  }
0x6b: {  	[tilespmem:s12], [sflag:$0x1] =	stream.indirect.gather [hbm4b:s4+s11], $0x80, s8, s11, $0xb8;
	[tilespmem:$0x1DC80] =	vst v63  }
0x6c: {  	s6 =	rddreg [dreg:$0xd]  }
0x6d: {  	[tilespmem:s13], [sflag:$0x2] =	stream.indirect.gather [hbm4b:s4+s11], $0x80, s6, s11, $0xb8;
	[tilespmem:$0x1DC80] =	vst v63  }
0x6e: {  	_ =	swait.ge [sflag:s14], $0x3E80  }
0x6f: {  	[sflag:s14] =	ssyncset.done $0x0  }
0x70: {  	s8 =	rddreg [dreg:$0xe];
	[sflag:s14] =	ssyncadd.s32 $0xFFFFC180  }
0x71: {  	[spmem:s2] =	stream.indirect.scatter.add.f32 [tilespmem:s12], [sflag:$0x3], $0x80, s8, s11, $0xb8;
	[tilespmem:$0x1DC80] =	vst v63  }
0x72: {  	_ =	swait.ge [sflag:s15], $0x3E80  }
0x73: {  	[sflag:s15] =	ssyncset.done $0x0  }
0x74: {  	s6 =	rddreg [dreg:$0xf];
	[sflag:s15] =	ssyncadd.s32 $0xFFFFC180  }
0x75: {  	[spmem:s2] =	stream.indirect.scatter.add.f32 [tilespmem:s13], [sflag:$0x4], $0x80, s6, s11, $0xb8;
	[tilespmem:$0x1DC80] =	vst v63  }
0x76: {  	_ =	swait.ge [sflag:s16], $0x3E80  }
0x77: {  	[sflag:s16] =	ssyncset.done $0x0  }
0x78: {  	[sflag:s16] =	ssyncadd.s32 $0xFFFFC180  }
0x79: {  	_ =	swait.ge [sflag:s17], $0x3E80  }
0x7a: {  	[sflag:s17] =	ssyncset.done $0x0  }
0x7b: {  	s7 =	rddreg [dreg:$0x10];
	[sflag:s17] =	ssyncadd.s32 $0xFFFFC180  }
0x7c: {  	[tilespmem:s12], [sflag:$0x1] =	stream.indirect.gather [hbm4b:s4+s11], $0x80, s7, s11, $0xb8;
	[tilespmem:$0x1DC80] =	vst v63  }
0x7d: {  	s8 =	rddreg [dreg:$0x11]  }
0x7e: {  	[tilespmem:s13], [sflag:$0x2] =	stream.indirect.gather [hbm4b:s4+s11], $0x80, s8, s11, $0xb8;
	[tilespmem:$0x1DC80] =	vst v63  }
0x7f: {  	_ =	swait.ge [sflag:s14], $0x3E80  }
0x80: {  	[sflag:s14] =	ssyncset.done $0x0  }
0x81: {  	s6 =	rddreg [dreg:$0x12];
	[sflag:s14] =	ssyncadd.s32 $0xFFFFC180  }
0x82: {  	[spmem:s2] =	stream.indirect.scatter.add.f32 [tilespmem:s12], [sflag:$0x3], $0x80, s6, s11, $0xb8;
	[tilespmem:$0x1DC80] =	vst v63  }
0x83: {  	_ =	swait.ge [sflag:s15], $0x3E80  }
0x84: {  	[sflag:s15] =	ssyncset.done $0x0  }
0x85: {  	s7 =	rddreg [dreg:$0x13];
	[sflag:s15] =	ssyncadd.s32 $0xFFFFC180  }
0x86: {  	[spmem:s2] =	stream.indirect.scatter.add.f32 [tilespmem:s13], [sflag:$0x4], $0x80, s7, s11, $0xb8;
	[tilespmem:$0x1DC80] =	vst v63  }
0x87: {  	_ =	swait.ge [sflag:s16], $0x3E80  }
0x88: {  	[sflag:s16] =	ssyncset.done $0x0  }
0x89: {  	[sflag:s16] =	ssyncadd.s32 $0xFFFFC180  }
0x8a: {  	_ =	swait.ge [sflag:s17], $0x3E80  }
0x8b: {  	[sflag:s17] =	ssyncset.done $0x0  }
0x8c: {  	s8 =	rddreg [dreg:$0x14];
	[sflag:s17] =	ssyncadd.s32 $0xFFFFC180  }
0x8d: {  	[tilespmem:s12], [sflag:$0x1] =	stream.indirect.gather [hbm4b:s4+s11], $0x80, s8, s11, $0xb8;
	[tilespmem:$0x1DC80] =	vst v63  }
0x8e: {  	_ = 	snop  }
0x8f: {  	[tilespmem:s13], [sflag:$0x2] =	stream.indirect.gather [hbm4b:s4+s11], $0x80, s18, s11, $0xb8;
	[tilespmem:$0x1DC80] =	vst v63  }
0x90: {  	_ =	swait.ge [sflag:s14], $0x3E80  }
0x91: {  	[sflag:s14] =	ssyncset.done $0x0  }
0x92: {  	[sflag:s14] =	ssyncadd.s32 $0xFFFFC180  }
0x93: {  	[spmem:s2] =	stream.indirect.scatter.add.f32 [tilespmem:s12], [sflag:$0x3], $0x80, s19, s11, $0xb8;
	[tilespmem:$0x1DC80] =	vst v63  }
0x94: {  	_ =	swait.ge [sflag:s15], $0x3E80  }
0x95: {  	[sflag:s15] =	ssyncset.done $0x0  }
0x96: {  	[sflag:s15] =	ssyncadd.s32 $0xFFFFC180  }
0x97: {  	[spmem:s2] =	stream.indirect.scatter.add.f32 [tilespmem:s13], [sflag:$0x4], $0x80, s20, s11, $0xb8;
	[tilespmem:$0x1DC80] =	vst v63  }
0x98: {  	_ =	swait.ge [sflag:s16], $0x3E80  }
0x99: {  	[sflag:s16] =	ssyncset.done $0x0  }
0x9a: {  	[sflag:s16] =	ssyncadd.s32 $0xFFFFC180  }
0x9b: {  	_ =	swait.ge [sflag:s17], $0x3E80  }
0x9c: {  	[sflag:s17] =	ssyncset.done $0x0  }
0x9d: {  	[sflag:s17] =	ssyncadd.s32 $0xFFFFC180  }
0x9e: {  	[tilespmem:s12], [sflag:$0x1] =	stream.indirect.gather [hbm4b:s4+s11], $0x80, s21, s11, $0xb8;
	[tilespmem:$0x1DC80] =	vst v63  }
0x9f: {  	_ = 	snop  }
0xa0: {  	[tilespmem:s13], [sflag:$0x2] =	stream.indirect.gather [hbm4b:s4+s11], $0x80, s22, s11, $0xb8;
	[tilespmem:$0x1DC80] =	vst v63  }
0xa1: {  	_ =	swait.ge [sflag:s14], $0x3E80  }
0xa2: {  	[sflag:s14] =	ssyncset.done $0x0  }
0xa3: {  	[sflag:s14] =	ssyncadd.s32 $0xFFFFC180  }
0xa4: {  	[spmem:s2] =	stream.indirect.scatter.add.f32 [tilespmem:s12], [sflag:$0x3], $0x80, s23, s11, $0xb8;
	[tilespmem:$0x1DC80] =	vst v63  }
0xa5: {  	_ =	swait.ge [sflag:s15], $0x3E80  }
0xa6: {  	[sflag:s15] =	ssyncset.done $0x0  }
0xa7: {  	[sflag:s15] =	ssyncadd.s32 $0xFFFFC180  }
0xa8: {  	[spmem:s2] =	stream.indirect.scatter.add.f32 [tilespmem:s13], [sflag:$0x4], $0x80, s24, s11, $0xb8;
	[tilespmem:$0x1DC80] =	vst v63  }
0xa9: {  	_ =	swait.ge [sflag:s16], $0x3E80  }
0xaa: {  	[sflag:s16] =	ssyncset.done $0x0  }
0xab: {  	[sflag:s16] =	ssyncadd.s32 $0xFFFFC180  }
0xac: {  	_ =	swait.ge [sflag:s17], $0x3E80  }
0xad: {  	[sflag:s17] =	ssyncset.done $0x0  }
0xae: {  	[sflag:s17] =	ssyncadd.s32 $0xFFFFC180  }
0xaf: {  	[tilespmem:s12], [sflag:$0x1] =	stream.indirect.gather [hbm4b:s4+s11], $0x80, s25, s11, $0xb8;
	[tilespmem:$0x1DC80] =	vst v63  }
0xb0: {  	_ = 	snop  }
0xb1: {  	[tilespmem:s13], [sflag:$0x2] =	stream.indirect.gather [hbm4b:s4+s11], $0x80, s26, s11, $0xb8;
	[tilespmem:$0x1DC80] =	vst v63  }
0xb2: {  	_ =	swait.ge [sflag:s14], $0x3E80  }
0xb3: {  	[sflag:s14] =	ssyncset.done $0x0  }
0xb4: {  	[sflag:s14] =	ssyncadd.s32 $0xFFFFC180  }
0xb5: {  	[spmem:s2] =	stream.indirect.scatter.add.f32 [tilespmem:s12], [sflag:$0x3], $0x80, s28, s11, $0xb8;
	[tilespmem:$0x1DC80] =	vst v63  }
0xb6: {  	_ =	swait.ge [sflag:s15], $0x3E80  }
0xb7: {  	[sflag:s15] =	ssyncset.done $0x0  }
0xb8: {  	[sflag:s15] =	ssyncadd.s32 $0xFFFFC180  }
0xb9: {  	[spmem:s2] =	stream.indirect.scatter.add.f32 [tilespmem:s13], [sflag:$0x4], $0x80, s29, s11, $0xb8;
	[tilespmem:$0x1DC80] =	vst v63  }
0xba: {  	_ =	swait.ge [sflag:s16], $0x3E80  }
0xbb: {  	[sflag:s16] =	ssyncset.done $0x0  }
0xbc: {  	[sflag:s16] =	ssyncadd.s32 $0xFFFFC180  }
0xbd: {  	_ =	swait.ge [sflag:s17], $0x3E80  }
0xbe: {  	[sflag:s17] =	ssyncset.done $0x0  }
0xbf: {  	[sflag:s17] =	ssyncadd.s32 $0xFFFFC180  }
0xc0: {  	[tilespmem:s12], [sflag:$0x1] =	stream.indirect.gather [hbm4b:s4+s11], $0x80, s30, s11, $0xb8;
	[tilespmem:$0x1DC80] =	vst v63  }
0xc1: {  	_ = 	snop  }
0xc2: {  	[tilespmem:s13], [sflag:$0x2] =	stream.indirect.gather [hbm4b:s4+s11], $0x80, s31, s11, $0xb8;
	[tilespmem:$0x1DC80] =	vst v63  }
0xc3: {  	_ =	swait.ge [sflag:s14], $0x3E80  }
0xc4: {  	[sflag:s14] =	ssyncset.done $0x0  }
0xc5: {  	[sflag:s14] =	ssyncadd.s32 $0xFFFFC180  }
0xc6: {  	[spmem:s2] =	stream.indirect.scatter.add.f32 [tilespmem:s12], [sflag:$0x3], $0x80, s1, s11, $0xb8;
	[tilespmem:$0x1DC80] =	vst v63  }
0xc7: {  	_ =	swait.ge [sflag:s15], $0x3E80  }
0xc8: {  	[sflag:s15] =	ssyncset.done $0x0  }
0xc9: {  	[sflag:s15] =	ssyncadd.s32 $0xFFFFC180  }
0xca: {  	[spmem:s2] =	stream.indirect.scatter.add.f32 [tilespmem:s13], [sflag:$0x4], $0x80, s0, s11, $0xb8;
	[tilespmem:$0x1DC80] =	vst v63  }
0xcb: {  	_ =	swait.ge [sflag:s16], $0x3E80  }
0xcc: {  	[sflag:s16] =	ssyncset.done $0x0  }
0xcd: {  	[sflag:s16] =	ssyncadd.s32 $0xFFFFC180  }
0xce: {  	s5 =	simm.s32 $0x200;
	_ =	swait.ge [sflag:s17], $0x3E80  }
0xcf: {  	s7 =	simm.s32 $0x100;
	s8 =	rddreg [dreg:$0x5];
	[sflag:s17] =	ssyncset.done $0x0  }
.LBB2_8:
0xd0: {  	[sflag:s17] =	ssyncadd.s32 $0xFFFFC180;
	s8 =	sadd.s32 s7, s8  }
0xd1: {  	[tilespmem:s3], [sflag:$0x5] =	stream.linear.gather [hbm4b:s8+s3], $0x800, $0x38;
	[tilespmem:$0x1DC80] =	vst v63  }
0xd2: {  	_ =	swait.ge [sflag:s9], $0x800  }
0xd3: {  	s8 =	rddreg [dreg:$0x4];
	[sflag:s9] =	ssyncset.done $0x0  }
0xd4: {  	[sflag:s9] =	ssyncadd.s32 $0xFFFFF800;
	s8 =	sadd.s32 s7, s8  }
0xd5: {  	[tilespmem:s10], [sflag:$0x5] =	stream.linear.gather [hbm4b:s8+s3], $0x800, $0x38;
	[tilespmem:$0x1DC80] =	vst v63  }
0xd6: {  	_ =	swait.ge [sflag:s9], $0x800  }
0xd7: {  	[sflag:s9] =	ssyncset.done $0x0  }
0xd8: {  	[sflag:s9] =	ssyncadd.s32 $0xFFFFF800  }
0xd9: {  	[tilespmem:s12], [sflag:$0x1] =	stream.indirect.gather [hbm4b:s4+s11], $0x80, s3, s11, $0xb8;
	[tilespmem:$0x1DC80] =	vst v63  }
0xda: {  	s8 =	rddreg [dreg:$0x6]  }
0xdb: {  	[tilespmem:s13], [sflag:$0x2] =	stream.indirect.gather [hbm4b:s4+s11], $0x80, s8, s11, $0xb8;
	[tilespmem:$0x1DC80] =	vst v63  }
0xdc: {  	_ =	swait.ge [sflag:s14], $0x3E80  }
0xdd: {  	[sflag:s14] =	ssyncset.done $0x0  }
0xde: {  	[sflag:s14] =	ssyncadd.s32 $0xFFFFC180  }
0xdf: {  	[spmem:s2] =	stream.indirect.scatter.add.f32 [tilespmem:s12], [sflag:$0x3], $0x80, s10, s11, $0xb8;
	[tilespmem:$0x1DC80] =	vst v63  }
0xe0: {  	_ =	swait.ge [sflag:s15], $0x3E80  }
0xe1: {  	[sflag:s15] =	ssyncset.done $0x0  }
0xe2: {  	s8 =	rddreg [dreg:$0x7];
	[sflag:s15] =	ssyncadd.s32 $0xFFFFC180  }
0xe3: {  	[spmem:s2] =	stream.indirect.scatter.add.f32 [tilespmem:s13], [sflag:$0x4], $0x80, s8, s11, $0xb8;
	[tilespmem:$0x1DC80] =	vst v63  }
0xe4: {  	_ =	swait.ge [sflag:s16], $0x3E80  }
0xe5: {  	[sflag:s16] =	ssyncset.done $0x0  }
0xe6: {  	[sflag:s16] =	ssyncadd.s32 $0xFFFFC180  }
0xe7: {  	_ =	swait.ge [sflag:s17], $0x3E80  }
0xe8: {  	s6 =	smov.u32 s5;
	[sflag:s17] =	ssyncset.done $0x0  }
0xe9: {  	s7 =	smov.u32 s6;
	s6 =	rddreg [dreg:$0x8];
	[sflag:s17] =	ssyncadd.s32 $0xFFFFC180  }
0xea: {  	[tilespmem:s12], [sflag:$0x1] =	stream.indirect.gather [hbm4b:s4+s11], $0x80, s6, s11, $0xb8;
	[tilespmem:$0x1DC80] =	vst v63  }
0xeb: {  	s8 =	rddreg [dreg:$0x9]  }
0xec: {  	[tilespmem:s13], [sflag:$0x2] =	stream.indirect.gather [hbm4b:s4+s11], $0x80, s8, s11, $0xb8;
	[tilespmem:$0x1DC80] =	vst v63  }
0xed: {  	_ =	swait.ge [sflag:s14], $0x3E80  }
0xee: {  	[sflag:s14] =	ssyncset.done $0x0  }
0xef: {  	s8 =	rddreg [dreg:$0xa];
	[sflag:s14] =	ssyncadd.s32 $0xFFFFC180  }
0xf0: {  	[spmem:s2] =	stream.indirect.scatter.add.f32 [tilespmem:s12], [sflag:$0x3], $0x80, s8, s11, $0xb8;
	[tilespmem:$0x1DC80] =	vst v63  }
0xf1: {  	_ =	swait.ge [sflag:s15], $0x3E80  }
0xf2: {  	[sflag:s15] =	ssyncset.done $0x0  }
0xf3: {  	s8 =	rddreg [dreg:$0xb];
	[sflag:s15] =	ssyncadd.s32 $0xFFFFC180  }
0xf4: {  	[spmem:s2] =	stream.indirect.scatter.add.f32 [tilespmem:s13], [sflag:$0x4], $0x80, s8, s11, $0xb8;
	[tilespmem:$0x1DC80] =	vst v63  }
0xf5: {  	_ =	swait.ge [sflag:s16], $0x3E80  }
0xf6: {  	[sflag:s16] =	ssyncset.done $0x0  }
0xf7: {  	[sflag:s16] =	ssyncadd.s32 $0xFFFFC180  }
0xf8: {  	_ =	swait.ge [sflag:s17], $0x3E80  }
0xf9: {  	[sflag:s17] =	ssyncset.done $0x0  }
0xfa: {  	s6 =	rddreg [dreg:$0xc];
	[sflag:s17] =	ssyncadd.s32 $0xFFFFC180  }
0xfb: {  	[tilespmem:s12], [sflag:$0x1] =	stream.indirect.gather [hbm4b:s4+s11], $0x80, s6, s11, $0xb8;
	[tilespmem:$0x1DC80] =	vst v63  }
0xfc: {  	s8 =	rddreg [dreg:$0xd]  }
0xfd: {  	[tilespmem:s13], [sflag:$0x2] =	stream.indirect.gather [hbm4b:s4+s11], $0x80, s8, s11, $0xb8;
	[tilespmem:$0x1DC80] =	vst v63  }
0xfe: {  	_ =	swait.ge [sflag:s14], $0x3E80  }
0xff: {  	[sflag:s14] =	ssyncset.done $0x0  }
0x100: {  	s8 =	rddreg [dreg:$0xe];
	[sflag:s14] =	ssyncadd.s32 $0xFFFFC180  }
0x101: {  	[spmem:s2] =	stream.indirect.scatter.add.f32 [tilespmem:s12], [sflag:$0x3], $0x80, s8, s11, $0xb8;
	[tilespmem:$0x1DC80] =	vst v63  }
0x102: {  	_ =	swait.ge [sflag:s15], $0x3E80  }
0x103: {  	[sflag:s15] =	ssyncset.done $0x0  }
0x104: {  	s8 =	rddreg [dreg:$0xf];
	[sflag:s15] =	ssyncadd.s32 $0xFFFFC180  }
0x105: {  	[spmem:s2] =	stream.indirect.scatter.add.f32 [tilespmem:s13], [sflag:$0x4], $0x80, s8, s11, $0xb8;
	[tilespmem:$0x1DC80] =	vst v63  }
0x106: {  	_ =	swait.ge [sflag:s16], $0x3E80  }
0x107: {  	[sflag:s16] =	ssyncset.done $0x0  }
0x108: {  	[sflag:s16] =	ssyncadd.s32 $0xFFFFC180  }
0x109: {  	_ =	swait.ge [sflag:s17], $0x3E80  }
0x10a: {  	[sflag:s17] =	ssyncset.done $0x0  }
0x10b: {  	s6 =	rddreg [dreg:$0x10];
	[sflag:s17] =	ssyncadd.s32 $0xFFFFC180  }
0x10c: {  	[tilespmem:s12], [sflag:$0x1] =	stream.indirect.gather [hbm4b:s4+s11], $0x80, s6, s11, $0xb8;
	[tilespmem:$0x1DC80] =	vst v63  }
0x10d: {  	s8 =	rddreg [dreg:$0x11]  }
0x10e: {  	[tilespmem:s13], [sflag:$0x2] =	stream.indirect.gather [hbm4b:s4+s11], $0x80, s8, s11, $0xb8;
	[tilespmem:$0x1DC80] =	vst v63  }
0x10f: {  	_ =	swait.ge [sflag:s14], $0x3E80  }
0x110: {  	[sflag:s14] =	ssyncset.done $0x0  }
0x111: {  	s8 =	rddreg [dreg:$0x12];
	[sflag:s14] =	ssyncadd.s32 $0xFFFFC180  }
0x112: {  	[spmem:s2] =	stream.indirect.scatter.add.f32 [tilespmem:s12], [sflag:$0x3], $0x80, s8, s11, $0xb8;
	[tilespmem:$0x1DC80] =	vst v63  }
0x113: {  	_ =	swait.ge [sflag:s15], $0x3E80  }
0x114: {  	[sflag:s15] =	ssyncset.done $0x0  }
0x115: {  	s8 =	rddreg [dreg:$0x13];
	[sflag:s15] =	ssyncadd.s32 $0xFFFFC180  }
0x116: {  	[spmem:s2] =	stream.indirect.scatter.add.f32 [tilespmem:s13], [sflag:$0x4], $0x80, s8, s11, $0xb8;
	[tilespmem:$0x1DC80] =	vst v63  }
0x117: {  	_ =	swait.ge [sflag:s16], $0x3E80  }
0x118: {  	[sflag:s16] =	ssyncset.done $0x0  }
0x119: {  	[sflag:s16] =	ssyncadd.s32 $0xFFFFC180  }
0x11a: {  	_ =	swait.ge [sflag:s17], $0x3E80  }
0x11b: {  	[sflag:s17] =	ssyncset.done $0x0  }
0x11c: {  	s8 =	rddreg [dreg:$0x14];
	[sflag:s17] =	ssyncadd.s32 $0xFFFFC180  }
0x11d: {  	[tilespmem:s12], [sflag:$0x1] =	stream.indirect.gather [hbm4b:s4+s11], $0x80, s8, s11, $0xb8;
	[tilespmem:$0x1DC80] =	vst v63  }
0x11e: {  	_ = 	snop  }
0x11f: {  	[tilespmem:s13], [sflag:$0x2] =	stream.indirect.gather [hbm4b:s4+s11], $0x80, s18, s11, $0xb8;
	[tilespmem:$0x1DC80] =	vst v63  }
0x120: {  	_ =	swait.ge [sflag:s14], $0x3E80  }
0x121: {  	[sflag:s14] =	ssyncset.done $0x0  }
0x122: {  	[sflag:s14] =	ssyncadd.s32 $0xFFFFC180  }
0x123: {  	[spmem:s2] =	stream.indirect.scatter.add.f32 [tilespmem:s12], [sflag:$0x3], $0x80, s19, s11, $0xb8;
	[tilespmem:$0x1DC80] =	vst v63  }
0x124: {  	_ =	swait.ge [sflag:s15], $0x3E80  }
0x125: {  	[sflag:s15] =	ssyncset.done $0x0  }
0x126: {  	[sflag:s15] =	ssyncadd.s32 $0xFFFFC180  }
0x127: {  	[spmem:s2] =	stream.indirect.scatter.add.f32 [tilespmem:s13], [sflag:$0x4], $0x80, s20, s11, $0xb8;
	[tilespmem:$0x1DC80] =	vst v63  }
0x128: {  	_ =	swait.ge [sflag:s16], $0x3E80  }
0x129: {  	[sflag:s16] =	ssyncset.done $0x0  }
0x12a: {  	[sflag:s16] =	ssyncadd.s32 $0xFFFFC180  }
0x12b: {  	_ =	swait.ge [sflag:s17], $0x3E80  }
0x12c: {  	[sflag:s17] =	ssyncset.done $0x0  }
0x12d: {  	[sflag:s17] =	ssyncadd.s32 $0xFFFFC180  }
0x12e: {  	[tilespmem:s12], [sflag:$0x1] =	stream.indirect.gather [hbm4b:s4+s11], $0x80, s21, s11, $0xb8;
	[tilespmem:$0x1DC80] =	vst v63  }
0x12f: {  	_ = 	snop  }
0x130: {  	[tilespmem:s13], [sflag:$0x2] =	stream.indirect.gather [hbm4b:s4+s11], $0x80, s22, s11, $0xb8;
	[tilespmem:$0x1DC80] =	vst v63  }
0x131: {  	_ =	swait.ge [sflag:s14], $0x3E80  }
0x132: {  	[sflag:s14] =	ssyncset.done $0x0  }
0x133: {  	[sflag:s14] =	ssyncadd.s32 $0xFFFFC180  }
0x134: {  	[spmem:s2] =	stream.indirect.scatter.add.f32 [tilespmem:s12], [sflag:$0x3], $0x80, s23, s11, $0xb8;
	[tilespmem:$0x1DC80] =	vst v63  }
0x135: {  	_ =	swait.ge [sflag:s15], $0x3E80  }
0x136: {  	[sflag:s15] =	ssyncset.done $0x0  }
0x137: {  	[sflag:s15] =	ssyncadd.s32 $0xFFFFC180  }
0x138: {  	[spmem:s2] =	stream.indirect.scatter.add.f32 [tilespmem:s13], [sflag:$0x4], $0x80, s24, s11, $0xb8;
	[tilespmem:$0x1DC80] =	vst v63  }
0x139: {  	_ =	swait.ge [sflag:s16], $0x3E80  }
0x13a: {  	[sflag:s16] =	ssyncset.done $0x0  }
0x13b: {  	[sflag:s16] =	ssyncadd.s32 $0xFFFFC180  }
0x13c: {  	_ =	swait.ge [sflag:s17], $0x3E80  }
0x13d: {  	[sflag:s17] =	ssyncset.done $0x0  }
0x13e: {  	[sflag:s17] =	ssyncadd.s32 $0xFFFFC180  }
0x13f: {  	[tilespmem:s12], [sflag:$0x1] =	stream.indirect.gather [hbm4b:s4+s11], $0x80, s25, s11, $0xb8;
	[tilespmem:$0x1DC80] =	vst v63  }
0x140: {  	_ = 	snop  }
0x141: {  	[tilespmem:s13], [sflag:$0x2] =	stream.indirect.gather [hbm4b:s4+s11], $0x80, s26, s11, $0xb8;
	[tilespmem:$0x1DC80] =	vst v63  }
0x142: {  	_ =	swait.ge [sflag:s14], $0x3E80  }
0x143: {  	[sflag:s14] =	ssyncset.done $0x0  }
0x144: {  	[sflag:s14] =	ssyncadd.s32 $0xFFFFC180  }
0x145: {  	[spmem:s2] =	stream.indirect.scatter.add.f32 [tilespmem:s12], [sflag:$0x3], $0x80, s28, s11, $0xb8;
	[tilespmem:$0x1DC80] =	vst v63  }
0x146: {  	_ =	swait.ge [sflag:s15], $0x3E80  }
0x147: {  	[sflag:s15] =	ssyncset.done $0x0  }
0x148: {  	[sflag:s15] =	ssyncadd.s32 $0xFFFFC180  }
0x149: {  	[spmem:s2] =	stream.indirect.scatter.add.f32 [tilespmem:s13], [sflag:$0x4], $0x80, s29, s11, $0xb8;
	[tilespmem:$0x1DC80] =	vst v63  }
0x14a: {  	_ =	swait.ge [sflag:s16], $0x3E80  }
0x14b: {  	[sflag:s16] =	ssyncset.done $0x0  }
0x14c: {  	[sflag:s16] =	ssyncadd.s32 $0xFFFFC180  }
0x14d: {  	_ =	swait.ge [sflag:s17], $0x3E80  }
0x14e: {  	[sflag:s17] =	ssyncset.done $0x0  }
0x14f: {  	[sflag:s17] =	ssyncadd.s32 $0xFFFFC180  }
0x150: {  	[tilespmem:s12], [sflag:$0x1] =	stream.indirect.gather [hbm4b:s4+s11], $0x80, s30, s11, $0xb8;
	[tilespmem:$0x1DC80] =	vst v63  }
0x151: {  	_ = 	snop  }
0x152: {  	[tilespmem:s13], [sflag:$0x2] =	stream.indirect.gather [hbm4b:s4+s11], $0x80, s31, s11, $0xb8;
	[tilespmem:$0x1DC80] =	vst v63  }
0x153: {  	_ =	swait.ge [sflag:s14], $0x3E80  }
0x154: {  	[sflag:s14] =	ssyncset.done $0x0  }
0x155: {  	[sflag:s14] =	ssyncadd.s32 $0xFFFFC180  }
0x156: {  	[spmem:s2] =	stream.indirect.scatter.add.f32 [tilespmem:s12], [sflag:$0x3], $0x80, s1, s11, $0xb8;
	[tilespmem:$0x1DC80] =	vst v63  }
0x157: {  	_ =	swait.ge [sflag:s15], $0x3E80  }
0x158: {  	[sflag:s15] =	ssyncset.done $0x0  }
0x159: {  	p2 =	sne.s32 s5, $0x900;
	[sflag:s15] =	ssyncadd.s32 $0xFFFFC180  }
0x15a: {  	[spmem:s2] =	stream.indirect.scatter.add.f32 [tilespmem:s13], [sflag:$0x4], $0x80, s0, s11, $0xb8;
	[tilespmem:$0x1DC80] =	vst v63  }
.Ltmp3:
0x15b: {  	_ =	swait.ge [sflag:s16], $0x3E80;
	(pc) =	sbr.rel @p2 .LBB2_8-.Ltmp3, $4  }
0x15c: {  	[sflag:s16] =	ssyncset.done $0x0  }
0x15d: {  	[sflag:s16] =	ssyncadd.s32 $0xFFFFC180  }
0x15e: {  	_ =	swait.ge [sflag:s17], $0x3E80  }
0x15f: {  	s5 =	sadd.s32 $0x100, s5;
	s8 =	rddreg [dreg:$0x5];
	[sflag:s17] =	ssyncset.done $0x0  }
0x160: {  	[sflag:s17] =	ssyncadd.s32 $0xFFFFC180;
	s5 =	sadd.s32 s7, s8  }
0x161: {  	[tilespmem:s3], [sflag:$0x5] =	stream.linear.gather [hbm4b:s5+s3], $0x800, $0x38;
	[tilespmem:$0x1DC80] =	vst v63  }
0x162: {  	_ =	swait.ge [sflag:s9], $0x800  }
0x163: {  	s8 =	rddreg [dreg:$0x4];
	[sflag:s9] =	ssyncset.done $0x0  }
0x164: {  	[sflag:s9] =	ssyncadd.s32 $0xFFFFF800;
	s5 =	sadd.s32 s7, s8  }
0x165: {  	[tilespmem:s10], [sflag:$0x5] =	stream.linear.gather [hbm4b:s5+s3], $0x800, $0x38;
	[tilespmem:$0x1DC80] =	vst v63  }
0x166: {  	_ =	swait.ge [sflag:s9], $0x800  }
0x167: {  	[sflag:s9] =	ssyncset.done $0x0  }
0x168: {  	[sflag:s9] =	ssyncadd.s32 $0xFFFFF800  }
0x169: {  	[tilespmem:s12], [sflag:$0x1] =	stream.indirect.gather [hbm4b:s4+s11], $0x80, s3, s11, $0xb8;
	[tilespmem:$0x1DC80] =	vst v63  }
0x16a: {  	s6 =	rddreg [dreg:$0x6]  }
0x16b: {  	[tilespmem:s13], [sflag:$0x2] =	stream.indirect.gather [hbm4b:s4+s11], $0x80, s6, s11, $0xb8;
	[tilespmem:$0x1DC80] =	vst v63  }
0x16c: {  	_ =	swait.ge [sflag:s14], $0x3E80  }
0x16d: {  	[sflag:s14] =	ssyncset.done $0x0  }
0x16e: {  	[sflag:s14] =	ssyncadd.s32 $0xFFFFC180  }
0x16f: {  	[spmem:s2] =	stream.indirect.scatter.add.f32 [tilespmem:s12], [sflag:$0x3], $0x80, s10, s11, $0xb8;
	[tilespmem:$0x1DC80] =	vst v63  }
0x170: {  	_ =	swait.ge [sflag:s15], $0x3E80  }
0x171: {  	[sflag:s15] =	ssyncset.done $0x0  }
0x172: {  	s7 =	rddreg [dreg:$0x7];
	[sflag:s15] =	ssyncadd.s32 $0xFFFFC180  }
0x173: {  	[spmem:s2] =	stream.indirect.scatter.add.f32 [tilespmem:s13], [sflag:$0x4], $0x80, s7, s11, $0xb8;
	[tilespmem:$0x1DC80] =	vst v63  }
0x174: {  	_ =	swait.ge [sflag:s16], $0x3E80  }
0x175: {  	[sflag:s16] =	ssyncset.done $0x0  }
0x176: {  	[sflag:s16] =	ssyncadd.s32 $0xFFFFC180  }
0x177: {  	_ =	swait.ge [sflag:s17], $0x3E80  }
0x178: {  	[sflag:s17] =	ssyncset.done $0x0  }
0x179: {  	s8 =	rddreg [dreg:$0x8];
	[sflag:s17] =	ssyncadd.s32 $0xFFFFC180  }
0x17a: {  	[tilespmem:s12], [sflag:$0x1] =	stream.indirect.gather [hbm4b:s4+s11], $0x80, s8, s11, $0xb8;
	[tilespmem:$0x1DC80] =	vst v63  }
0x17b: {  	s6 =	rddreg [dreg:$0x9]  }
0x17c: {  	[tilespmem:s13], [sflag:$0x2] =	stream.indirect.gather [hbm4b:s4+s11], $0x80, s6, s11, $0xb8;
	[tilespmem:$0x1DC80] =	vst v63  }
0x17d: {  	_ =	swait.ge [sflag:s14], $0x3E80  }
0x17e: {  	[sflag:s14] =	ssyncset.done $0x0  }
0x17f: {  	s7 =	rddreg [dreg:$0xa];
	[sflag:s14] =	ssyncadd.s32 $0xFFFFC180  }
0x180: {  	[spmem:s2] =	stream.indirect.scatter.add.f32 [tilespmem:s12], [sflag:$0x3], $0x80, s7, s11, $0xb8;
	[tilespmem:$0x1DC80] =	vst v63  }
0x181: {  	_ =	swait.ge [sflag:s15], $0x3E80  }
0x182: {  	[sflag:s15] =	ssyncset.done $0x0  }
0x183: {  	s8 =	rddreg [dreg:$0xb];
	[sflag:s15] =	ssyncadd.s32 $0xFFFFC180  }
0x184: {  	[spmem:s2] =	stream.indirect.scatter.add.f32 [tilespmem:s13], [sflag:$0x4], $0x80, s8, s11, $0xb8;
	[tilespmem:$0x1DC80] =	vst v63  }
0x185: {  	_ =	swait.ge [sflag:s16], $0x3E80  }
0x186: {  	[sflag:s16] =	ssyncset.done $0x0  }
0x187: {  	[sflag:s16] =	ssyncadd.s32 $0xFFFFC180  }
0x188: {  	_ =	swait.ge [sflag:s17], $0x3E80  }
0x189: {  	[sflag:s17] =	ssyncset.done $0x0  }
0x18a: {  	s6 =	rddreg [dreg:$0xc];
	[sflag:s17] =	ssyncadd.s32 $0xFFFFC180  }
0x18b: {  	[tilespmem:s12], [sflag:$0x1] =	stream.indirect.gather [hbm4b:s4+s11], $0x80, s6, s11, $0xb8;
	[tilespmem:$0x1DC80] =	vst v63  }
0x18c: {  	s7 =	rddreg [dreg:$0xd]  }
0x18d: {  	[tilespmem:s13], [sflag:$0x2] =	stream.indirect.gather [hbm4b:s4+s11], $0x80, s7, s11, $0xb8;
	[tilespmem:$0x1DC80] =	vst v63  }
0x18e: {  	_ =	swait.ge [sflag:s14], $0x3E80  }
0x18f: {  	[sflag:s14] =	ssyncset.done $0x0  }
0x190: {  	s8 =	rddreg [dreg:$0xe];
	[sflag:s14] =	ssyncadd.s32 $0xFFFFC180  }
0x191: {  	[spmem:s2] =	stream.indirect.scatter.add.f32 [tilespmem:s12], [sflag:$0x3], $0x80, s8, s11, $0xb8;
	[tilespmem:$0x1DC80] =	vst v63  }
0x192: {  	_ =	swait.ge [sflag:s15], $0x3E80  }
0x193: {  	[sflag:s15] =	ssyncset.done $0x0  }
0x194: {  	s6 =	rddreg [dreg:$0xf];
	[sflag:s15] =	ssyncadd.s32 $0xFFFFC180  }
0x195: {  	[spmem:s2] =	stream.indirect.scatter.add.f32 [tilespmem:s13], [sflag:$0x4], $0x80, s6, s11, $0xb8;
	[tilespmem:$0x1DC80] =	vst v63  }
0x196: {  	_ =	swait.ge [sflag:s16], $0x3E80  }
0x197: {  	[sflag:s16] =	ssyncset.done $0x0  }
0x198: {  	[sflag:s16] =	ssyncadd.s32 $0xFFFFC180  }
0x199: {  	_ =	swait.ge [sflag:s17], $0x3E80  }
0x19a: {  	[sflag:s17] =	ssyncset.done $0x0  }
0x19b: {  	s7 =	rddreg [dreg:$0x10];
	[sflag:s17] =	ssyncadd.s32 $0xFFFFC180  }
0x19c: {  	[tilespmem:s12], [sflag:$0x1] =	stream.indirect.gather [hbm4b:s4+s11], $0x80, s7, s11, $0xb8;
	[tilespmem:$0x1DC80] =	vst v63  }
0x19d: {  	s8 =	rddreg [dreg:$0x11]  }
0x19e: {  	[tilespmem:s13], [sflag:$0x2] =	stream.indirect.gather [hbm4b:s4+s11], $0x80, s8, s11, $0xb8;
	[tilespmem:$0x1DC80] =	vst v63  }
0x19f: {  	_ =	swait.ge [sflag:s14], $0x3E80  }
0x1a0: {  	[sflag:s14] =	ssyncset.done $0x0  }
0x1a1: {  	s6 =	rddreg [dreg:$0x12];
	[sflag:s14] =	ssyncadd.s32 $0xFFFFC180  }
0x1a2: {  	[spmem:s2] =	stream.indirect.scatter.add.f32 [tilespmem:s12], [sflag:$0x3], $0x80, s6, s11, $0xb8;
	[tilespmem:$0x1DC80] =	vst v63  }
0x1a3: {  	_ =	swait.ge [sflag:s15], $0x3E80  }
0x1a4: {  	[sflag:s15] =	ssyncset.done $0x0  }
0x1a5: {  	s7 =	rddreg [dreg:$0x13];
	[sflag:s15] =	ssyncadd.s32 $0xFFFFC180  }
0x1a6: {  	[spmem:s2] =	stream.indirect.scatter.add.f32 [tilespmem:s13], [sflag:$0x4], $0x80, s7, s11, $0xb8;
	[tilespmem:$0x1DC80] =	vst v63  }
0x1a7: {  	_ =	swait.ge [sflag:s16], $0x3E80  }
0x1a8: {  	[sflag:s16] =	ssyncset.done $0x0  }
0x1a9: {  	[sflag:s16] =	ssyncadd.s32 $0xFFFFC180  }
0x1aa: {  	_ =	swait.ge [sflag:s17], $0x3E80  }
0x1ab: {  	[sflag:s17] =	ssyncset.done $0x0  }
0x1ac: {  	s8 =	rddreg [dreg:$0x14];
	[sflag:s17] =	ssyncadd.s32 $0xFFFFC180  }
0x1ad: {  	[tilespmem:s12], [sflag:$0x1] =	stream.indirect.gather [hbm4b:s4+s11], $0x80, s8, s11, $0xb8;
	[tilespmem:$0x1DC80] =	vst v63  }
0x1ae: {  	_ = 	snop  }
0x1af: {  	[tilespmem:s13], [sflag:$0x2] =	stream.indirect.gather [hbm4b:s4+s11], $0x80, s18, s11, $0xb8;
	[tilespmem:$0x1DC80] =	vst v63  }
0x1b0: {  	_ =	swait.ge [sflag:s14], $0x3E80  }
0x1b1: {  	[sflag:s14] =	ssyncset.done $0x0  }
0x1b2: {  	[sflag:s14] =	ssyncadd.s32 $0xFFFFC180  }
0x1b3: {  	[spmem:s2] =	stream.indirect.scatter.add.f32 [tilespmem:s12], [sflag:$0x3], $0x80, s19, s11, $0xb8;
	[tilespmem:$0x1DC80] =	vst v63  }
0x1b4: {  	_ =	swait.ge [sflag:s15], $0x3E80  }
0x1b5: {  	[sflag:s15] =	ssyncset.done $0x0  }
0x1b6: {  	[sflag:s15] =	ssyncadd.s32 $0xFFFFC180  }
0x1b7: {  	[spmem:s2] =	stream.indirect.scatter.add.f32 [tilespmem:s13], [sflag:$0x4], $0x80, s20, s11, $0xb8;
	[tilespmem:$0x1DC80] =	vst v63  }
0x1b8: {  	_ =	swait.ge [sflag:s16], $0x3E80  }
0x1b9: {  	[sflag:s16] =	ssyncset.done $0x0  }
0x1ba: {  	[sflag:s16] =	ssyncadd.s32 $0xFFFFC180  }
0x1bb: {  	_ =	swait.ge [sflag:s17], $0x3E80  }
0x1bc: {  	[sflag:s17] =	ssyncset.done $0x0  }
0x1bd: {  	[sflag:s17] =	ssyncadd.s32 $0xFFFFC180  }
0x1be: {  	[tilespmem:s12], [sflag:$0x1] =	stream.indirect.gather [hbm4b:s4+s11], $0x80, s21, s11, $0xb8;
	[tilespmem:$0x1DC80] =	vst v63  }
0x1bf: {  	_ = 	snop  }
0x1c0: {  	[tilespmem:s13], [sflag:$0x2] =	stream.indirect.gather [hbm4b:s4+s11], $0x80, s22, s11, $0xb8;
	[tilespmem:$0x1DC80] =	vst v63  }
0x1c1: {  	_ =	swait.ge [sflag:s14], $0x3E80  }
0x1c2: {  	[sflag:s14] =	ssyncset.done $0x0  }
0x1c3: {  	[sflag:s14] =	ssyncadd.s32 $0xFFFFC180  }
0x1c4: {  	[spmem:s2] =	stream.indirect.scatter.add.f32 [tilespmem:s12], [sflag:$0x3], $0x80, s23, s11, $0xb8;
	[tilespmem:$0x1DC80] =	vst v63  }
0x1c5: {  	_ =	swait.ge [sflag:s15], $0x3E80  }
0x1c6: {  	[sflag:s15] =	ssyncset.done $0x0  }
0x1c7: {  	[sflag:s15] =	ssyncadd.s32 $0xFFFFC180  }
0x1c8: {  	[spmem:s2] =	stream.indirect.scatter.add.f32 [tilespmem:s13], [sflag:$0x4], $0x80, s24, s11, $0xb8;
	[tilespmem:$0x1DC80] =	vst v63  }
0x1c9: {  	_ =	swait.ge [sflag:s16], $0x3E80  }
0x1ca: {  	[sflag:s16] =	ssyncset.done $0x0  }
0x1cb: {  	[sflag:s16] =	ssyncadd.s32 $0xFFFFC180  }
0x1cc: {  	_ =	swait.ge [sflag:s17], $0x3E80  }
0x1cd: {  	[sflag:s17] =	ssyncset.done $0x0  }
0x1ce: {  	[sflag:s17] =	ssyncadd.s32 $0xFFFFC180  }
0x1cf: {  	[tilespmem:s12], [sflag:$0x1] =	stream.indirect.gather [hbm4b:s4+s11], $0x80, s25, s11, $0xb8;
	[tilespmem:$0x1DC80] =	vst v63  }
0x1d0: {  	_ = 	snop  }
0x1d1: {  	[tilespmem:s13], [sflag:$0x2] =	stream.indirect.gather [hbm4b:s4+s11], $0x80, s26, s11, $0xb8;
	[tilespmem:$0x1DC80] =	vst v63  }
0x1d2: {  	_ =	swait.ge [sflag:s14], $0x3E80  }
0x1d3: {  	[sflag:s14] =	ssyncset.done $0x0  }
0x1d4: {  	[sflag:s14] =	ssyncadd.s32 $0xFFFFC180  }
0x1d5: {  	[spmem:s2] =	stream.indirect.scatter.add.f32 [tilespmem:s12], [sflag:$0x3], $0x80, s28, s11, $0xb8;
	[tilespmem:$0x1DC80] =	vst v63  }
0x1d6: {  	_ =	swait.ge [sflag:s15], $0x3E80  }
0x1d7: {  	[sflag:s15] =	ssyncset.done $0x0  }
0x1d8: {  	[sflag:s15] =	ssyncadd.s32 $0xFFFFC180  }
0x1d9: {  	[spmem:s2] =	stream.indirect.scatter.add.f32 [tilespmem:s13], [sflag:$0x4], $0x80, s29, s11, $0xb8;
	[tilespmem:$0x1DC80] =	vst v63  }
0x1da: {  	_ =	swait.ge [sflag:s16], $0x3E80  }
0x1db: {  	[sflag:s16] =	ssyncset.done $0x0  }
0x1dc: {  	[sflag:s16] =	ssyncadd.s32 $0xFFFFC180  }
0x1dd: {  	_ =	swait.ge [sflag:s17], $0x3E80  }
0x1de: {  	[sflag:s17] =	ssyncset.done $0x0  }
0x1df: {  	[sflag:s17] =	ssyncadd.s32 $0xFFFFC180  }
0x1e0: {  	[tilespmem:s12], [sflag:$0x1] =	stream.indirect.gather [hbm4b:s4+s11], $0x80, s30, s11, $0xb8;
	[tilespmem:$0x1DC80] =	vst v63  }
0x1e1: {  	_ = 	snop  }
0x1e2: {  	[tilespmem:s13], [sflag:$0x2] =	stream.indirect.gather [hbm4b:s4+s11], $0x80, s31, s11, $0xb8;
	[tilespmem:$0x1DC80] =	vst v63  }
0x1e3: {  	_ =	swait.ge [sflag:s14], $0x3E80  }
0x1e4: {  	[sflag:s14] =	ssyncset.done $0x0  }
0x1e5: {  	[sflag:s14] =	ssyncadd.s32 $0xFFFFC180  }
0x1e6: {  	[spmem:s2] =	stream.indirect.scatter.add.f32 [tilespmem:s12], [sflag:$0x3], $0x80, s1, s11, $0xb8;
	[tilespmem:$0x1DC80] =	vst v63  }
0x1e7: {  	_ =	swait.ge [sflag:s15], $0x3E80  }
0x1e8: {  	[sflag:s15] =	ssyncset.done $0x0  }
0x1e9: {  	[sflag:s15] =	ssyncadd.s32 $0xFFFFC180  }
0x1ea: {  	[spmem:s2] =	stream.indirect.scatter.add.f32 [tilespmem:s13], [sflag:$0x4], $0x80, s0, s11, $0xb8;
	[tilespmem:$0x1DC80] =	vst v63  }
0x1eb: {  	_ =	swait.ge [sflag:s16], $0x3E80  }
0x1ec: {  	[sflag:s16] =	ssyncset.done $0x0  }
0x1ed: {  	[sflag:s16] =	ssyncadd.s32 $0xFFFFC180  }
0x1ee: {  	_ =	swait.ge [sflag:s17], $0x3E80  }
0x1ef: {  	[sflag:s17] =	ssyncset.done $0x0  }
0x1f0: {  	[sflag:s17] =	ssyncadd.s32 $0xFFFFC180  }
0x1f1: {  	s5 =	stileid.u32;
	[bflag:$0x0] =	sbarrier.arrive $0xFFFF  }
0x1f2: {  	s5 =	sshll.u32 @!p1 s5, $0x6;
	s8 =	rddreg [dreg:$0x16]  }
0x1f3: {  	s5 =	sor.u32 @!p1 $0x1C05, s5;
	s7 =	rddreg [dreg:$0x15];
	s6 =	sshrl.u32 @!p1 s8, $0x3  }
0x1f4: {  	[hbm:s7], [sflag:s5] =	dma.local @!p1 [spmem:s6], $0x3E80  }
0x1f5: {  	s5 =	simm.s32 @!p1 $0x5  }
0x1f6: {  	_ =	swait.ge @!p1 [sflag:s5], $0x3E80  }
0x1f7: {  	s6 =	rddreg [dreg:$0x18]  }
0x1f8: {  	s7 =	sadd.s32 $0x1, s6;
	s6 =	rddreg [dreg:$0x17]  }
0x1f9: {  	p2 =	sne.s32 s7, s6  }
.Ltmp4:
0x1fa: {  	_ = 	snop;
	(pc) =	sbr.rel @p2 .LBB2_1-.Ltmp4, $3  }
0x1fb: {  	_ =	sdelay $0x1  }
0x1fc: {  	[sflag:s5] =	ssyncset.done @!p1 $0x0  }
0x1fd: {  	[sflag:s5] =	ssyncadd.s32 @!p1 $0xFFFFC180;
	s6 =	simm.s32 $0x9000  }
0x1fe: {  	_ =	sfence.sel $0x180000  }
0x1ff: {  	[bflag:$0x0] =	sbarrier.arrive $0xFFFF  }
0x200: {  	_ =	strace $0x9000004D  }
0x201: {  	s0 =	stileid.u32;
	[bflag:$0x2] =	sbarrier.arrive $0xFFFF  }
0x202: {  	p0 =	sne.s32 s0, $0x0;
	s0 =	rddreg [dreg:$0x3]  }
0x203: {  	s0 =	sadd.s32 @!p0 $0x100000, s0  }
0x204: {  	[sflag:s0] =	ssyncadd.tile.s32 @!p0 $0x1;
	_ =	shalt  }
.Lfunc_end2:
_tile_overlayer_lowered:
.L_overlay_start_2:
0x205: {  	(tag) =	ssettag $0x2  }
0x206: {  	s0 =	rddreg [dreg:$0x0];
	s2 =	stileid.u32  }
0x207: {  	s1 =	rddreg [dreg:$0x1];
	p0 =	sne.s32 s2, $0x0  }
0x208: {  	s3 =	rddreg [dreg:$0x2];
	[bflag:$0x3] =	sbarrier.arrive $0xFFFF;
	s2 =	simm.s32 @!p0 $0x1C05  }
0x209: {  	[timem:s3], [sflag:s2] =	dma.local @!p0 [hbm:s0], s1  }
0x20a: {  	s0 =	simm.s32 @!p0 $0x5  }
0x20b: {  	_ =	swait.ge @!p0 [sflag:s0], s1  }
0x20c: {  	s1 =	ssub.s32 @!p0 $0x0, s1;
	[sflag:s0] =	ssyncset.done @!p0 $0x0  }
0x20d: {  	[sflag:s0] =	ssyncadd.s32 @!p0 s1  }
0x20e: {  	[bflag:$0x3] =	sbarrier.arrive $0xFFFF  }
0x20f: {  	_ =	shalt  }

</sc_bundles>
